<compile_context>
chip_gen: v7x
topology: tpu7x:2x2x1
jax: 0.10.2.dev20260603
libtpu: 0.0.44.dev20260713+nightly
codegen_flags: <defaults>
</compile_context>

<pallas_src>
import functools

import jax
import jax.numpy as jnp
from jax import lax
from jax.experimental import pallas as pl
from jax.experimental.pallas import tpu as pltpu
from jax.experimental.pallas import tpu_sc as plsc

N_NODES = 10000
N_EDGES = 320000
D_FEAT = 128
D_EDGE = 16
H_DIM = 5
E_DIM = 4
HID = 40
L_EC = 3
ALPHA = 0.5
HP = 8
PK = 16
EP = N_EDGES // PK
NP_ = N_NODES // PK

NC, NS = 2, 16
NW = NC * NS
EPW = N_EDGES // NW


@functools.lru_cache(maxsize=1)
def _build_sc_kernels():
    mesh = plsc.VectorSubcoreMesh(
        core_axis_name="c", subcore_axis_name="s",
        num_cores=NC, num_subcores=NS)

    CH = EPW // 2

    @functools.partial(
        pl.kernel,
        out_type=(jax.ShapeDtypeStruct((N_EDGES, HP), jnp.float32),
                  jax.ShapeDtypeStruct((N_EDGES, HP), jnp.float32)),
        mesh=mesh,
        scratch_types=[pltpu.VMEM((2, CH), jnp.int32),
                       pltpu.VMEM((2, CH, HP), jnp.float32),
                       pltpu.SemaphoreType.DMA,
                       pltpu.SemaphoreType.DMA],
        compiler_params=pltpu.CompilerParams(use_tc_tiling_on_sc=False),
    )
    def sc_gather(h_hbm, ei_hbm, hd_hbm, hs_hbm, idx_v, rows_v, sem0, sem1):
        wid = lax.axis_index("s") * NC + lax.axis_index("c")
        base = wid * EPW
        h8, hd8, hs8 = h_hbm, hd_hbm, hs_hbm
        sems = (sem0, sem1)
        tasks = [(1, 0, hd8), (1, 1, hd8), (0, 0, hs8), (0, 1, hs8)]
        copies = []
        for t, (row, c, _) in enumerate(tasks):
            s = t % 2
            pltpu.sync_copy(ei_hbm.at[row, pl.ds(base + c * CH, CH)],
                            idx_v.at[s])
            copies.append(
                pltpu.async_copy(h8.at[idx_v.at[s]], rows_v.at[s],
                                 sems[s]))
            if t > 0:
                prow, pc, pout = tasks[t - 1]
                copies[t - 1].wait()
                pltpu.sync_copy(rows_v.at[(t - 1) % 2],
                                pout.at[pl.ds(base + pc * CH, CH)])
        copies[3].wait()
        pltpu.sync_copy(rows_v.at[1], hs8.at[pl.ds(base + CH, CH)])

    @functools.partial(
        pl.kernel,
        out_type=jax.ShapeDtypeStruct((NC, N_NODES, HP), jnp.float32),
        mesh=mesh,
        scratch_types=[pltpu.VMEM((EPW,), jnp.int32),
                       pltpu.VMEM((EPW, HP), jnp.float32),
                       pltpu.VMEM_SHARED((N_NODES, HP), jnp.float32)],
        compiler_params=pltpu.CompilerParams(use_tc_tiling_on_sc=False),
    )
    def sc_scatter(et_hbm, ei_hbm, zeros_hbm, agg_hbm, idx_v, rows_v,
                   shared):
        cid = lax.axis_index("c")
        sid = lax.axis_index("s")
        wid = sid * NC + cid
        base = wid * EPW

        @pl.when(sid == 0)
        def _():
            pltpu.sync_copy(zeros_hbm, shared)

        plsc.subcore_barrier()
        pltpu.sync_copy(ei_hbm.at[1, pl.ds(base, EPW)], idx_v)
        pltpu.sync_copy(et_hbm.at[pl.ds(base, EPW)], rows_v)
        pltpu.sync_copy(rows_v, shared.at[idx_v], add=True)
        plsc.subcore_barrier()
        rps = N_NODES // NS
        pltpu.sync_copy(shared.at[pl.ds(sid * rps, rps)],
                        agg_hbm.at[cid, pl.ds(sid * rps, rps)])

    return sc_gather, sc_scatter


def _sc_gather(h_p, ei):
    hd, hs = _build_sc_kernels()[0](h_p.reshape(N_NODES, HP), ei)
    return hd.reshape(EP, PK * HP), hs.reshape(EP, PK * HP)


def _sc_scatter(et_p, ei, zeros_n):
    agg2 = _build_sc_kernels()[1](et_p.reshape(N_EDGES, HP), ei, zeros_n)
    return agg2.reshape(NC, NP_, PK * HP)



def _mm(a, b):
    return jax.lax.dot_general(
        a, b, (((1,), (0,)), ((), ())),
        preferred_element_type=jnp.float32)


def _ne_body(x_ref, w0_ref, w1_ref, o_ref):
    h = jnp.maximum(x_ref[...] @ w0_ref[...], 0.0)
    o_ref[...] = jnp.maximum(h @ w1_ref[...], 0.0)


def _ee_body(a_ref, w0_ref, w1_ref, o_ref):
    h = jnp.maximum(_mm(a_ref[...], w0_ref[...]), 0.0)
    o_ref[...] = jnp.maximum(_mm(h, w1_ref[...]), 0.0)


def _rel_body(hd_ref, hs_ref, ea_ref, w0_ref, b0_ref, w1_ref, b1_ref,
              w2_ref, b2_ref, et_ref, ean_ref):
    z = (_mm(hd_ref[...], w0_ref[0:128]) + _mm(hs_ref[...], w0_ref[128:256])
         + _mm(ea_ref[...], w0_ref[256:384]) + b0_ref[...])
    z = jnp.maximum(z, 0.0)
    z = jnp.maximum(_mm(z, w1_ref[...]) + b1_ref[...], 0.0)
    et = _mm(z, w2_ref[...]) + b2_ref[...]
    et_ref[...] = et
    ean_ref[...] = ALPHA * ea_ref[...] + (1.0 - ALPHA) * et


def _obj_body(h_ref, a0_ref, a1_ref, w0_ref, b0_ref, w1_ref, b1_ref,
              w2_ref, b2_ref, ho_ref):
    agg = a0_ref[...] + a1_ref[...]
    z = jnp.maximum(_mm(h_ref[...], w0_ref[0:128]) + _mm(agg, w0_ref[128:256])
                    + b0_ref[...], 0.0)
    z = jnp.maximum(_mm(z, w1_ref[...]) + b1_ref[...], 0.0)
    hn = _mm(z, w2_ref[...]) + b2_ref[...]
    ho_ref[...] = ALPHA * h_ref[...] + (1.0 - ALPHA) * hn


def _fin_body(e0_ref, e1_ref, e2_ref, e3_ref, w0_ref, b0_ref, w1_ref, b1_ref,
              w2_ref, b2_ref, o_ref):
    z = (_mm(e0_ref[...], w0_ref[0:128]) + _mm(e1_ref[...], w0_ref[128:256])
         + _mm(e2_ref[...], w0_ref[256:384])
         + _mm(e3_ref[...], w0_ref[384:512]) + b0_ref[...])
    z = jnp.maximum(z, 0.0)
    z = jnp.maximum(_mm(z, w1_ref[...]) + b1_ref[...], 0.0)
    o_ref[...] = jax.nn.sigmoid(_mm(z, w2_ref[...]) + b2_ref[...])


def _full(shape):
    return pl.BlockSpec(shape, lambda i: (0,) * len(shape))


def _rows(bs, w):
    return pl.BlockSpec((bs, w), lambda i: (i, 0))


BN = 2000
BPN = 625
BPE = 2000
BP8 = 4000


def _bd(w, k):
    return jnp.kron(jnp.eye(k, dtype=w.dtype), w)


def _padc(w, cols):
    return jnp.zeros((w.shape[0], cols), w.dtype).at[:, :w.shape[1]].set(w)


def _padr(w, rows):
    return jnp.zeros((rows, w.shape[1]), w.dtype).at[:w.shape[0], :].set(w)


def kernel(x, edge_index, edge_attr, ne_w0, ne_w1, ee_w0, ee_w1,
           rel_w0, rel_b0, rel_w1, rel_b1, rel_w2, rel_b2,
           obj_w0, obj_b0, obj_w1, obj_b1, obj_w2, obj_b2,
           w_w0, w_b0, w_w1, w_b1, w_w2, w_b2):
    f32 = jnp.float32
    ei = edge_index.astype(jnp.int32)

    ne_w1p = _padc(ne_w1, HP)
    ee_w0b = _bd(ee_w0, HP)
    ee_w1b = _bd(_padc(ee_w1, HP), HP)

    def tile(b):
        return jnp.tile(b, PK)[None]

    rel_w0b, rel_w1b, rel_w2b = [], [], []
    rel_b0t, rel_b1t, rel_b2t = [], [], []
    for l in range(L_EC):
        wd = _padr(rel_w0[l][0:H_DIM], HP)
        ws = _padr(rel_w0[l][H_DIM:2 * H_DIM], HP)
        we = _padr(rel_w0[l][2 * H_DIM:], HP)
        rel_w0b.append(jnp.concatenate(
            [_bd(wd, PK), _bd(ws, PK), _bd(we, PK)], axis=0))
        rel_w1b.append(_bd(rel_w1[l], PK))
        rel_w2b.append(_bd(_padc(rel_w2[l], HP), PK))
        rel_b0t.append(tile(rel_b0[l]))
        rel_b1t.append(tile(rel_b1[l]))
        rel_b2t.append(tile(jnp.concatenate(
            [rel_b2[l], jnp.zeros((HP - E_DIM,), f32)])))

    obj_w0b, obj_w1b, obj_w2b = [], [], []
    obj_b0t, obj_b1t, obj_b2t = [], [], []
    for l in range(L_EC):
        wh = _padr(obj_w0[l][0:H_DIM], HP)
        wa = _padr(obj_w0[l][H_DIM:], HP)
        obj_w0b.append(jnp.concatenate(
            [_bd(wh, PK), _bd(wa, PK)], axis=0))
        obj_w1b.append(_bd(obj_w1[l], PK))
        obj_w2b.append(_bd(_padc(obj_w2[l], HP), PK))
        obj_b0t.append(tile(obj_b0[l]))
        obj_b1t.append(tile(obj_b1[l]))
        obj_b2t.append(tile(jnp.concatenate(
            [obj_b2[l], jnp.zeros((HP - H_DIM,), f32)])))

    w_w0b = jnp.concatenate(
        [_bd(_padr(w_w0[k * E_DIM:(k + 1) * E_DIM], HP), PK)
         for k in range(L_EC + 1)], axis=0)
    w_w1b = _bd(w_w1, PK)
    w_w2b = _bd(w_w2, PK)
    w_b0t = tile(w_b0)
    w_b1t = tile(w_b1)
    w_b2t = tile(w_b2)
    zeros_n = jnp.zeros((N_NODES, HP), f32)

    h_p = pl.pallas_call(
        _ne_body,
        grid=(N_NODES // BN,),
        in_specs=[_rows(BN, D_FEAT), _full((D_FEAT, HID)), _full((HID, HP))],
        out_specs=_rows(BN, HP),
        out_shape=jax.ShapeDtypeStruct((N_NODES, HP), f32),
    )(x, ne_w0, ne_w1p).reshape(NP_, PK * HP)

    ea_p = pl.pallas_call(
        _ee_body,
        grid=(N_EDGES // HP // BP8,),
        in_specs=[_rows(BP8, HP * D_EDGE), _full((HP * D_EDGE, HP * HID)),
                  _full((HP * HID, HP * HP))],
        out_specs=_rows(BP8, HP * HP),
        out_shape=jax.ShapeDtypeStruct((N_EDGES // HP, HP * HP), f32),
    )(edge_attr.reshape(N_EDGES // HP, HP * D_EDGE), ee_w0b,
      ee_w1b).reshape(EP, PK * HP)

    eas = [ea_p]
    for l in range(L_EC):
        hd, hs = _sc_gather(h_p, ei)
        et_p, ea_p = pl.pallas_call(
            _rel_body,
            grid=(EP // BPE,),
            in_specs=[_rows(BPE, PK * HP)] * 3 +
                     [_full((3 * PK * HP, PK * HID)), _full((1, PK * HID)),
                      _full((PK * HID, PK * HID)), _full((1, PK * HID)),
                      _full((PK * HID, PK * HP)), _full((1, PK * HP))],
            out_specs=(_rows(BPE, PK * HP), _rows(BPE, PK * HP)),
            out_shape=(jax.ShapeDtypeStruct((EP, PK * HP), f32),
                       jax.ShapeDtypeStruct((EP, PK * HP), f32)),
        )(hd, hs, eas[-1], rel_w0b[l], rel_b0t[l], rel_w1b[l], rel_b1t[l],
          rel_w2b[l], rel_b2t[l])

        agg2 = _sc_scatter(et_p, ei, zeros_n)

        h_p = pl.pallas_call(
            _obj_body,
            grid=(NP_ // BPN,),
            in_specs=[_rows(BPN, PK * HP), _rows(BPN, PK * HP),
                      _rows(BPN, PK * HP),
                      _full((2 * PK * HP, PK * HID)), _full((1, PK * HID)),
                      _full((PK * HID, PK * HID)), _full((1, PK * HID)),
                      _full((PK * HID, PK * HP)), _full((1, PK * HP))],
            out_specs=_rows(BPN, PK * HP),
            out_shape=jax.ShapeDtypeStruct((NP_, PK * HP), f32),
        )(h_p, agg2[0], agg2[1], obj_w0b[l], obj_b0t[l], obj_w1b[l],
          obj_b1t[l], obj_w2b[l], obj_b2t[l])
        eas.append(ea_p)

    out = pl.pallas_call(
        _fin_body,
        grid=(EP // BPE,),
        in_specs=[_rows(BPE, PK * HP)] * 4 +
                 [_full((4 * PK * HP, PK * HID)), _full((1, PK * HID)),
                  _full((PK * HID, PK * HID)), _full((1, PK * HID)),
                  _full((PK * HID, PK)), _full((1, PK))],
        out_specs=_rows(BPE, PK),
        out_shape=jax.ShapeDtypeStruct((EP, PK), f32),
    )(eas[0], eas[1], eas[2], eas[3], w_w0b, w_b0t, w_w1b, w_b1t,
      w_w2b, w_b2t)
    return out.reshape(N_EDGES, 1)

# --- scband reference (transcript-rebuilt; emitter-appended) ---
"""Pipeline reference for scband-ecfor-graph-tcn-8675833938196 (READ-ONLY COPY).

The authoritative reference and input builder live on the scoring server;
editing this copy changes nothing except your own understanding.
"""

import jax, jax.numpy as jnp
import numpy as np

N_NODES = 10000
N_EDGES = 320000
D_FEAT = 128
D_EDGE = 16
H_DIM = 5
E_DIM = 4
HID = 40
L_EC = 3
ALPHA = 0.5


def _mlp2(x, w0, w1):
    # MLP with L=2 linear layers, bias=False: Lin -> ReLU -> Lin
    return jax.nn.relu(x @ w0) @ w1


def _mlp3(x, w0, b0, w1, b1, w2, b2):
    # MLP with L=3 linear layers, bias=True: Lin -> ReLU -> Lin -> ReLU -> Lin
    h = jax.nn.relu(x @ w0 + b0)
    h = jax.nn.relu(h @ w1 + b1)
    return h @ w2 + b2


def setup_inputs(seed: int = 0) -> dict:
    key = jax.random.key(seed)
    ks = jax.random.split(key, 32)
    s = 0.1
    inp = {}
    inp["x"] = jax.random.normal(ks[0], (N_NODES, D_FEAT), dtype=jnp.float32)
    inp["edge_index"] = jax.random.randint(ks[1], (2, N_EDGES), 0, N_NODES, dtype=jnp.int64 if jax.config.jax_enable_x64 else jnp.int32)
    inp["edge_attr"] = jax.random.normal(ks[2], (N_EDGES, D_EDGE), dtype=jnp.float32)
    # node encoder MLP(128 -> 40 -> 5), bias=False
    inp["ne_w0"] = jax.random.normal(ks[3], (D_FEAT, HID), dtype=jnp.float32) * s
    inp["ne_w1"] = jax.random.normal(ks[4], (HID, H_DIM), dtype=jnp.float32) * s
    # edge encoder MLP(16 -> 40 -> 4), bias=False
    inp["ee_w0"] = jax.random.normal(ks[5], (D_EDGE, HID), dtype=jnp.float32) * s
    inp["ee_w1"] = jax.random.normal(ks[6], (HID, E_DIM), dtype=jnp.float32) * s
    # stacked interaction network params (L_ec layers)
    rel_in = 2 * H_DIM + E_DIM  # 14
    obj_in = H_DIM + E_DIM      # 9
    inp["rel_w0"] = jax.random.normal(ks[7], (L_EC, rel_in, HID), dtype=jnp.float32) * s
    inp["rel_b0"] = jnp.zeros((L_EC, HID), dtype=jnp.float32)
    inp["rel_w1"] = jax.random.normal(ks[8], (L_EC, HID, HID), dtype=jnp.float32) * s
    inp["rel_b1"] = jnp.zeros((L_EC, HID), dtype=jnp.float32)
    inp["rel_w2"] = jax.random.normal(ks[9], (L_EC, HID, E_DIM), dtype=jnp.float32) * s
    inp["rel_b2"] = jnp.zeros((L_EC, E_DIM), dtype=jnp.float32)
    inp["obj_w0"] = jax.random.normal(ks[10], (L_EC, obj_in, HID), dtype=jnp.float32) * s
    inp["obj_b0"] = jnp.zeros((L_EC, HID), dtype=jnp.float32)
    inp["obj_w1"] = jax.random.normal(ks[11], (L_EC, HID, HID), dtype=jnp.float32) * s
    inp["obj_b1"] = jnp.zeros((L_EC, HID), dtype=jnp.float32)
    inp["obj_w2"] = jax.random.normal(ks[12], (L_EC, HID, H_DIM), dtype=jnp.float32) * s
    inp["obj_b2"] = jnp.zeros((L_EC, H_DIM), dtype=jnp.float32)
    # final edge classifier W: MLP(e_dim + e_dim*L_ec = 16 -> 40 -> 40 -> 1)
    w_in = E_DIM * (L_EC + 1)
    inp["w_w0"] = jax.random.normal(ks[13], (w_in, HID), dtype=jnp.float32) * s
    inp["w_b0"] = jnp.zeros((HID,), dtype=jnp.float32)
    inp["w_w1"] = jax.random.normal(ks[14], (HID, HID), dtype=jnp.float32) * s
    inp["w_b1"] = jnp.zeros((HID,), dtype=jnp.float32)
    inp["w_w2"] = jax.random.normal(ks[15], (HID, 1), dtype=jnp.float32) * s
    inp["w_b2"] = jnp.zeros((1,), dtype=jnp.float32)
    return inp


def reference(x, edge_index, edge_attr, ne_w0, ne_w1, ee_w0, ee_w1,
              rel_w0, rel_b0, rel_w1, rel_b1, rel_w2, rel_b2,
              obj_w0, obj_b0, obj_w1, obj_b1, obj_w2, obj_b2,
              w_w0, w_b0, w_w1, w_b1, w_w2, w_b2):
    src = edge_index[0]
    dst = edge_index[1]
    n = x.shape[0]
    # encoders + relu
    h = jax.nn.relu(_mlp2(x, ne_w0, ne_w1))
    ea = jax.nn.relu(_mlp2(edge_attr, ee_w0, ee_w1))
    edge_attrs = [ea]
    for l in range(L_EC):
        # interaction network layer (flow source_to_target: x_i = x[dst], x_j = x[src])
        m = jnp.concatenate([h[dst], h[src], ea], axis=1)
        e_tilde = _mlp3(m, rel_w0[l], rel_b0[l], rel_w1[l], rel_b1[l], rel_w2[l], rel_b2[l])
        agg = jax.ops.segment_sum(e_tilde, dst, num_segments=n)
        h_new = _mlp3(jnp.concatenate([h, agg], axis=1), obj_w0[l], obj_b0[l], obj_w1[l], obj_b1[l], obj_w2[l], obj_b2[l])
        # residual connections with strength alpha
        h = ALPHA * h + (1.0 - ALPHA) * h_new
        ea = ALPHA * ea + (1.0 - ALPHA) * e_tilde
        edge_attrs.append(ea)
    cat = jnp.concatenate(edge_attrs, axis=1)
    edge_weights = jax.nn.sigmoid(_mlp3(cat, w_w0, w_b0, w_w1, w_b1, w_w2, w_b2))
    return edge_weights


if False:  # reference __main__ guard neutralized (emitter)
    out = reference(**setup_inputs())
    print(out.shape, out.dtype)

if __name__ == "__main__":
    import jax
    _d = setup_inputs()
    print(jax.jit(kernel)(*tuple(_d.values())))

</pallas_src>

<mosaic_0001>
#map = affine_map<(d0, d1) -> (0, 0)>
#map1 = affine_map<(d0, d1) -> (0, 0, 0)>
module attributes {stable_mosaic.version = 14 : i64} {
  func.func @sc_scatter(%arg0: i32, %arg1: i32, %arg2: memref<320000x8xf32, #tpu.memory_space<hbm>>, %arg3: memref<2x320000xi32, #tpu.memory_space<hbm>>, %arg4: memref<10000x8xf32, #tpu.memory_space<hbm>>, %arg5: memref<2x10000x8xf32, #tpu.memory_space<hbm>>, %arg6: memref<10000xi32, #tpu.memory_space<vmem>>, %arg7: memref<10000x8xf32, #tpu.memory_space<vmem>>, %arg8: memref<10000x8xf32, #tpu.memory_space<vmem_shared>>) attributes {dimension_semantics = [#tpu.dimension_semantics<core_parallel>, #tpu.dimension_semantics<subcore_parallel>], iteration_bounds = array<i64: 2, 16>, scalar_prefetch = 0 : i64, scratch_operands = 3 : i64, tpu.core_type = #tpu.core_type<sc_vector_subcore>, window_params = [{transform_indices = #map}, {transform_indices = #map}, {transform_indices = #map}, {transform_indices = #map1}]} {
    %mul3A = arith.constant 2 : i32
    %mul3A_0 = arith.muli %arg1, %mul3A : i32
    %add3A = arith.addi %mul3A_0, %arg0 : i32
    %mul3A_1 = arith.constant 10000 : i32
    %mul3A_2 = arith.muli %add3A, %mul3A_1 : i32
    %eq3A = arith.constant 0 : i32
    %eq3A_3 = arith.cmpi eq, %arg1, %eq3A : i32
    %convert_element_type3A = arith.extui %eq3A_3 : i1 to i32
    %cond3A = arith.constant 0 : i32
    %cond3A_4 = arith.cmpi ne, %convert_element_type3A, %cond3A : i32
    scf.if %cond3A_4 {
      "tpu.region"() ({
        %run_scoped3A_10 = tpu.sem_alloc : memref<!tpu.dma_semaphore, #tpu.memory_space<semaphore_mem>>
        tpu.enqueue_dma source(%arg4 : memref<10000x8xf32, #tpu.memory_space<hbm>>) target(%arg8 : memref<10000x8xf32, #tpu.memory_space<vmem_shared>>) target_semaphore(%run_scoped3A_10 : memref<!tpu.dma_semaphore, #tpu.memory_space<semaphore_mem>>)
        tpu.wait_dma2 semaphore(%run_scoped3A_10 : memref<!tpu.dma_semaphore, #tpu.memory_space<semaphore_mem>>) src(%arg4 : memref<10000x8xf32, #tpu.memory_space<hbm>>) dst(%arg8 : memref<10000x8xf32, #tpu.memory_space<vmem_shared>>)
        tpu.yield
      }) : () -> ()
    } else {
    }
    %barrier3A = arith.constant 0 : index
    tpu.barrier barrier_id(%barrier3A)
    %run_scoped3A = arith.constant 1 : i32
    "tpu.region"() ({
      %run_scoped3A_10 = tpu.sem_alloc : memref<!tpu.dma_semaphore, #tpu.memory_space<semaphore_mem>>
      %dma_start3A = tpu.memref_slice %arg3[%run_scoped3A, %mul3A_2] : memref<2x320000xi32, #tpu.memory_space<hbm>> -> memref<1x10000xi32, #tpu.memory_space<hbm>>
      %dma_start3A_11 = tpu.memref_squeeze %dma_start3A : memref<1x10000xi32, #tpu.memory_space<hbm>> -> memref<10000xi32, #tpu.memory_space<hbm>>
      %dma_start3A_12 = tpu.memref_slice %arg3[%run_scoped3A, %mul3A_2] : memref<2x320000xi32, #tpu.memory_space<hbm>> -> memref<1x10000xi32, #tpu.memory_space<hbm>>
      %dma_start3A_13 = tpu.memref_squeeze %dma_start3A_12 : memref<1x10000xi32, #tpu.memory_space<hbm>> -> memref<10000xi32, #tpu.memory_space<hbm>>
      tpu.enqueue_dma source(%dma_start3A_13 : memref<10000xi32, #tpu.memory_space<hbm>>) target(%arg6 : memref<10000xi32, #tpu.memory_space<vmem>>) target_semaphore(%run_scoped3A_10 : memref<!tpu.dma_semaphore, #tpu.memory_space<semaphore_mem>>)
      %dma_wait3A = tpu.memref_slice %arg3[%run_scoped3A, %mul3A_2] : memref<2x320000xi32, #tpu.memory_space<hbm>> -> memref<1x10000xi32, #tpu.memory_space<hbm>>
      %dma_wait3A_14 = tpu.memref_squeeze %dma_wait3A : memref<1x10000xi32, #tpu.memory_space<hbm>> -> memref<10000xi32, #tpu.memory_space<hbm>>
      %dma_wait3A_15 = tpu.memref_slice %arg3[%run_scoped3A, %mul3A_2] : memref<2x320000xi32, #tpu.memory_space<hbm>> -> memref<1x10000xi32, #tpu.memory_space<hbm>>
      %dma_wait3A_16 = tpu.memref_squeeze %dma_wait3A_15 : memref<1x10000xi32, #tpu.memory_space<hbm>> -> memref<10000xi32, #tpu.memory_space<hbm>>
      tpu.wait_dma2 semaphore(%run_scoped3A_10 : memref<!tpu.dma_semaphore, #tpu.memory_space<semaphore_mem>>) src(%dma_wait3A_16 : memref<10000xi32, #tpu.memory_space<hbm>>) dst(%arg6 : memref<10000xi32, #tpu.memory_space<vmem>>)
      tpu.yield
    }) : () -> ()
    "tpu.region"() ({
      %run_scoped3A_10 = tpu.sem_alloc : memref<!tpu.dma_semaphore, #tpu.memory_space<semaphore_mem>>
      %dma_start3A = arith.constant 0 : i32
      %dma_start3A_11 = tpu.memref_slice %arg2[%mul3A_2, %dma_start3A] : memref<320000x8xf32, #tpu.memory_space<hbm>> -> memref<10000x8xf32, #tpu.memory_space<hbm>>
      %dma_start3A_12 = arith.constant 0 : i32
      %dma_start3A_13 = tpu.memref_slice %arg2[%mul3A_2, %dma_start3A_12] : memref<320000x8xf32, #tpu.memory_space<hbm>> -> memref<10000x8xf32, #tpu.memory_space<hbm>>
      tpu.enqueue_dma source(%dma_start3A_13 : memref<10000x8xf32, #tpu.memory_space<hbm>>) target(%arg7 : memref<10000x8xf32, #tpu.memory_space<vmem>>) target_semaphore(%run_scoped3A_10 : memref<!tpu.dma_semaphore, #tpu.memory_space<semaphore_mem>>)
      %dma_wait3A = arith.constant 0 : i32
      %dma_wait3A_14 = tpu.memref_slice %arg2[%mul3A_2, %dma_wait3A] : memref<320000x8xf32, #tpu.memory_space<hbm>> -> memref<10000x8xf32, #tpu.memory_space<hbm>>
      %dma_wait3A_15 = arith.constant 0 : i32
      %dma_wait3A_16 = tpu.memref_slice %arg2[%mul3A_2, %dma_wait3A_15] : memref<320000x8xf32, #tpu.memory_space<hbm>> -> memref<10000x8xf32, #tpu.memory_space<hbm>>
      tpu.wait_dma2 semaphore(%run_scoped3A_10 : memref<!tpu.dma_semaphore, #tpu.memory_space<semaphore_mem>>) src(%dma_wait3A_16 : memref<10000x8xf32, #tpu.memory_space<hbm>>) dst(%arg7 : memref<10000x8xf32, #tpu.memory_space<vmem>>)
      tpu.yield
    }) : () -> ()
    "tpu.region"() ({
      %run_scoped3A_10 = tpu.sem_alloc : memref<!tpu.dma_semaphore, #tpu.memory_space<semaphore_mem>>
      %dma_start3A = arith.constant 0 : i32
      %dma_start3A_11 = arith.constant 0 : i32
      %dma_start3A_12 = tpu.memref_slice %arg8[%dma_start3A, %dma_start3A_11] : memref<10000x8xf32, #tpu.memory_space<vmem_shared>> -> memref<10000x8xf32, #tpu.memory_space<vmem_shared>>
      tpu.enqueue_indirect_dma source(%arg7 : memref<10000x8xf32, #tpu.memory_space<vmem>>) target(%dma_start3A_12 : memref<10000x8xf32, #tpu.memory_space<vmem_shared>>) offsets(%arg6 : memref<10000xi32, #tpu.memory_space<vmem>>) semaphore(%run_scoped3A_10 : memref<!tpu.dma_semaphore, #tpu.memory_space<semaphore_mem>>) {add = true}
      %dma_wait3A = arith.constant 0 : i32
      %dma_wait3A_13 = arith.constant 0 : i32
      %dma_wait3A_14 = tpu.memref_slice %arg8[%dma_wait3A, %dma_wait3A_13] : memref<10000x8xf32, #tpu.memory_space<vmem_shared>> -> memref<10000x8xf32, #tpu.memory_space<vmem_shared>>
      tpu.wait_indirect_dma semaphore(%run_scoped3A_10 : memref<!tpu.dma_semaphore, #tpu.memory_space<semaphore_mem>>) src(%arg7 : memref<10000x8xf32, #tpu.memory_space<vmem>>) dst(%dma_wait3A_14 : memref<10000x8xf32, #tpu.memory_space<vmem_shared>>)
      tpu.yield
    }) : () -> ()
    %barrier3A_5 = arith.constant 0 : index
    tpu.barrier barrier_id(%barrier3A_5)
    %mul3A_6 = arith.constant 625 : i32
    %mul3A_7 = arith.muli %arg1, %mul3A_6 : i32
    %mul3A_8 = arith.constant 625 : i32
    %mul3A_9 = arith.muli %arg1, %mul3A_8 : i32
    "tpu.region"() ({
      %run_scoped3A_10 = tpu.sem_alloc : memref<!tpu.dma_semaphore, #tpu.memory_space<semaphore_mem>>
      %dma_start3A = arith.constant 0 : i32
      %dma_start3A_11 = tpu.memref_slice %arg5[%arg0, %mul3A_9, %dma_start3A] : memref<2x10000x8xf32, #tpu.memory_space<hbm>> -> memref<1x625x8xf32, #tpu.memory_space<hbm>>
      %dma_start3A_12 = tpu.memref_squeeze %dma_start3A_11 : memref<1x625x8xf32, #tpu.memory_space<hbm>> -> memref<625x8xf32, #tpu.memory_space<hbm>>
      %dma_start3A_13 = arith.constant 0 : i32
      %dma_start3A_14 = tpu.memref_slice %arg8[%mul3A_7, %dma_start3A_13] : memref<10000x8xf32, #tpu.memory_space<vmem_shared>> -> memref<625x8xf32, #tpu.memory_space<vmem_shared>>
      tpu.enqueue_dma source(%dma_start3A_14 : memref<625x8xf32, #tpu.memory_space<vmem_shared>>) target(%dma_start3A_12 : memref<625x8xf32, #tpu.memory_space<hbm>>) target_semaphore(%run_scoped3A_10 : memref<!tpu.dma_semaphore, #tpu.memory_space<semaphore_mem>>)
      %dma_wait3A = arith.constant 0 : i32
      %dma_wait3A_15 = tpu.memref_slice %arg5[%arg0, %mul3A_9, %dma_wait3A] : memref<2x10000x8xf32, #tpu.memory_space<hbm>> -> memref<1x625x8xf32, #tpu.memory_space<hbm>>
      %dma_wait3A_16 = tpu.memref_squeeze %dma_wait3A_15 : memref<1x625x8xf32, #tpu.memory_space<hbm>> -> memref<625x8xf32, #tpu.memory_space<hbm>>
      %dma_wait3A_17 = arith.constant 0 : i32
      %dma_wait3A_18 = tpu.memref_slice %arg8[%mul3A_7, %dma_wait3A_17] : memref<10000x8xf32, #tpu.memory_space<vmem_shared>> -> memref<625x8xf32, #tpu.memory_space<vmem_shared>>
      tpu.wait_dma2 semaphore(%run_scoped3A_10 : memref<!tpu.dma_semaphore, #tpu.memory_space<semaphore_mem>>) src(%dma_wait3A_18 : memref<625x8xf32, #tpu.memory_space<vmem_shared>>) dst(%dma_wait3A_16 : memref<625x8xf32, #tpu.memory_space<hbm>>)
      tpu.yield
    }) : () -> ()
    return
  }
}

#map = affine_map<(d0, d1) -> (0, 0)>
module attributes {stable_mosaic.version = 14 : i64} {
  func.func @sc_gather(%arg0: i32, %arg1: i32, %arg2: memref<10000x8xf32, #tpu.memory_space<hbm>>, %arg3: memref<2x320000xi32, #tpu.memory_space<hbm>>, %arg4: memref<320000x8xf32, #tpu.memory_space<hbm>>, %arg5: memref<320000x8xf32, #tpu.memory_space<hbm>>, %arg6: memref<2x5000xi32, #tpu.memory_space<vmem>>, %arg7: memref<2x5000x8xf32, #tpu.memory_space<vmem>>, %arg8: memref<!tpu.dma_semaphore, #tpu.memory_space<semaphore_mem>>, %arg9: memref<!tpu.dma_semaphore, #tpu.memory_space<semaphore_mem>>) attributes {dimension_semantics = [#tpu.dimension_semantics<core_parallel>, #tpu.dimension_semantics<subcore_parallel>], iteration_bounds = array<i64: 2, 16>, scalar_prefetch = 0 : i64, scratch_operands = 4 : i64, tpu.core_type = #tpu.core_type<sc_vector_subcore>, window_params = [{transform_indices = #map}, {transform_indices = #map}, {transform_indices = #map}, {transform_indices = #map}]} {
    %mul3A = arith.constant 2 : i32
    %mul3A_0 = arith.muli %arg1, %mul3A : i32
    %add3A = arith.addi %mul3A_0, %arg0 : i32
    %mul3A_1 = arith.constant 10000 : i32
    %mul3A_2 = arith.muli %add3A, %mul3A_1 : i32
    %add3A_3 = arith.constant 0 : i32
    %add3A_4 = arith.addi %mul3A_2, %add3A_3 : i32
    %run_scoped3A = arith.constant 1 : i32
    %run_scoped3A_5 = arith.constant 0 : i32
    "tpu.region"() ({
      %run_scoped3A_124 = tpu.sem_alloc : memref<!tpu.dma_semaphore, #tpu.memory_space<semaphore_mem>>
      %dma_start3A_125 = arith.constant 0 : i32
      %dma_start3A_126 = tpu.memref_slice %arg6[%run_scoped3A_5, %dma_start3A_125] : memref<2x5000xi32, #tpu.memory_space<vmem>> -> memref<1x5000xi32, #tpu.memory_space<vmem>>
      %dma_start3A_127 = tpu.memref_squeeze %dma_start3A_126 : memref<1x5000xi32, #tpu.memory_space<vmem>> -> memref<5000xi32, #tpu.memory_space<vmem>>
      %dma_start3A_128 = tpu.memref_slice %arg3[%run_scoped3A, %add3A_4] : memref<2x320000xi32, #tpu.memory_space<hbm>> -> memref<1x5000xi32, #tpu.memory_space<hbm>>
      %dma_start3A_129 = tpu.memref_squeeze %dma_start3A_128 : memref<1x5000xi32, #tpu.memory_space<hbm>> -> memref<5000xi32, #tpu.memory_space<hbm>>
      %dma_start3A_130 = arith.constant 0 : i32
      %dma_start3A_131 = tpu.memref_slice %arg6[%run_scoped3A_5, %dma_start3A_130] : memref<2x5000xi32, #tpu.memory_space<vmem>> -> memref<1x5000xi32, #tpu.memory_space<vmem>>
      %dma_start3A_132 = tpu.memref_squeeze %dma_start3A_131 : memref<1x5000xi32, #tpu.memory_space<vmem>> -> memref<5000xi32, #tpu.memory_space<vmem>>
      %dma_start3A_133 = tpu.memref_slice %arg3[%run_scoped3A, %add3A_4] : memref<2x320000xi32, #tpu.memory_space<hbm>> -> memref<1x5000xi32, #tpu.memory_space<hbm>>
      %dma_start3A_134 = tpu.memref_squeeze %dma_start3A_133 : memref<1x5000xi32, #tpu.memory_space<hbm>> -> memref<5000xi32, #tpu.memory_space<hbm>>
      tpu.enqueue_dma source(%dma_start3A_134 : memref<5000xi32, #tpu.memory_space<hbm>>) target(%dma_start3A_132 : memref<5000xi32, #tpu.memory_space<vmem>>) target_semaphore(%run_scoped3A_124 : memref<!tpu.dma_semaphore, #tpu.memory_space<semaphore_mem>>)
      %dma_wait3A_135 = arith.constant 0 : i32
      %dma_wait3A_136 = tpu.memref_slice %arg6[%run_scoped3A_5, %dma_wait3A_135] : memref<2x5000xi32, #tpu.memory_space<vmem>> -> memref<1x5000xi32, #tpu.memory_space<vmem>>
      %dma_wait3A_137 = tpu.memref_squeeze %dma_wait3A_136 : memref<1x5000xi32, #tpu.memory_space<vmem>> -> memref<5000xi32, #tpu.memory_space<vmem>>
      %dma_wait3A_138 = tpu.memref_slice %arg3[%run_scoped3A, %add3A_4] : memref<2x320000xi32, #tpu.memory_space<hbm>> -> memref<1x5000xi32, #tpu.memory_space<hbm>>
      %dma_wait3A_139 = tpu.memref_squeeze %dma_wait3A_138 : memref<1x5000xi32, #tpu.memory_space<hbm>> -> memref<5000xi32, #tpu.memory_space<hbm>>
      %dma_wait3A_140 = arith.constant 0 : i32
      %dma_wait3A_141 = tpu.memref_slice %arg6[%run_scoped3A_5, %dma_wait3A_140] : memref<2x5000xi32, #tpu.memory_space<vmem>> -> memref<1x5000xi32, #tpu.memory_space<vmem>>
      %dma_wait3A_142 = tpu.memref_squeeze %dma_wait3A_141 : memref<1x5000xi32, #tpu.memory_space<vmem>> -> memref<5000xi32, #tpu.memory_space<vmem>>
      %dma_wait3A_143 = tpu.memref_slice %arg3[%run_scoped3A, %add3A_4] : memref<2x320000xi32, #tpu.memory_space<hbm>> -> memref<1x5000xi32, #tpu.memory_space<hbm>>
      %dma_wait3A_144 = tpu.memref_squeeze %dma_wait3A_143 : memref<1x5000xi32, #tpu.memory_space<hbm>> -> memref<5000xi32, #tpu.memory_space<hbm>>
      tpu.wait_dma2 semaphore(%run_scoped3A_124 : memref<!tpu.dma_semaphore, #tpu.memory_space<semaphore_mem>>) src(%dma_wait3A_144 : memref<5000xi32, #tpu.memory_space<hbm>>) dst(%dma_wait3A_142 : memref<5000xi32, #tpu.memory_space<vmem>>)
      tpu.yield
    }) : () -> ()
    %dma_start3A = arith.constant 0 : i32
    %dma_start3A_6 = arith.constant 0 : i32
    %dma_start3A_7 = arith.constant 0 : i32
    %dma_start3A_8 = arith.constant 0 : i32
    %dma_start3A_9 = tpu.memref_slice %arg7[%dma_start3A_6, %dma_start3A_7, %dma_start3A_8] : memref<2x5000x8xf32, #tpu.memory_space<vmem>> -> memref<1x5000x8xf32, #tpu.memory_space<vmem>>
    %dma_start3A_10 = tpu.memref_squeeze %dma_start3A_9 : memref<1x5000x8xf32, #tpu.memory_space<vmem>> -> memref<5000x8xf32, #tpu.memory_space<vmem>>
    %dma_start3A_11 = arith.constant 0 : i32
    %dma_start3A_12 = tpu.memref_slice %arg6[%dma_start3A, %dma_start3A_11] : memref<2x5000xi32, #tpu.memory_space<vmem>> -> memref<1x5000xi32, #tpu.memory_space<vmem>>
    %dma_start3A_13 = tpu.memref_squeeze %dma_start3A_12 : memref<1x5000xi32, #tpu.memory_space<vmem>> -> memref<5000xi32, #tpu.memory_space<vmem>>
    %dma_start3A_14 = arith.constant 0 : i32
    %dma_start3A_15 = arith.constant 0 : i32
    %dma_start3A_16 = tpu.memref_slice %arg2[%dma_start3A_14, %dma_start3A_15] : memref<10000x8xf32, #tpu.memory_space<hbm>> -> memref<10000x8xf32, #tpu.memory_space<hbm>>
    tpu.enqueue_indirect_dma source(%dma_start3A_16 : memref<10000x8xf32, #tpu.memory_space<hbm>>) target(%dma_start3A_10 : memref<5000x8xf32, #tpu.memory_space<vmem>>) offsets(%dma_start3A_13 : memref<5000xi32, #tpu.memory_space<vmem>>) semaphore(%arg8 : memref<!tpu.dma_semaphore, #tpu.memory_space<semaphore_mem>>)
    %add3A_17 = arith.constant 5000 : i32
    %add3A_18 = arith.addi %mul3A_2, %add3A_17 : i32
    %run_scoped3A_19 = arith.constant 1 : i32
    %run_scoped3A_20 = arith.constant 1 : i32
    "tpu.region"() ({
      %run_scoped3A_124 = tpu.sem_alloc : memref<!tpu.dma_semaphore, #tpu.memory_space<semaphore_mem>>
      %dma_start3A_125 = arith.constant 0 : i32
      %dma_start3A_126 = tpu.memref_slice %arg6[%run_scoped3A_20, %dma_start3A_125] : memref<2x5000xi32, #tpu.memory_space<vmem>> -> memref<1x5000xi32, #tpu.memory_space<vmem>>
      %dma_start3A_127 = tpu.memref_squeeze %dma_start3A_126 : memref<1x5000xi32, #tpu.memory_space<vmem>> -> memref<5000xi32, #tpu.memory_space<vmem>>
      %dma_start3A_128 = tpu.memref_slice %arg3[%run_scoped3A_19, %add3A_18] : memref<2x320000xi32, #tpu.memory_space<hbm>> -> memref<1x5000xi32, #tpu.memory_space<hbm>>
      %dma_start3A_129 = tpu.memref_squeeze %dma_start3A_128 : memref<1x5000xi32, #tpu.memory_space<hbm>> -> memref<5000xi32, #tpu.memory_space<hbm>>
      %dma_start3A_130 = arith.constant 0 : i32
      %dma_start3A_131 = tpu.memref_slice %arg6[%run_scoped3A_20, %dma_start3A_130] : memref<2x5000xi32, #tpu.memory_space<vmem>> -> memref<1x5000xi32, #tpu.memory_space<vmem>>
      %dma_start3A_132 = tpu.memref_squeeze %dma_start3A_131 : memref<1x5000xi32, #tpu.memory_space<vmem>> -> memref<5000xi32, #tpu.memory_space<vmem>>
      %dma_start3A_133 = tpu.memref_slice %arg3[%run_scoped3A_19, %add3A_18] : memref<2x320000xi32, #tpu.memory_space<hbm>> -> memref<1x5000xi32, #tpu.memory_space<hbm>>
      %dma_start3A_134 = tpu.memref_squeeze %dma_start3A_133 : memref<1x5000xi32, #tpu.memory_space<hbm>> -> memref<5000xi32, #tpu.memory_space<hbm>>
      tpu.enqueue_dma source(%dma_start3A_134 : memref<5000xi32, #tpu.memory_space<hbm>>) target(%dma_start3A_132 : memref<5000xi32, #tpu.memory_space<vmem>>) target_semaphore(%run_scoped3A_124 : memref<!tpu.dma_semaphore, #tpu.memory_space<semaphore_mem>>)
      %dma_wait3A_135 = arith.constant 0 : i32
      %dma_wait3A_136 = tpu.memref_slice %arg6[%run_scoped3A_20, %dma_wait3A_135] : memref<2x5000xi32, #tpu.memory_space<vmem>> -> memref<1x5000xi32, #tpu.memory_space<vmem>>
      %dma_wait3A_137 = tpu.memref_squeeze %dma_wait3A_136 : memref<1x5000xi32, #tpu.memory_space<vmem>> -> memref<5000xi32, #tpu.memory_space<vmem>>
      %dma_wait3A_138 = tpu.memref_slice %arg3[%run_scoped3A_19, %add3A_18] : memref<2x320000xi32, #tpu.memory_space<hbm>> -> memref<1x5000xi32, #tpu.memory_space<hbm>>
      %dma_wait3A_139 = tpu.memref_squeeze %dma_wait3A_138 : memref<1x5000xi32, #tpu.memory_space<hbm>> -> memref<5000xi32, #tpu.memory_space<hbm>>
      %dma_wait3A_140 = arith.constant 0 : i32
      %dma_wait3A_141 = tpu.memref_slice %arg6[%run_scoped3A_20, %dma_wait3A_140] : memref<2x5000xi32, #tpu.memory_space<vmem>> -> memref<1x5000xi32, #tpu.memory_space<vmem>>
      %dma_wait3A_142 = tpu.memref_squeeze %dma_wait3A_141 : memref<1x5000xi32, #tpu.memory_space<vmem>> -> memref<5000xi32, #tpu.memory_space<vmem>>
      %dma_wait3A_143 = tpu.memref_slice %arg3[%run_scoped3A_19, %add3A_18] : memref<2x320000xi32, #tpu.memory_space<hbm>> -> memref<1x5000xi32, #tpu.memory_space<hbm>>
      %dma_wait3A_144 = tpu.memref_squeeze %dma_wait3A_143 : memref<1x5000xi32, #tpu.memory_space<hbm>> -> memref<5000xi32, #tpu.memory_space<hbm>>
      tpu.wait_dma2 semaphore(%run_scoped3A_124 : memref<!tpu.dma_semaphore, #tpu.memory_space<semaphore_mem>>) src(%dma_wait3A_144 : memref<5000xi32, #tpu.memory_space<hbm>>) dst(%dma_wait3A_142 : memref<5000xi32, #tpu.memory_space<vmem>>)
      tpu.yield
    }) : () -> ()
    %dma_start3A_21 = arith.constant 1 : i32
    %dma_start3A_22 = arith.constant 1 : i32
    %dma_start3A_23 = arith.constant 0 : i32
    %dma_start3A_24 = arith.constant 0 : i32
    %dma_start3A_25 = tpu.memref_slice %arg7[%dma_start3A_22, %dma_start3A_23, %dma_start3A_24] : memref<2x5000x8xf32, #tpu.memory_space<vmem>> -> memref<1x5000x8xf32, #tpu.memory_space<vmem>>
    %dma_start3A_26 = tpu.memref_squeeze %dma_start3A_25 : memref<1x5000x8xf32, #tpu.memory_space<vmem>> -> memref<5000x8xf32, #tpu.memory_space<vmem>>
    %dma_start3A_27 = arith.constant 0 : i32
    %dma_start3A_28 = tpu.memref_slice %arg6[%dma_start3A_21, %dma_start3A_27] : memref<2x5000xi32, #tpu.memory_space<vmem>> -> memref<1x5000xi32, #tpu.memory_space<vmem>>
    %dma_start3A_29 = tpu.memref_squeeze %dma_start3A_28 : memref<1x5000xi32, #tpu.memory_space<vmem>> -> memref<5000xi32, #tpu.memory_space<vmem>>
    %dma_start3A_30 = arith.constant 0 : i32
    %dma_start3A_31 = arith.constant 0 : i32
    %dma_start3A_32 = tpu.memref_slice %arg2[%dma_start3A_30, %dma_start3A_31] : memref<10000x8xf32, #tpu.memory_space<hbm>> -> memref<10000x8xf32, #tpu.memory_space<hbm>>
    tpu.enqueue_indirect_dma source(%dma_start3A_32 : memref<10000x8xf32, #tpu.memory_space<hbm>>) target(%dma_start3A_26 : memref<5000x8xf32, #tpu.memory_space<vmem>>) offsets(%dma_start3A_29 : memref<5000xi32, #tpu.memory_space<vmem>>) semaphore(%arg9 : memref<!tpu.dma_semaphore, #tpu.memory_space<semaphore_mem>>)
    %dma_wait3A = arith.constant 0 : i32
    %dma_wait3A_33 = arith.constant 0 : i32
    %dma_wait3A_34 = arith.constant 0 : i32
    %dma_wait3A_35 = arith.constant 0 : i32
    %dma_wait3A_36 = tpu.memref_slice %arg7[%dma_wait3A_33, %dma_wait3A_34, %dma_wait3A_35] : memref<2x5000x8xf32, #tpu.memory_space<vmem>> -> memref<1x5000x8xf32, #tpu.memory_space<vmem>>
    %dma_wait3A_37 = tpu.memref_squeeze %dma_wait3A_36 : memref<1x5000x8xf32, #tpu.memory_space<vmem>> -> memref<5000x8xf32, #tpu.memory_space<vmem>>
    %dma_wait3A_38 = arith.constant 0 : i32
    %dma_wait3A_39 = tpu.memref_slice %arg6[%dma_wait3A, %dma_wait3A_38] : memref<2x5000xi32, #tpu.memory_space<vmem>> -> memref<1x5000xi32, #tpu.memory_space<vmem>>
    %dma_wait3A_40 = tpu.memref_squeeze %dma_wait3A_39 : memref<1x5000xi32, #tpu.memory_space<vmem>> -> memref<5000xi32, #tpu.memory_space<vmem>>
    %dma_wait3A_41 = arith.constant 0 : i32
    %dma_wait3A_42 = arith.constant 0 : i32
    %dma_wait3A_43 = tpu.memref_slice %arg2[%dma_wait3A_41, %dma_wait3A_42] : memref<10000x8xf32, #tpu.memory_space<hbm>> -> memref<10000x8xf32, #tpu.memory_space<hbm>>
    tpu.wait_indirect_dma semaphore(%arg8 : memref<!tpu.dma_semaphore, #tpu.memory_space<semaphore_mem>>) src(%dma_wait3A_43 : memref<10000x8xf32, #tpu.memory_space<hbm>>) dst(%dma_wait3A_37 : memref<5000x8xf32, #tpu.memory_space<vmem>>)
    %add3A_44 = arith.constant 0 : i32
    %add3A_45 = arith.addi %mul3A_2, %add3A_44 : i32
    %run_scoped3A_46 = arith.constant 0 : i32
    "tpu.region"() ({
      %run_scoped3A_124 = tpu.sem_alloc : memref<!tpu.dma_semaphore, #tpu.memory_space<semaphore_mem>>
      %dma_start3A_125 = arith.constant 0 : i32
      %dma_start3A_126 = arith.constant 0 : i32
      %dma_start3A_127 = tpu.memref_slice %arg7[%run_scoped3A_46, %dma_start3A_125, %dma_start3A_126] : memref<2x5000x8xf32, #tpu.memory_space<vmem>> -> memref<1x5000x8xf32, #tpu.memory_space<vmem>>
      %dma_start3A_128 = tpu.memref_squeeze %dma_start3A_127 : memref<1x5000x8xf32, #tpu.memory_space<vmem>> -> memref<5000x8xf32, #tpu.memory_space<vmem>>
      %dma_start3A_129 = arith.constant 0 : i32
      %dma_start3A_130 = tpu.memref_slice %arg4[%add3A_45, %dma_start3A_129] : memref<320000x8xf32, #tpu.memory_space<hbm>> -> memref<5000x8xf32, #tpu.memory_space<hbm>>
      %dma_start3A_131 = arith.constant 0 : i32
      %dma_start3A_132 = tpu.memref_slice %arg4[%add3A_45, %dma_start3A_131] : memref<320000x8xf32, #tpu.memory_space<hbm>> -> memref<5000x8xf32, #tpu.memory_space<hbm>>
      %dma_start3A_133 = arith.constant 0 : i32
      %dma_start3A_134 = arith.constant 0 : i32
      %dma_start3A_135 = tpu.memref_slice %arg7[%run_scoped3A_46, %dma_start3A_133, %dma_start3A_134] : memref<2x5000x8xf32, #tpu.memory_space<vmem>> -> memref<1x5000x8xf32, #tpu.memory_space<vmem>>
      %dma_start3A_136 = tpu.memref_squeeze %dma_start3A_135 : memref<1x5000x8xf32, #tpu.memory_space<vmem>> -> memref<5000x8xf32, #tpu.memory_space<vmem>>
      tpu.enqueue_dma source(%dma_start3A_136 : memref<5000x8xf32, #tpu.memory_space<vmem>>) target(%dma_start3A_132 : memref<5000x8xf32, #tpu.memory_space<hbm>>) target_semaphore(%run_scoped3A_124 : memref<!tpu.dma_semaphore, #tpu.memory_space<semaphore_mem>>)
      %dma_wait3A_137 = arith.constant 0 : i32
      %dma_wait3A_138 = arith.constant 0 : i32
      %dma_wait3A_139 = tpu.memref_slice %arg7[%run_scoped3A_46, %dma_wait3A_137, %dma_wait3A_138] : memref<2x5000x8xf32, #tpu.memory_space<vmem>> -> memref<1x5000x8xf32, #tpu.memory_space<vmem>>
      %dma_wait3A_140 = tpu.memref_squeeze %dma_wait3A_139 : memref<1x5000x8xf32, #tpu.memory_space<vmem>> -> memref<5000x8xf32, #tpu.memory_space<vmem>>
      %dma_wait3A_141 = arith.constant 0 : i32
      %dma_wait3A_142 = tpu.memref_slice %arg4[%add3A_45, %dma_wait3A_141] : memref<320000x8xf32, #tpu.memory_space<hbm>> -> memref<5000x8xf32, #tpu.memory_space<hbm>>
      %dma_wait3A_143 = arith.constant 0 : i32
      %dma_wait3A_144 = tpu.memref_slice %arg4[%add3A_45, %dma_wait3A_143] : memref<320000x8xf32, #tpu.memory_space<hbm>> -> memref<5000x8xf32, #tpu.memory_space<hbm>>
      %dma_wait3A_145 = arith.constant 0 : i32
      %dma_wait3A_146 = arith.constant 0 : i32
      %dma_wait3A_147 = tpu.memref_slice %arg7[%run_scoped3A_46, %dma_wait3A_145, %dma_wait3A_146] : memref<2x5000x8xf32, #tpu.memory_space<vmem>> -> memref<1x5000x8xf32, #tpu.memory_space<vmem>>
      %dma_wait3A_148 = tpu.memref_squeeze %dma_wait3A_147 : memref<1x5000x8xf32, #tpu.memory_space<vmem>> -> memref<5000x8xf32, #tpu.memory_space<vmem>>
      tpu.wait_dma2 semaphore(%run_scoped3A_124 : memref<!tpu.dma_semaphore, #tpu.memory_space<semaphore_mem>>) src(%dma_wait3A_148 : memref<5000x8xf32, #tpu.memory_space<vmem>>) dst(%dma_wait3A_144 : memref<5000x8xf32, #tpu.memory_space<hbm>>)
      tpu.yield
    }) : () -> ()
    %add3A_47 = arith.constant 0 : i32
    %add3A_48 = arith.addi %mul3A_2, %add3A_47 : i32
    %run_scoped3A_49 = arith.constant 0 : i32
    %run_scoped3A_50 = arith.constant 0 : i32
    "tpu.region"() ({
      %run_scoped3A_124 = tpu.sem_alloc : memref<!tpu.dma_semaphore, #tpu.memory_space<semaphore_mem>>
      %dma_start3A_125 = arith.constant 0 : i32
      %dma_start3A_126 = tpu.memref_slice %arg6[%run_scoped3A_50, %dma_start3A_125] : memref<2x5000xi32, #tpu.memory_space<vmem>> -> memref<1x5000xi32, #tpu.memory_space<vmem>>
      %dma_start3A_127 = tpu.memref_squeeze %dma_start3A_126 : memref<1x5000xi32, #tpu.memory_space<vmem>> -> memref<5000xi32, #tpu.memory_space<vmem>>
      %dma_start3A_128 = tpu.memref_slice %arg3[%run_scoped3A_49, %add3A_48] : memref<2x320000xi32, #tpu.memory_space<hbm>> -> memref<1x5000xi32, #tpu.memory_space<hbm>>
      %dma_start3A_129 = tpu.memref_squeeze %dma_start3A_128 : memref<1x5000xi32, #tpu.memory_space<hbm>> -> memref<5000xi32, #tpu.memory_space<hbm>>
      %dma_start3A_130 = arith.constant 0 : i32
      %dma_start3A_131 = tpu.memref_slice %arg6[%run_scoped3A_50, %dma_start3A_130] : memref<2x5000xi32, #tpu.memory_space<vmem>> -> memref<1x5000xi32, #tpu.memory_space<vmem>>
      %dma_start3A_132 = tpu.memref_squeeze %dma_start3A_131 : memref<1x5000xi32, #tpu.memory_space<vmem>> -> memref<5000xi32, #tpu.memory_space<vmem>>
      %dma_start3A_133 = tpu.memref_slice %arg3[%run_scoped3A_49, %add3A_48] : memref<2x320000xi32, #tpu.memory_space<hbm>> -> memref<1x5000xi32, #tpu.memory_space<hbm>>
      %dma_start3A_134 = tpu.memref_squeeze %dma_start3A_133 : memref<1x5000xi32, #tpu.memory_space<hbm>> -> memref<5000xi32, #tpu.memory_space<hbm>>
      tpu.enqueue_dma source(%dma_start3A_134 : memref<5000xi32, #tpu.memory_space<hbm>>) target(%dma_start3A_132 : memref<5000xi32, #tpu.memory_space<vmem>>) target_semaphore(%run_scoped3A_124 : memref<!tpu.dma_semaphore, #tpu.memory_space<semaphore_mem>>)
      %dma_wait3A_135 = arith.constant 0 : i32
      %dma_wait3A_136 = tpu.memref_slice %arg6[%run_scoped3A_50, %dma_wait3A_135] : memref<2x5000xi32, #tpu.memory_space<vmem>> -> memref<1x5000xi32, #tpu.memory_space<vmem>>
      %dma_wait3A_137 = tpu.memref_squeeze %dma_wait3A_136 : memref<1x5000xi32, #tpu.memory_space<vmem>> -> memref<5000xi32, #tpu.memory_space<vmem>>
      %dma_wait3A_138 = tpu.memref_slice %arg3[%run_scoped3A_49, %add3A_48] : memref<2x320000xi32, #tpu.memory_space<hbm>> -> memref<1x5000xi32, #tpu.memory_space<hbm>>
      %dma_wait3A_139 = tpu.memref_squeeze %dma_wait3A_138 : memref<1x5000xi32, #tpu.memory_space<hbm>> -> memref<5000xi32, #tpu.memory_space<hbm>>
      %dma_wait3A_140 = arith.constant 0 : i32
      %dma_wait3A_141 = tpu.memref_slice %arg6[%run_scoped3A_50, %dma_wait3A_140] : memref<2x5000xi32, #tpu.memory_space<vmem>> -> memref<1x5000xi32, #tpu.memory_space<vmem>>
      %dma_wait3A_142 = tpu.memref_squeeze %dma_wait3A_141 : memref<1x5000xi32, #tpu.memory_space<vmem>> -> memref<5000xi32, #tpu.memory_space<vmem>>
      %dma_wait3A_143 = tpu.memref_slice %arg3[%run_scoped3A_49, %add3A_48] : memref<2x320000xi32, #tpu.memory_space<hbm>> -> memref<1x5000xi32, #tpu.memory_space<hbm>>
      %dma_wait3A_144 = tpu.memref_squeeze %dma_wait3A_143 : memref<1x5000xi32, #tpu.memory_space<hbm>> -> memref<5000xi32, #tpu.memory_space<hbm>>
      tpu.wait_dma2 semaphore(%run_scoped3A_124 : memref<!tpu.dma_semaphore, #tpu.memory_space<semaphore_mem>>) src(%dma_wait3A_144 : memref<5000xi32, #tpu.memory_space<hbm>>) dst(%dma_wait3A_142 : memref<5000xi32, #tpu.memory_space<vmem>>)
      tpu.yield
    }) : () -> ()
    %dma_start3A_51 = arith.constant 0 : i32
    %dma_start3A_52 = arith.constant 0 : i32
    %dma_start3A_53 = arith.constant 0 : i32
    %dma_start3A_54 = arith.constant 0 : i32
    %dma_start3A_55 = tpu.memref_slice %arg7[%dma_start3A_52, %dma_start3A_53, %dma_start3A_54] : memref<2x5000x8xf32, #tpu.memory_space<vmem>> -> memref<1x5000x8xf32, #tpu.memory_space<vmem>>
    %dma_start3A_56 = tpu.memref_squeeze %dma_start3A_55 : memref<1x5000x8xf32, #tpu.memory_space<vmem>> -> memref<5000x8xf32, #tpu.memory_space<vmem>>
    %dma_start3A_57 = arith.constant 0 : i32
    %dma_start3A_58 = tpu.memref_slice %arg6[%dma_start3A_51, %dma_start3A_57] : memref<2x5000xi32, #tpu.memory_space<vmem>> -> memref<1x5000xi32, #tpu.memory_space<vmem>>
    %dma_start3A_59 = tpu.memref_squeeze %dma_start3A_58 : memref<1x5000xi32, #tpu.memory_space<vmem>> -> memref<5000xi32, #tpu.memory_space<vmem>>
    %dma_start3A_60 = arith.constant 0 : i32
    %dma_start3A_61 = arith.constant 0 : i32
    %dma_start3A_62 = tpu.memref_slice %arg2[%dma_start3A_60, %dma_start3A_61] : memref<10000x8xf32, #tpu.memory_space<hbm>> -> memref<10000x8xf32, #tpu.memory_space<hbm>>
    tpu.enqueue_indirect_dma source(%dma_start3A_62 : memref<10000x8xf32, #tpu.memory_space<hbm>>) target(%dma_start3A_56 : memref<5000x8xf32, #tpu.memory_space<vmem>>) offsets(%dma_start3A_59 : memref<5000xi32, #tpu.memory_space<vmem>>) semaphore(%arg8 : memref<!tpu.dma_semaphore, #tpu.memory_space<semaphore_mem>>)
    %dma_wait3A_63 = arith.constant 1 : i32
    %dma_wait3A_64 = arith.constant 1 : i32
    %dma_wait3A_65 = arith.constant 0 : i32
    %dma_wait3A_66 = arith.constant 0 : i32
    %dma_wait3A_67 = tpu.memref_slice %arg7[%dma_wait3A_64, %dma_wait3A_65, %dma_wait3A_66] : memref<2x5000x8xf32, #tpu.memory_space<vmem>> -> memref<1x5000x8xf32, #tpu.memory_space<vmem>>
    %dma_wait3A_68 = tpu.memref_squeeze %dma_wait3A_67 : memref<1x5000x8xf32, #tpu.memory_space<vmem>> -> memref<5000x8xf32, #tpu.memory_space<vmem>>
    %dma_wait3A_69 = arith.constant 0 : i32
    %dma_wait3A_70 = tpu.memref_slice %arg6[%dma_wait3A_63, %dma_wait3A_69] : memref<2x5000xi32, #tpu.memory_space<vmem>> -> memref<1x5000xi32, #tpu.memory_space<vmem>>
    %dma_wait3A_71 = tpu.memref_squeeze %dma_wait3A_70 : memref<1x5000xi32, #tpu.memory_space<vmem>> -> memref<5000xi32, #tpu.memory_space<vmem>>
    %dma_wait3A_72 = arith.constant 0 : i32
    %dma_wait3A_73 = arith.constant 0 : i32
    %dma_wait3A_74 = tpu.memref_slice %arg2[%dma_wait3A_72, %dma_wait3A_73] : memref<10000x8xf32, #tpu.memory_space<hbm>> -> memref<10000x8xf32, #tpu.memory_space<hbm>>
    tpu.wait_indirect_dma semaphore(%arg9 : memref<!tpu.dma_semaphore, #tpu.memory_space<semaphore_mem>>) src(%dma_wait3A_74 : memref<10000x8xf32, #tpu.memory_space<hbm>>) dst(%dma_wait3A_68 : memref<5000x8xf32, #tpu.memory_space<vmem>>)
    %add3A_75 = arith.constant 5000 : i32
    %add3A_76 = arith.addi %mul3A_2, %add3A_75 : i32
    %run_scoped3A_77 = arith.constant 1 : i32
    "tpu.region"() ({
      %run_scoped3A_124 = tpu.sem_alloc : memref<!tpu.dma_semaphore, #tpu.memory_space<semaphore_mem>>
      %dma_start3A_125 = arith.constant 0 : i32
      %dma_start3A_126 = arith.constant 0 : i32
      %dma_start3A_127 = tpu.memref_slice %arg7[%run_scoped3A_77, %dma_start3A_125, %dma_start3A_126] : memref<2x5000x8xf32, #tpu.memory_space<vmem>> -> memref<1x5000x8xf32, #tpu.memory_space<vmem>>
      %dma_start3A_128 = tpu.memref_squeeze %dma_start3A_127 : memref<1x5000x8xf32, #tpu.memory_space<vmem>> -> memref<5000x8xf32, #tpu.memory_space<vmem>>
      %dma_start3A_129 = arith.constant 0 : i32
      %dma_start3A_130 = tpu.memref_slice %arg4[%add3A_76, %dma_start3A_129] : memref<320000x8xf32, #tpu.memory_space<hbm>> -> memref<5000x8xf32, #tpu.memory_space<hbm>>
      %dma_start3A_131 = arith.constant 0 : i32
      %dma_start3A_132 = tpu.memref_slice %arg4[%add3A_76, %dma_start3A_131] : memref<320000x8xf32, #tpu.memory_space<hbm>> -> memref<5000x8xf32, #tpu.memory_space<hbm>>
      %dma_start3A_133 = arith.constant 0 : i32
      %dma_start3A_134 = arith.constant 0 : i32
      %dma_start3A_135 = tpu.memref_slice %arg7[%run_scoped3A_77, %dma_start3A_133, %dma_start3A_134] : memref<2x5000x8xf32, #tpu.memory_space<vmem>> -> memref<1x5000x8xf32, #tpu.memory_space<vmem>>
      %dma_start3A_136 = tpu.memref_squeeze %dma_start3A_135 : memref<1x5000x8xf32, #tpu.memory_space<vmem>> -> memref<5000x8xf32, #tpu.memory_space<vmem>>
      tpu.enqueue_dma source(%dma_start3A_136 : memref<5000x8xf32, #tpu.memory_space<vmem>>) target(%dma_start3A_132 : memref<5000x8xf32, #tpu.memory_space<hbm>>) target_semaphore(%run_scoped3A_124 : memref<!tpu.dma_semaphore, #tpu.memory_space<semaphore_mem>>)
      %dma_wait3A_137 = arith.constant 0 : i32
      %dma_wait3A_138 = arith.constant 0 : i32
      %dma_wait3A_139 = tpu.memref_slice %arg7[%run_scoped3A_77, %dma_wait3A_137, %dma_wait3A_138] : memref<2x5000x8xf32, #tpu.memory_space<vmem>> -> memref<1x5000x8xf32, #tpu.memory_space<vmem>>
      %dma_wait3A_140 = tpu.memref_squeeze %dma_wait3A_139 : memref<1x5000x8xf32, #tpu.memory_space<vmem>> -> memref<5000x8xf32, #tpu.memory_space<vmem>>
      %dma_wait3A_141 = arith.constant 0 : i32
      %dma_wait3A_142 = tpu.memref_slice %arg4[%add3A_76, %dma_wait3A_141] : memref<320000x8xf32, #tpu.memory_space<hbm>> -> memref<5000x8xf32, #tpu.memory_space<hbm>>
      %dma_wait3A_143 = arith.constant 0 : i32
      %dma_wait3A_144 = tpu.memref_slice %arg4[%add3A_76, %dma_wait3A_143] : memref<320000x8xf32, #tpu.memory_space<hbm>> -> memref<5000x8xf32, #tpu.memory_space<hbm>>
      %dma_wait3A_145 = arith.constant 0 : i32
      %dma_wait3A_146 = arith.constant 0 : i32
      %dma_wait3A_147 = tpu.memref_slice %arg7[%run_scoped3A_77, %dma_wait3A_145, %dma_wait3A_146] : memref<2x5000x8xf32, #tpu.memory_space<vmem>> -> memref<1x5000x8xf32, #tpu.memory_space<vmem>>
      %dma_wait3A_148 = tpu.memref_squeeze %dma_wait3A_147 : memref<1x5000x8xf32, #tpu.memory_space<vmem>> -> memref<5000x8xf32, #tpu.memory_space<vmem>>
      tpu.wait_dma2 semaphore(%run_scoped3A_124 : memref<!tpu.dma_semaphore, #tpu.memory_space<semaphore_mem>>) src(%dma_wait3A_148 : memref<5000x8xf32, #tpu.memory_space<vmem>>) dst(%dma_wait3A_144 : memref<5000x8xf32, #tpu.memory_space<hbm>>)
      tpu.yield
    }) : () -> ()
    %add3A_78 = arith.constant 5000 : i32
    %add3A_79 = arith.addi %mul3A_2, %add3A_78 : i32
    %run_scoped3A_80 = arith.constant 0 : i32
    %run_scoped3A_81 = arith.constant 1 : i32
    "tpu.region"() ({
      %run_scoped3A_124 = tpu.sem_alloc : memref<!tpu.dma_semaphore, #tpu.memory_space<semaphore_mem>>
      %dma_start3A_125 = arith.constant 0 : i32
      %dma_start3A_126 = tpu.memref_slice %arg6[%run_scoped3A_81, %dma_start3A_125] : memref<2x5000xi32, #tpu.memory_space<vmem>> -> memref<1x5000xi32, #tpu.memory_space<vmem>>
      %dma_start3A_127 = tpu.memref_squeeze %dma_start3A_126 : memref<1x5000xi32, #tpu.memory_space<vmem>> -> memref<5000xi32, #tpu.memory_space<vmem>>
      %dma_start3A_128 = tpu.memref_slice %arg3[%run_scoped3A_80, %add3A_79] : memref<2x320000xi32, #tpu.memory_space<hbm>> -> memref<1x5000xi32, #tpu.memory_space<hbm>>
      %dma_start3A_129 = tpu.memref_squeeze %dma_start3A_128 : memref<1x5000xi32, #tpu.memory_space<hbm>> -> memref<5000xi32, #tpu.memory_space<hbm>>
      %dma_start3A_130 = arith.constant 0 : i32
      %dma_start3A_131 = tpu.memref_slice %arg6[%run_scoped3A_81, %dma_start3A_130] : memref<2x5000xi32, #tpu.memory_space<vmem>> -> memref<1x5000xi32, #tpu.memory_space<vmem>>
      %dma_start3A_132 = tpu.memref_squeeze %dma_start3A_131 : memref<1x5000xi32, #tpu.memory_space<vmem>> -> memref<5000xi32, #tpu.memory_space<vmem>>
      %dma_start3A_133 = tpu.memref_slice %arg3[%run_scoped3A_80, %add3A_79] : memref<2x320000xi32, #tpu.memory_space<hbm>> -> memref<1x5000xi32, #tpu.memory_space<hbm>>
      %dma_start3A_134 = tpu.memref_squeeze %dma_start3A_133 : memref<1x5000xi32, #tpu.memory_space<hbm>> -> memref<5000xi32, #tpu.memory_space<hbm>>
      tpu.enqueue_dma source(%dma_start3A_134 : memref<5000xi32, #tpu.memory_space<hbm>>) target(%dma_start3A_132 : memref<5000xi32, #tpu.memory_space<vmem>>) target_semaphore(%run_scoped3A_124 : memref<!tpu.dma_semaphore, #tpu.memory_space<semaphore_mem>>)
      %dma_wait3A_135 = arith.constant 0 : i32
      %dma_wait3A_136 = tpu.memref_slice %arg6[%run_scoped3A_81, %dma_wait3A_135] : memref<2x5000xi32, #tpu.memory_space<vmem>> -> memref<1x5000xi32, #tpu.memory_space<vmem>>
      %dma_wait3A_137 = tpu.memref_squeeze %dma_wait3A_136 : memref<1x5000xi32, #tpu.memory_space<vmem>> -> memref<5000xi32, #tpu.memory_space<vmem>>
      %dma_wait3A_138 = tpu.memref_slice %arg3[%run_scoped3A_80, %add3A_79] : memref<2x320000xi32, #tpu.memory_space<hbm>> -> memref<1x5000xi32, #tpu.memory_space<hbm>>
      %dma_wait3A_139 = tpu.memref_squeeze %dma_wait3A_138 : memref<1x5000xi32, #tpu.memory_space<hbm>> -> memref<5000xi32, #tpu.memory_space<hbm>>
      %dma_wait3A_140 = arith.constant 0 : i32
      %dma_wait3A_141 = tpu.memref_slice %arg6[%run_scoped3A_81, %dma_wait3A_140] : memref<2x5000xi32, #tpu.memory_space<vmem>> -> memref<1x5000xi32, #tpu.memory_space<vmem>>
      %dma_wait3A_142 = tpu.memref_squeeze %dma_wait3A_141 : memref<1x5000xi32, #tpu.memory_space<vmem>> -> memref<5000xi32, #tpu.memory_space<vmem>>
      %dma_wait3A_143 = tpu.memref_slice %arg3[%run_scoped3A_80, %add3A_79] : memref<2x320000xi32, #tpu.memory_space<hbm>> -> memref<1x5000xi32, #tpu.memory_space<hbm>>
      %dma_wait3A_144 = tpu.memref_squeeze %dma_wait3A_143 : memref<1x5000xi32, #tpu.memory_space<hbm>> -> memref<5000xi32, #tpu.memory_space<hbm>>
      tpu.wait_dma2 semaphore(%run_scoped3A_124 : memref<!tpu.dma_semaphore, #tpu.memory_space<semaphore_mem>>) src(%dma_wait3A_144 : memref<5000xi32, #tpu.memory_space<hbm>>) dst(%dma_wait3A_142 : memref<5000xi32, #tpu.memory_space<vmem>>)
      tpu.yield
    }) : () -> ()
    %dma_start3A_82 = arith.constant 1 : i32
    %dma_start3A_83 = arith.constant 1 : i32
    %dma_start3A_84 = arith.constant 0 : i32
    %dma_start3A_85 = arith.constant 0 : i32
    %dma_start3A_86 = tpu.memref_slice %arg7[%dma_start3A_83, %dma_start3A_84, %dma_start3A_85] : memref<2x5000x8xf32, #tpu.memory_space<vmem>> -> memref<1x5000x8xf32, #tpu.memory_space<vmem>>
    %dma_start3A_87 = tpu.memref_squeeze %dma_start3A_86 : memref<1x5000x8xf32, #tpu.memory_space<vmem>> -> memref<5000x8xf32, #tpu.memory_space<vmem>>
    %dma_start3A_88 = arith.constant 0 : i32
    %dma_start3A_89 = tpu.memref_slice %arg6[%dma_start3A_82, %dma_start3A_88] : memref<2x5000xi32, #tpu.memory_space<vmem>> -> memref<1x5000xi32, #tpu.memory_space<vmem>>
    %dma_start3A_90 = tpu.memref_squeeze %dma_start3A_89 : memref<1x5000xi32, #tpu.memory_space<vmem>> -> memref<5000xi32, #tpu.memory_space<vmem>>
    %dma_start3A_91 = arith.constant 0 : i32
    %dma_start3A_92 = arith.constant 0 : i32
    %dma_start3A_93 = tpu.memref_slice %arg2[%dma_start3A_91, %dma_start3A_92] : memref<10000x8xf32, #tpu.memory_space<hbm>> -> memref<10000x8xf32, #tpu.memory_space<hbm>>
    tpu.enqueue_indirect_dma source(%dma_start3A_93 : memref<10000x8xf32, #tpu.memory_space<hbm>>) target(%dma_start3A_87 : memref<5000x8xf32, #tpu.memory_space<vmem>>) offsets(%dma_start3A_90 : memref<5000xi32, #tpu.memory_space<vmem>>) semaphore(%arg9 : memref<!tpu.dma_semaphore, #tpu.memory_space<semaphore_mem>>)
    %dma_wait3A_94 = arith.constant 0 : i32
    %dma_wait3A_95 = arith.constant 0 : i32
    %dma_wait3A_96 = arith.constant 0 : i32
    %dma_wait3A_97 = arith.constant 0 : i32
    %dma_wait3A_98 = tpu.memref_slice %arg7[%dma_wait3A_95, %dma_wait3A_96, %dma_wait3A_97] : memref<2x5000x8xf32, #tpu.memory_space<vmem>> -> memref<1x5000x8xf32, #tpu.memory_space<vmem>>
    %dma_wait3A_99 = tpu.memref_squeeze %dma_wait3A_98 : memref<1x5000x8xf32, #tpu.memory_space<vmem>> -> memref<5000x8xf32, #tpu.memory_space<vmem>>
    %dma_wait3A_100 = arith.constant 0 : i32
    %dma_wait3A_101 = tpu.memref_slice %arg6[%dma_wait3A_94, %dma_wait3A_100] : memref<2x5000xi32, #tpu.memory_space<vmem>> -> memref<1x5000xi32, #tpu.memory_space<vmem>>
    %dma_wait3A_102 = tpu.memref_squeeze %dma_wait3A_101 : memref<1x5000xi32, #tpu.memory_space<vmem>> -> memref<5000xi32, #tpu.memory_space<vmem>>
    %dma_wait3A_103 = arith.constant 0 : i32
    %dma_wait3A_104 = arith.constant 0 : i32
    %dma_wait3A_105 = tpu.memref_slice %arg2[%dma_wait3A_103, %dma_wait3A_104] : memref<10000x8xf32, #tpu.memory_space<hbm>> -> memref<10000x8xf32, #tpu.memory_space<hbm>>
    tpu.wait_indirect_dma semaphore(%arg8 : memref<!tpu.dma_semaphore, #tpu.memory_space<semaphore_mem>>) src(%dma_wait3A_105 : memref<10000x8xf32, #tpu.memory_space<hbm>>) dst(%dma_wait3A_99 : memref<5000x8xf32, #tpu.memory_space<vmem>>)
    %add3A_106 = arith.constant 0 : i32
    %add3A_107 = arith.addi %mul3A_2, %add3A_106 : i32
    %run_scoped3A_108 = arith.constant 0 : i32
    "tpu.region"() ({
      %run_scoped3A_124 = tpu.sem_alloc : memref<!tpu.dma_semaphore, #tpu.memory_space<semaphore_mem>>
      %dma_start3A_125 = arith.constant 0 : i32
      %dma_start3A_126 = arith.constant 0 : i32
      %dma_start3A_127 = tpu.memref_slice %arg7[%run_scoped3A_108, %dma_start3A_125, %dma_start3A_126] : memref<2x5000x8xf32, #tpu.memory_space<vmem>> -> memref<1x5000x8xf32, #tpu.memory_space<vmem>>
      %dma_start3A_128 = tpu.memref_squeeze %dma_start3A_127 : memref<1x5000x8xf32, #tpu.memory_space<vmem>> -> memref<5000x8xf32, #tpu.memory_space<vmem>>
      %dma_start3A_129 = arith.constant 0 : i32
      %dma_start3A_130 = tpu.memref_slice %arg5[%add3A_107, %dma_start3A_129] : memref<320000x8xf32, #tpu.memory_space<hbm>> -> memref<5000x8xf32, #tpu.memory_space<hbm>>
      %dma_start3A_131 = arith.constant 0 : i32
      %dma_start3A_132 = tpu.memref_slice %arg5[%add3A_107, %dma_start3A_131] : memref<320000x8xf32, #tpu.memory_space<hbm>> -> memref<5000x8xf32, #tpu.memory_space<hbm>>
      %dma_start3A_133 = arith.constant 0 : i32
      %dma_start3A_134 = arith.constant 0 : i32
      %dma_start3A_135 = tpu.memref_slice %arg7[%run_scoped3A_108, %dma_start3A_133, %dma_start3A_134] : memref<2x5000x8xf32, #tpu.memory_space<vmem>> -> memref<1x5000x8xf32, #tpu.memory_space<vmem>>
      %dma_start3A_136 = tpu.memref_squeeze %dma_start3A_135 : memref<1x5000x8xf32, #tpu.memory_space<vmem>> -> memref<5000x8xf32, #tpu.memory_space<vmem>>
      tpu.enqueue_dma source(%dma_start3A_136 : memref<5000x8xf32, #tpu.memory_space<vmem>>) target(%dma_start3A_132 : memref<5000x8xf32, #tpu.memory_space<hbm>>) target_semaphore(%run_scoped3A_124 : memref<!tpu.dma_semaphore, #tpu.memory_space<semaphore_mem>>)
      %dma_wait3A_137 = arith.constant 0 : i32
      %dma_wait3A_138 = arith.constant 0 : i32
      %dma_wait3A_139 = tpu.memref_slice %arg7[%run_scoped3A_108, %dma_wait3A_137, %dma_wait3A_138] : memref<2x5000x8xf32, #tpu.memory_space<vmem>> -> memref<1x5000x8xf32, #tpu.memory_space<vmem>>
      %dma_wait3A_140 = tpu.memref_squeeze %dma_wait3A_139 : memref<1x5000x8xf32, #tpu.memory_space<vmem>> -> memref<5000x8xf32, #tpu.memory_space<vmem>>
      %dma_wait3A_141 = arith.constant 0 : i32
      %dma_wait3A_142 = tpu.memref_slice %arg5[%add3A_107, %dma_wait3A_141] : memref<320000x8xf32, #tpu.memory_space<hbm>> -> memref<5000x8xf32, #tpu.memory_space<hbm>>
      %dma_wait3A_143 = arith.constant 0 : i32
      %dma_wait3A_144 = tpu.memref_slice %arg5[%add3A_107, %dma_wait3A_143] : memref<320000x8xf32, #tpu.memory_space<hbm>> -> memref<5000x8xf32, #tpu.memory_space<hbm>>
      %dma_wait3A_145 = arith.constant 0 : i32
      %dma_wait3A_146 = arith.constant 0 : i32
      %dma_wait3A_147 = tpu.memref_slice %arg7[%run_scoped3A_108, %dma_wait3A_145, %dma_wait3A_146] : memref<2x5000x8xf32, #tpu.memory_space<vmem>> -> memref<1x5000x8xf32, #tpu.memory_space<vmem>>
      %dma_wait3A_148 = tpu.memref_squeeze %dma_wait3A_147 : memref<1x5000x8xf32, #tpu.memory_space<vmem>> -> memref<5000x8xf32, #tpu.memory_space<vmem>>
      tpu.wait_dma2 semaphore(%run_scoped3A_124 : memref<!tpu.dma_semaphore, #tpu.memory_space<semaphore_mem>>) src(%dma_wait3A_148 : memref<5000x8xf32, #tpu.memory_space<vmem>>) dst(%dma_wait3A_144 : memref<5000x8xf32, #tpu.memory_space<hbm>>)
      tpu.yield
    }) : () -> ()
    %dma_wait3A_109 = arith.constant 1 : i32
    %dma_wait3A_110 = arith.constant 1 : i32
    %dma_wait3A_111 = arith.constant 0 : i32
    %dma_wait3A_112 = arith.constant 0 : i32
    %dma_wait3A_113 = tpu.memref_slice %arg7[%dma_wait3A_110, %dma_wait3A_111, %dma_wait3A_112] : memref<2x5000x8xf32, #tpu.memory_space<vmem>> -> memref<1x5000x8xf32, #tpu.memory_space<vmem>>
    %dma_wait3A_114 = tpu.memref_squeeze %dma_wait3A_113 : memref<1x5000x8xf32, #tpu.memory_space<vmem>> -> memref<5000x8xf32, #tpu.memory_space<vmem>>
    %dma_wait3A_115 = arith.constant 0 : i32
    %dma_wait3A_116 = tpu.memref_slice %arg6[%dma_wait3A_109, %dma_wait3A_115] : memref<2x5000xi32, #tpu.memory_space<vmem>> -> memref<1x5000xi32, #tpu.memory_space<vmem>>
    %dma_wait3A_117 = tpu.memref_squeeze %dma_wait3A_116 : memref<1x5000xi32, #tpu.memory_space<vmem>> -> memref<5000xi32, #tpu.memory_space<vmem>>
    %dma_wait3A_118 = arith.constant 0 : i32
    %dma_wait3A_119 = arith.constant 0 : i32
    %dma_wait3A_120 = tpu.memref_slice %arg2[%dma_wait3A_118, %dma_wait3A_119] : memref<10000x8xf32, #tpu.memory_space<hbm>> -> memref<10000x8xf32, #tpu.memory_space<hbm>>
    tpu.wait_indirect_dma semaphore(%arg9 : memref<!tpu.dma_semaphore, #tpu.memory_space<semaphore_mem>>) src(%dma_wait3A_120 : memref<10000x8xf32, #tpu.memory_space<hbm>>) dst(%dma_wait3A_114 : memref<5000x8xf32, #tpu.memory_space<vmem>>)
    %add3A_121 = arith.constant 5000 : i32
    %add3A_122 = arith.addi %mul3A_2, %add3A_121 : i32
    %run_scoped3A_123 = arith.constant 1 : i32
    "tpu.region"() ({
      %run_scoped3A_124 = tpu.sem_alloc : memref<!tpu.dma_semaphore, #tpu.memory_space<semaphore_mem>>
      %dma_start3A_125 = arith.constant 0 : i32
      %dma_start3A_126 = arith.constant 0 : i32
      %dma_start3A_127 = tpu.memref_slice %arg7[%run_scoped3A_123, %dma_start3A_125, %dma_start3A_126] : memref<2x5000x8xf32, #tpu.memory_space<vmem>> -> memref<1x5000x8xf32, #tpu.memory_space<vmem>>
      %dma_start3A_128 = tpu.memref_squeeze %dma_start3A_127 : memref<1x5000x8xf32, #tpu.memory_space<vmem>> -> memref<5000x8xf32, #tpu.memory_space<vmem>>
      %dma_start3A_129 = arith.constant 0 : i32
      %dma_start3A_130 = tpu.memref_slice %arg5[%add3A_122, %dma_start3A_129] : memref<320000x8xf32, #tpu.memory_space<hbm>> -> memref<5000x8xf32, #tpu.memory_space<hbm>>
      %dma_start3A_131 = arith.constant 0 : i32
      %dma_start3A_132 = tpu.memref_slice %arg5[%add3A_122, %dma_start3A_131] : memref<320000x8xf32, #tpu.memory_space<hbm>> -> memref<5000x8xf32, #tpu.memory_space<hbm>>
      %dma_start3A_133 = arith.constant 0 : i32
      %dma_start3A_134 = arith.constant 0 : i32
      %dma_start3A_135 = tpu.memref_slice %arg7[%run_scoped3A_123, %dma_start3A_133, %dma_start3A_134] : memref<2x5000x8xf32, #tpu.memory_space<vmem>> -> memref<1x5000x8xf32, #tpu.memory_space<vmem>>
      %dma_start3A_136 = tpu.memref_squeeze %dma_start3A_135 : memref<1x5000x8xf32, #tpu.memory_space<vmem>> -> memref<5000x8xf32, #tpu.memory_space<vmem>>
      tpu.enqueue_dma source(%dma_start3A_136 : memref<5000x8xf32, #tpu.memory_space<vmem>>) target(%dma_start3A_132 : memref<5000x8xf32, #tpu.memory_space<hbm>>) target_semaphore(%run_scoped3A_124 : memref<!tpu.dma_semaphore, #tpu.memory_space<semaphore_mem>>)
      %dma_wait3A_137 = arith.constant 0 : i32
      %dma_wait3A_138 = arith.constant 0 : i32
      %dma_wait3A_139 = tpu.memref_slice %arg7[%run_scoped3A_123, %dma_wait3A_137, %dma_wait3A_138] : memref<2x5000x8xf32, #tpu.memory_space<vmem>> -> memref<1x5000x8xf32, #tpu.memory_space<vmem>>
      %dma_wait3A_140 = tpu.memref_squeeze %dma_wait3A_139 : memref<1x5000x8xf32, #tpu.memory_space<vmem>> -> memref<5000x8xf32, #tpu.memory_space<vmem>>
      %dma_wait3A_141 = arith.constant 0 : i32
      %dma_wait3A_142 = tpu.memref_slice %arg5[%add3A_122, %dma_wait3A_141] : memref<320000x8xf32, #tpu.memory_space<hbm>> -> memref<5000x8xf32, #tpu.memory_space<hbm>>
      %dma_wait3A_143 = arith.constant 0 : i32
      %dma_wait3A_144 = tpu.memref_slice %arg5[%add3A_122, %dma_wait3A_143] : memref<320000x8xf32, #tpu.memory_space<hbm>> -> memref<5000x8xf32, #tpu.memory_space<hbm>>
      %dma_wait3A_145 = arith.constant 0 : i32
      %dma_wait3A_146 = arith.constant 0 : i32
      %dma_wait3A_147 = tpu.memref_slice %arg7[%run_scoped3A_123, %dma_wait3A_145, %dma_wait3A_146] : memref<2x5000x8xf32, #tpu.memory_space<vmem>> -> memref<1x5000x8xf32, #tpu.memory_space<vmem>>
      %dma_wait3A_148 = tpu.memref_squeeze %dma_wait3A_147 : memref<1x5000x8xf32, #tpu.memory_space<vmem>> -> memref<5000x8xf32, #tpu.memory_space<vmem>>
      tpu.wait_dma2 semaphore(%run_scoped3A_124 : memref<!tpu.dma_semaphore, #tpu.memory_space<semaphore_mem>>) src(%dma_wait3A_148 : memref<5000x8xf32, #tpu.memory_space<vmem>>) dst(%dma_wait3A_144 : memref<5000x8xf32, #tpu.memory_space<hbm>>)
      tpu.yield
    }) : () -> ()
    return
  }
}

#map = affine_map<(d0, d1) -> (0, 0)>
module attributes {stable_mosaic.version = 14 : i64} {
  func.func @sc_gather(%arg0: i32, %arg1: i32, %arg2: memref<10000x8xf32, #tpu.memory_space<hbm>>, %arg3: memref<2x320000xi32, #tpu.memory_space<hbm>>, %arg4: memref<320000x8xf32, #tpu.memory_space<hbm>>, %arg5: memref<320000x8xf32, #tpu.memory_space<hbm>>, %arg6: memref<2x5000xi32, #tpu.memory_space<vmem>>, %arg7: memref<2x5000x8xf32, #tpu.memory_space<vmem>>, %arg8: memref<!tpu.dma_semaphore, #tpu.memory_space<semaphore_mem>>, %arg9: memref<!tpu.dma_semaphore, #tpu.memory_space<semaphore_mem>>) attributes {dimension_semantics = [#tpu.dimension_semantics<core_parallel>, #tpu.dimension_semantics<subcore_parallel>], iteration_bounds = array<i64: 2, 16>, scalar_prefetch = 0 : i64, scratch_operands = 4 : i64, tpu.core_type = #tpu.core_type<sc_vector_subcore>, window_params = [{transform_indices = #map}, {transform_indices = #map}, {transform_indices = #map}, {transform_indices = #map}]} {
    %mul3A = arith.constant 2 : i32
    %mul3A_0 = arith.muli %arg1, %mul3A : i32
    %add3A = arith.addi %mul3A_0, %arg0 : i32
    %mul3A_1 = arith.constant 10000 : i32
    %mul3A_2 = arith.muli %add3A, %mul3A_1 : i32
    %add3A_3 = arith.constant 0 : i32
    %add3A_4 = arith.addi %mul3A_2, %add3A_3 : i32
    %run_scoped3A = arith.constant 1 : i32
    %run_scoped3A_5 = arith.constant 0 : i32
    "tpu.region"() ({
      %run_scoped3A_124 = tpu.sem_alloc : memref<!tpu.dma_semaphore, #tpu.memory_space<semaphore_mem>>
      %dma_start3A_125 = arith.constant 0 : i32
      %dma_start3A_126 = tpu.memref_slice %arg6[%run_scoped3A_5, %dma_start3A_125] : memref<2x5000xi32, #tpu.memory_space<vmem>> -> memref<1x5000xi32, #tpu.memory_space<vmem>>
      %dma_start3A_127 = tpu.memref_squeeze %dma_start3A_126 : memref<1x5000xi32, #tpu.memory_space<vmem>> -> memref<5000xi32, #tpu.memory_space<vmem>>
      %dma_start3A_128 = tpu.memref_slice %arg3[%run_scoped3A, %add3A_4] : memref<2x320000xi32, #tpu.memory_space<hbm>> -> memref<1x5000xi32, #tpu.memory_space<hbm>>
      %dma_start3A_129 = tpu.memref_squeeze %dma_start3A_128 : memref<1x5000xi32, #tpu.memory_space<hbm>> -> memref<5000xi32, #tpu.memory_space<hbm>>
      %dma_start3A_130 = arith.constant 0 : i32
      %dma_start3A_131 = tpu.memref_slice %arg6[%run_scoped3A_5, %dma_start3A_130] : memref<2x5000xi32, #tpu.memory_space<vmem>> -> memref<1x5000xi32, #tpu.memory_space<vmem>>
      %dma_start3A_132 = tpu.memref_squeeze %dma_start3A_131 : memref<1x5000xi32, #tpu.memory_space<vmem>> -> memref<5000xi32, #tpu.memory_space<vmem>>
      %dma_start3A_133 = tpu.memref_slice %arg3[%run_scoped3A, %add3A_4] : memref<2x320000xi32, #tpu.memory_space<hbm>> -> memref<1x5000xi32, #tpu.memory_space<hbm>>
      %dma_start3A_134 = tpu.memref_squeeze %dma_start3A_133 : memref<1x5000xi32, #tpu.memory_space<hbm>> -> memref<5000xi32, #tpu.memory_space<hbm>>
      tpu.enqueue_dma source(%dma_start3A_134 : memref<5000xi32, #tpu.memory_space<hbm>>) target(%dma_start3A_132 : memref<5000xi32, #tpu.memory_space<vmem>>) target_semaphore(%run_scoped3A_124 : memref<!tpu.dma_semaphore, #tpu.memory_space<semaphore_mem>>)
      %dma_wait3A_135 = arith.constant 0 : i32
      %dma_wait3A_136 = tpu.memref_slice %arg6[%run_scoped3A_5, %dma_wait3A_135] : memref<2x5000xi32, #tpu.memory_space<vmem>> -> memref<1x5000xi32, #tpu.memory_space<vmem>>
      %dma_wait3A_137 = tpu.memref_squeeze %dma_wait3A_136 : memref<1x5000xi32, #tpu.memory_space<vmem>> -> memref<5000xi32, #tpu.memory_space<vmem>>
      %dma_wait3A_138 = tpu.memref_slice %arg3[%run_scoped3A, %add3A_4] : memref<2x320000xi32, #tpu.memory_space<hbm>> -> memref<1x5000xi32, #tpu.memory_space<hbm>>
      %dma_wait3A_139 = tpu.memref_squeeze %dma_wait3A_138 : memref<1x5000xi32, #tpu.memory_space<hbm>> -> memref<5000xi32, #tpu.memory_space<hbm>>
      %dma_wait3A_140 = arith.constant 0 : i32
      %dma_wait3A_141 = tpu.memref_slice %arg6[%run_scoped3A_5, %dma_wait3A_140] : memref<2x5000xi32, #tpu.memory_space<vmem>> -> memref<1x5000xi32, #tpu.memory_space<vmem>>
      %dma_wait3A_142 = tpu.memref_squeeze %dma_wait3A_141 : memref<1x5000xi32, #tpu.memory_space<vmem>> -> memref<5000xi32, #tpu.memory_space<vmem>>
      %dma_wait3A_143 = tpu.memref_slice %arg3[%run_scoped3A, %add3A_4] : memref<2x320000xi32, #tpu.memory_space<hbm>> -> memref<1x5000xi32, #tpu.memory_space<hbm>>
      %dma_wait3A_144 = tpu.memref_squeeze %dma_wait3A_143 : memref<1x5000xi32, #tpu.memory_space<hbm>> -> memref<5000xi32, #tpu.memory_space<hbm>>
      tpu.wait_dma2 semaphore(%run_scoped3A_124 : memref<!tpu.dma_semaphore, #tpu.memory_space<semaphore_mem>>) src(%dma_wait3A_144 : memref<5000xi32, #tpu.memory_space<hbm>>) dst(%dma_wait3A_142 : memref<5000xi32, #tpu.memory_space<vmem>>)
      tpu.yield
    }) : () -> ()
    %dma_start3A = arith.constant 0 : i32
    %dma_start3A_6 = arith.constant 0 : i32
    %dma_start3A_7 = arith.constant 0 : i32
    %dma_start3A_8 = arith.constant 0 : i32
    %dma_start3A_9 = tpu.memref_slice %arg7[%dma_start3A_6, %dma_start3A_7, %dma_start3A_8] : memref<2x5000x8xf32, #tpu.memory_space<vmem>> -> memref<1x5000x8xf32, #tpu.memory_space<vmem>>
    %dma_start3A_10 = tpu.memref_squeeze %dma_start3A_9 : memref<1x5000x8xf32, #tpu.memory_space<vmem>> -> memref<5000x8xf32, #tpu.memory_space<vmem>>
    %dma_start3A_11 = arith.constant 0 : i32
    %dma_start3A_12 = tpu.memref_slice %arg6[%dma_start3A, %dma_start3A_11] : memref<2x5000xi32, #tpu.memory_space<vmem>> -> memref<1x5000xi32, #tpu.memory_space<vmem>>
    %dma_start3A_13 = tpu.memref_squeeze %dma_start3A_12 : memref<1x5000xi32, #tpu.memory_space<vmem>> -> memref<5000xi32, #tpu.memory_space<vmem>>
    %dma_start3A_14 = arith.constant 0 : i32
    %dma_start3A_15 = arith.constant 0 : i32
    %dma_start3A_16 = tpu.memref_slice %arg2[%dma_start3A_14, %dma_start3A_15] : memref<10000x8xf32, #tpu.memory_space<hbm>> -> memref<10000x8xf32, #tpu.memory_space<hbm>>
    tpu.enqueue_indirect_dma source(%dma_start3A_16 : memref<10000x8xf32, #tpu.memory_space<hbm>>) target(%dma_start3A_10 : memref<5000x8xf32, #tpu.memory_space<vmem>>) offsets(%dma_start3A_13 : memref<5000xi32, #tpu.memory_space<vmem>>) semaphore(%arg8 : memref<!tpu.dma_semaphore, #tpu.memory_space<semaphore_mem>>)
    %add3A_17 = arith.constant 5000 : i32
    %add3A_18 = arith.addi %mul3A_2, %add3A_17 : i32
    %run_scoped3A_19 = arith.constant 1 : i32
    %run_scoped3A_20 = arith.constant 1 : i32
    "tpu.region"() ({
      %run_scoped3A_124 = tpu.sem_alloc : memref<!tpu.dma_semaphore, #tpu.memory_space<semaphore_mem>>
      %dma_start3A_125 = arith.constant 0 : i32
      %dma_start3A_126 = tpu.memref_slice %arg6[%run_scoped3A_20, %dma_start3A_125] : memref<2x5000xi32, #tpu.memory_space<vmem>> -> memref<1x5000xi32, #tpu.memory_space<vmem>>
      %dma_start3A_127 = tpu.memref_squeeze %dma_start3A_126 : memref<1x5000xi32, #tpu.memory_space<vmem>> -> memref<5000xi32, #tpu.memory_space<vmem>>
      %dma_start3A_128 = tpu.memref_slice %arg3[%run_scoped3A_19, %add3A_18] : memref<2x320000xi32, #tpu.memory_space<hbm>> -> memref<1x5000xi32, #tpu.memory_space<hbm>>
      %dma_start3A_129 = tpu.memref_squeeze %dma_start3A_128 : memref<1x5000xi32, #tpu.memory_space<hbm>> -> memref<5000xi32, #tpu.memory_space<hbm>>
      %dma_start3A_130 = arith.constant 0 : i32
      %dma_start3A_131 = tpu.memref_slice %arg6[%run_scoped3A_20, %dma_start3A_130] : memref<2x5000xi32, #tpu.memory_space<vmem>> -> memref<1x5000xi32, #tpu.memory_space<vmem>>
      %dma_start3A_132 = tpu.memref_squeeze %dma_start3A_131 : memref<1x5000xi32, #tpu.memory_space<vmem>> -> memref<5000xi32, #tpu.memory_space<vmem>>
      %dma_start3A_133 = tpu.memref_slice %arg3[%run_scoped3A_19, %add3A_18] : memref<2x320000xi32, #tpu.memory_space<hbm>> -> memref<1x5000xi32, #tpu.memory_space<hbm>>
      %dma_start3A_134 = tpu.memref_squeeze %dma_start3A_133 : memref<1x5000xi32, #tpu.memory_space<hbm>> -> memref<5000xi32, #tpu.memory_space<hbm>>
      tpu.enqueue_dma source(%dma_start3A_134 : memref<5000xi32, #tpu.memory_space<hbm>>) target(%dma_start3A_132 : memref<5000xi32, #tpu.memory_space<vmem>>) target_semaphore(%run_scoped3A_124 : memref<!tpu.dma_semaphore, #tpu.memory_space<semaphore_mem>>)
      %dma_wait3A_135 = arith.constant 0 : i32
      %dma_wait3A_136 = tpu.memref_slice %arg6[%run_scoped3A_20, %dma_wait3A_135] : memref<2x5000xi32, #tpu.memory_space<vmem>> -> memref<1x5000xi32, #tpu.memory_space<vmem>>
      %dma_wait3A_137 = tpu.memref_squeeze %dma_wait3A_136 : memref<1x5000xi32, #tpu.memory_space<vmem>> -> memref<5000xi32, #tpu.memory_space<vmem>>
      %dma_wait3A_138 = tpu.memref_slice %arg3[%run_scoped3A_19, %add3A_18] : memref<2x320000xi32, #tpu.memory_space<hbm>> -> memref<1x5000xi32, #tpu.memory_space<hbm>>
      %dma_wait3A_139 = tpu.memref_squeeze %dma_wait3A_138 : memref<1x5000xi32, #tpu.memory_space<hbm>> -> memref<5000xi32, #tpu.memory_space<hbm>>
      %dma_wait3A_140 = arith.constant 0 : i32
      %dma_wait3A_141 = tpu.memref_slice %arg6[%run_scoped3A_20, %dma_wait3A_140] : memref<2x5000xi32, #tpu.memory_space<vmem>> -> memref<1x5000xi32, #tpu.memory_space<vmem>>
      %dma_wait3A_142 = tpu.memref_squeeze %dma_wait3A_141 : memref<1x5000xi32, #tpu.memory_space<vmem>> -> memref<5000xi32, #tpu.memory_space<vmem>>
      %dma_wait3A_143 = tpu.memref_slice %arg3[%run_scoped3A_19, %add3A_18] : memref<2x320000xi32, #tpu.memory_space<hbm>> -> memref<1x5000xi32, #tpu.memory_space<hbm>>
      %dma_wait3A_144 = tpu.memref_squeeze %dma_wait3A_143 : memref<1x5000xi32, #tpu.memory_space<hbm>> -> memref<5000xi32, #tpu.memory_space<hbm>>
      tpu.wait_dma2 semaphore(%run_scoped3A_124 : memref<!tpu.dma_semaphore, #tpu.memory_space<semaphore_mem>>) src(%dma_wait3A_144 : memref<5000xi32, #tpu.memory_space<hbm>>) dst(%dma_wait3A_142 : memref<5000xi32, #tpu.memory_space<vmem>>)
      tpu.yield
    }) : () -> ()
    %dma_start3A_21 = arith.constant 1 : i32
    %dma_start3A_22 = arith.constant 1 : i32
    %dma_start3A_23 = arith.constant 0 : i32
    %dma_start3A_24 = arith.constant 0 : i32
    %dma_start3A_25 = tpu.memref_slice %arg7[%dma_start3A_22, %dma_start3A_23, %dma_start3A_24] : memref<2x5000x8xf32, #tpu.memory_space<vmem>> -> memref<1x5000x8xf32, #tpu.memory_space<vmem>>
    %dma_start3A_26 = tpu.memref_squeeze %dma_start3A_25 : memref<1x5000x8xf32, #tpu.memory_space<vmem>> -> memref<5000x8xf32, #tpu.memory_space<vmem>>
    %dma_start3A_27 = arith.constant 0 : i32
    %dma_start3A_28 = tpu.memref_slice %arg6[%dma_start3A_21, %dma_start3A_27] : memref<2x5000xi32, #tpu.memory_space<vmem>> -> memref<1x5000xi32, #tpu.memory_space<vmem>>
    %dma_start3A_29 = tpu.memref_squeeze %dma_start3A_28 : memref<1x5000xi32, #tpu.memory_space<vmem>> -> memref<5000xi32, #tpu.memory_space<vmem>>
    %dma_start3A_30 = arith.constant 0 : i32
    %dma_start3A_31 = arith.constant 0 : i32
    %dma_start3A_32 = tpu.memref_slice %arg2[%dma_start3A_30, %dma_start3A_31] : memref<10000x8xf32, #tpu.memory_space<hbm>> -> memref<10000x8xf32, #tpu.memory_space<hbm>>
    tpu.enqueue_indirect_dma source(%dma_start3A_32 : memref<10000x8xf32, #tpu.memory_space<hbm>>) target(%dma_start3A_26 : memref<5000x8xf32, #tpu.memory_space<vmem>>) offsets(%dma_start3A_29 : memref<5000xi32, #tpu.memory_space<vmem>>) semaphore(%arg9 : memref<!tpu.dma_semaphore, #tpu.memory_space<semaphore_mem>>)
    %dma_wait3A = arith.constant 0 : i32
    %dma_wait3A_33 = arith.constant 0 : i32
    %dma_wait3A_34 = arith.constant 0 : i32
    %dma_wait3A_35 = arith.constant 0 : i32
    %dma_wait3A_36 = tpu.memref_slice %arg7[%dma_wait3A_33, %dma_wait3A_34, %dma_wait3A_35] : memref<2x5000x8xf32, #tpu.memory_space<vmem>> -> memref<1x5000x8xf32, #tpu.memory_space<vmem>>
    %dma_wait3A_37 = tpu.memref_squeeze %dma_wait3A_36 : memref<1x5000x8xf32, #tpu.memory_space<vmem>> -> memref<5000x8xf32, #tpu.memory_space<vmem>>
    %dma_wait3A_38 = arith.constant 0 : i32
    %dma_wait3A_39 = tpu.memref_slice %arg6[%dma_wait3A, %dma_wait3A_38] : memref<2x5000xi32, #tpu.memory_space<vmem>> -> memref<1x5000xi32, #tpu.memory_space<vmem>>
    %dma_wait3A_40 = tpu.memref_squeeze %dma_wait3A_39 : memref<1x5000xi32, #tpu.memory_space<vmem>> -> memref<5000xi32, #tpu.memory_space<vmem>>
    %dma_wait3A_41 = arith.constant 0 : i32
    %dma_wait3A_42 = arith.constant 0 : i32
    %dma_wait3A_43 = tpu.memref_slice %arg2[%dma_wait3A_41, %dma_wait3A_42] : memref<10000x8xf32, #tpu.memory_space<hbm>> -> memref<10000x8xf32, #tpu.memory_space<hbm>>
    tpu.wait_indirect_dma semaphore(%arg8 : memref<!tpu.dma_semaphore, #tpu.memory_space<semaphore_mem>>) src(%dma_wait3A_43 : memref<10000x8xf32, #tpu.memory_space<hbm>>) dst(%dma_wait3A_37 : memref<5000x8xf32, #tpu.memory_space<vmem>>)
    %add3A_44 = arith.constant 0 : i32
    %add3A_45 = arith.addi %mul3A_2, %add3A_44 : i32
    %run_scoped3A_46 = arith.constant 0 : i32
    "tpu.region"() ({
      %run_scoped3A_124 = tpu.sem_alloc : memref<!tpu.dma_semaphore, #tpu.memory_space<semaphore_mem>>
      %dma_start3A_125 = arith.constant 0 : i32
      %dma_start3A_126 = arith.constant 0 : i32
      %dma_start3A_127 = tpu.memref_slice %arg7[%run_scoped3A_46, %dma_start3A_125, %dma_start3A_126] : memref<2x5000x8xf32, #tpu.memory_space<vmem>> -> memref<1x5000x8xf32, #tpu.memory_space<vmem>>
      %dma_start3A_128 = tpu.memref_squeeze %dma_start3A_127 : memref<1x5000x8xf32, #tpu.memory_space<vmem>> -> memref<5000x8xf32, #tpu.memory_space<vmem>>
      %dma_start3A_129 = arith.constant 0 : i32
      %dma_start3A_130 = tpu.memref_slice %arg4[%add3A_45, %dma_start3A_129] : memref<320000x8xf32, #tpu.memory_space<hbm>> -> memref<5000x8xf32, #tpu.memory_space<hbm>>
      %dma_start3A_131 = arith.constant 0 : i32
      %dma_start3A_132 = tpu.memref_slice %arg4[%add3A_45, %dma_start3A_131] : memref<320000x8xf32, #tpu.memory_space<hbm>> -> memref<5000x8xf32, #tpu.memory_space<hbm>>
      %dma_start3A_133 = arith.constant 0 : i32
      %dma_start3A_134 = arith.constant 0 : i32
      %dma_start3A_135 = tpu.memref_slice %arg7[%run_scoped3A_46, %dma_start3A_133, %dma_start3A_134] : memref<2x5000x8xf32, #tpu.memory_space<vmem>> -> memref<1x5000x8xf32, #tpu.memory_space<vmem>>
      %dma_start3A_136 = tpu.memref_squeeze %dma_start3A_135 : memref<1x5000x8xf32, #tpu.memory_space<vmem>> -> memref<5000x8xf32, #tpu.memory_space<vmem>>
      tpu.enqueue_dma source(%dma_start3A_136 : memref<5000x8xf32, #tpu.memory_space<vmem>>) target(%dma_start3A_132 : memref<5000x8xf32, #tpu.memory_space<hbm>>) target_semaphore(%run_scoped3A_124 : memref<!tpu.dma_semaphore, #tpu.memory_space<semaphore_mem>>)
      %dma_wait3A_137 = arith.constant 0 : i32
      %dma_wait3A_138 = arith.constant 0 : i32
      %dma_wait3A_139 = tpu.memref_slice %arg7[%run_scoped3A_46, %dma_wait3A_137, %dma_wait3A_138] : memref<2x5000x8xf32, #tpu.memory_space<vmem>> -> memref<1x5000x8xf32, #tpu.memory_space<vmem>>
      %dma_wait3A_140 = tpu.memref_squeeze %dma_wait3A_139 : memref<1x5000x8xf32, #tpu.memory_space<vmem>> -> memref<5000x8xf32, #tpu.memory_space<vmem>>
      %dma_wait3A_141 = arith.constant 0 : i32
      %dma_wait3A_142 = tpu.memref_slice %arg4[%add3A_45, %dma_wait3A_141] : memref<320000x8xf32, #tpu.memory_space<hbm>> -> memref<5000x8xf32, #tpu.memory_space<hbm>>
      %dma_wait3A_143 = arith.constant 0 : i32
      %dma_wait3A_144 = tpu.memref_slice %arg4[%add3A_45, %dma_wait3A_143] : memref<320000x8xf32, #tpu.memory_space<hbm>> -> memref<5000x8xf32, #tpu.memory_space<hbm>>
      %dma_wait3A_145 = arith.constant 0 : i32
      %dma_wait3A_146 = arith.constant 0 : i32
      %dma_wait3A_147 = tpu.memref_slice %arg7[%run_scoped3A_46, %dma_wait3A_145, %dma_wait3A_146] : memref<2x5000x8xf32, #tpu.memory_space<vmem>> -> memref<1x5000x8xf32, #tpu.memory_space<vmem>>
      %dma_wait3A_148 = tpu.memref_squeeze %dma_wait3A_147 : memref<1x5000x8xf32, #tpu.memory_space<vmem>> -> memref<5000x8xf32, #tpu.memory_space<vmem>>
      tpu.wait_dma2 semaphore(%run_scoped3A_124 : memref<!tpu.dma_semaphore, #tpu.memory_space<semaphore_mem>>) src(%dma_wait3A_148 : memref<5000x8xf32, #tpu.memory_space<vmem>>) dst(%dma_wait3A_144 : memref<5000x8xf32, #tpu.memory_space<hbm>>)
      tpu.yield
    }) : () -> ()
    %add3A_47 = arith.constant 0 : i32
    %add3A_48 = arith.addi %mul3A_2, %add3A_47 : i32
    %run_scoped3A_49 = arith.constant 0 : i32
    %run_scoped3A_50 = arith.constant 0 : i32
    "tpu.region"() ({
      %run_scoped3A_124 = tpu.sem_alloc : memref<!tpu.dma_semaphore, #tpu.memory_space<semaphore_mem>>
      %dma_start3A_125 = arith.constant 0 : i32
      %dma_start3A_126 = tpu.memref_slice %arg6[%run_scoped3A_50, %dma_start3A_125] : memref<2x5000xi32, #tpu.memory_space<vmem>> -> memref<1x5000xi32, #tpu.memory_space<vmem>>
      %dma_start3A_127 = tpu.memref_squeeze %dma_start3A_126 : memref<1x5000xi32, #tpu.memory_space<vmem>> -> memref<5000xi32, #tpu.memory_space<vmem>>
      %dma_start3A_128 = tpu.memref_slice %arg3[%run_scoped3A_49, %add3A_48] : memref<2x320000xi32, #tpu.memory_space<hbm>> -> memref<1x5000xi32, #tpu.memory_space<hbm>>
      %dma_start3A_129 = tpu.memref_squeeze %dma_start3A_128 : memref<1x5000xi32, #tpu.memory_space<hbm>> -> memref<5000xi32, #tpu.memory_space<hbm>>
      %dma_start3A_130 = arith.constant 0 : i32
      %dma_start3A_131 = tpu.memref_slice %arg6[%run_scoped3A_50, %dma_start3A_130] : memref<2x5000xi32, #tpu.memory_space<vmem>> -> memref<1x5000xi32, #tpu.memory_space<vmem>>
      %dma_start3A_132 = tpu.memref_squeeze %dma_start3A_131 : memref<1x5000xi32, #tpu.memory_space<vmem>> -> memref<5000xi32, #tpu.memory_space<vmem>>
      %dma_start3A_133 = tpu.memref_slice %arg3[%run_scoped3A_49, %add3A_48] : memref<2x320000xi32, #tpu.memory_space<hbm>> -> memref<1x5000xi32, #tpu.memory_space<hbm>>
      %dma_start3A_134 = tpu.memref_squeeze %dma_start3A_133 : memref<1x5000xi32, #tpu.memory_space<hbm>> -> memref<5000xi32, #tpu.memory_space<hbm>>
      tpu.enqueue_dma source(%dma_start3A_134 : memref<5000xi32, #tpu.memory_space<hbm>>) target(%dma_start3A_132 : memref<5000xi32, #tpu.memory_space<vmem>>) target_semaphore(%run_scoped3A_124 : memref<!tpu.dma_semaphore, #tpu.memory_space<semaphore_mem>>)
      %dma_wait3A_135 = arith.constant 0 : i32
      %dma_wait3A_136 = tpu.memref_slice %arg6[%run_scoped3A_50, %dma_wait3A_135] : memref<2x5000xi32, #tpu.memory_space<vmem>> -> memref<1x5000xi32, #tpu.memory_space<vmem>>
      %dma_wait3A_137 = tpu.memref_squeeze %dma_wait3A_136 : memref<1x5000xi32, #tpu.memory_space<vmem>> -> memref<5000xi32, #tpu.memory_space<vmem>>
      %dma_wait3A_138 = tpu.memref_slice %arg3[%run_scoped3A_49, %add3A_48] : memref<2x320000xi32, #tpu.memory_space<hbm>> -> memref<1x5000xi32, #tpu.memory_space<hbm>>
      %dma_wait3A_139 = tpu.memref_squeeze %dma_wait3A_138 : memref<1x5000xi32, #tpu.memory_space<hbm>> -> memref<5000xi32, #tpu.memory_space<hbm>>
      %dma_wait3A_140 = arith.constant 0 : i32
      %dma_wait3A_141 = tpu.memref_slice %arg6[%run_scoped3A_50, %dma_wait3A_140] : memref<2x5000xi32, #tpu.memory_space<vmem>> -> memref<1x5000xi32, #tpu.memory_space<vmem>>
      %dma_wait3A_142 = tpu.memref_squeeze %dma_wait3A_141 : memref<1x5000xi32, #tpu.memory_space<vmem>> -> memref<5000xi32, #tpu.memory_space<vmem>>
      %dma_wait3A_143 = tpu.memref_slice %arg3[%run_scoped3A_49, %add3A_48] : memref<2x320000xi32, #tpu.memory_space<hbm>> -> memref<1x5000xi32, #tpu.memory_space<hbm>>
      %dma_wait3A_144 = tpu.memref_squeeze %dma_wait3A_143 : memref<1x5000xi32, #tpu.memory_space<hbm>> -> memref<5000xi32, #tpu.memory_space<hbm>>
      tpu.wait_dma2 semaphore(%run_scoped3A_124 : memref<!tpu.dma_semaphore, #tpu.memory_space<semaphore_mem>>) src(%dma_wait3A_144 : memref<5000xi32, #tpu.memory_space<hbm>>) dst(%dma_wait3A_142 : memref<5000xi32, #tpu.memory_space<vmem>>)
      tpu.yield
    }) : () -> ()
    %dma_start3A_51 = arith.constant 0 : i32
    %dma_start3A_52 = arith.constant 0 : i32
    %dma_start3A_53 = arith.constant 0 : i32
    %dma_start3A_54 = arith.constant 0 : i32
    %dma_start3A_55 = tpu.memref_slice %arg7[%dma_start3A_52, %dma_start3A_53, %dma_start3A_54] : memref<2x5000x8xf32, #tpu.memory_space<vmem>> -> memref<1x5000x8xf32, #tpu.memory_space<vmem>>
    %dma_start3A_56 = tpu.memref_squeeze %dma_start3A_55 : memref<1x5000x8xf32, #tpu.memory_space<vmem>> -> memref<5000x8xf32, #tpu.memory_space<vmem>>
    %dma_start3A_57 = arith.constant 0 : i32
    %dma_start3A_58 = tpu.memref_slice %arg6[%dma_start3A_51, %dma_start3A_57] : memref<2x5000xi32, #tpu.memory_space<vmem>> -> memref<1x5000xi32, #tpu.memory_space<vmem>>
    %dma_start3A_59 = tpu.memref_squeeze %dma_start3A_58 : memref<1x5000xi32, #tpu.memory_space<vmem>> -> memref<5000xi32, #tpu.memory_space<vmem>>
    %dma_start3A_60 = arith.constant 0 : i32
    %dma_start3A_61 = arith.constant 0 : i32
    %dma_start3A_62 = tpu.memref_slice %arg2[%dma_start3A_60, %dma_start3A_61] : memref<10000x8xf32, #tpu.memory_space<hbm>> -> memref<10000x8xf32, #tpu.memory_space<hbm>>
    tpu.enqueue_indirect_dma source(%dma_start3A_62 : memref<10000x8xf32, #tpu.memory_space<hbm>>) target(%dma_start3A_56 : memref<5000x8xf32, #tpu.memory_space<vmem>>) offsets(%dma_start3A_59 : memref<5000xi32, #tpu.memory_space<vmem>>) semaphore(%arg8 : memref<!tpu.dma_semaphore, #tpu.memory_space<semaphore_mem>>)
    %dma_wait3A_63 = arith.constant 1 : i32
    %dma_wait3A_64 = arith.constant 1 : i32
    %dma_wait3A_65 = arith.constant 0 : i32
    %dma_wait3A_66 = arith.constant 0 : i32
    %dma_wait3A_67 = tpu.memref_slice %arg7[%dma_wait3A_64, %dma_wait3A_65, %dma_wait3A_66] : memref<2x5000x8xf32, #tpu.memory_space<vmem>> -> memref<1x5000x8xf32, #tpu.memory_space<vmem>>
    %dma_wait3A_68 = tpu.memref_squeeze %dma_wait3A_67 : memref<1x5000x8xf32, #tpu.memory_space<vmem>> -> memref<5000x8xf32, #tpu.memory_space<vmem>>
    %dma_wait3A_69 = arith.constant 0 : i32
    %dma_wait3A_70 = tpu.memref_slice %arg6[%dma_wait3A_63, %dma_wait3A_69] : memref<2x5000xi32, #tpu.memory_space<vmem>> -> memref<1x5000xi32, #tpu.memory_space<vmem>>
    %dma_wait3A_71 = tpu.memref_squeeze %dma_wait3A_70 : memref<1x5000xi32, #tpu.memory_space<vmem>> -> memref<5000xi32, #tpu.memory_space<vmem>>
    %dma_wait3A_72 = arith.constant 0 : i32
    %dma_wait3A_73 = arith.constant 0 : i32
    %dma_wait3A_74 = tpu.memref_slice %arg2[%dma_wait3A_72, %dma_wait3A_73] : memref<10000x8xf32, #tpu.memory_space<hbm>> -> memref<10000x8xf32, #tpu.memory_space<hbm>>
    tpu.wait_indirect_dma semaphore(%arg9 : memref<!tpu.dma_semaphore, #tpu.memory_space<semaphore_mem>>) src(%dma_wait3A_74 : memref<10000x8xf32, #tpu.memory_space<hbm>>) dst(%dma_wait3A_68 : memref<5000x8xf32, #tpu.memory_space<vmem>>)
    %add3A_75 = arith.constant 5000 : i32
    %add3A_76 = arith.addi %mul3A_2, %add3A_75 : i32
    %run_scoped3A_77 = arith.constant 1 : i32
    "tpu.region"() ({
      %run_scoped3A_124 = tpu.sem_alloc : memref<!tpu.dma_semaphore, #tpu.memory_space<semaphore_mem>>
      %dma_start3A_125 = arith.constant 0 : i32
      %dma_start3A_126 = arith.constant 0 : i32
      %dma_start3A_127 = tpu.memref_slice %arg7[%run_scoped3A_77, %dma_start3A_125, %dma_start3A_126] : memref<2x5000x8xf32, #tpu.memory_space<vmem>> -> memref<1x5000x8xf32, #tpu.memory_space<vmem>>
      %dma_start3A_128 = tpu.memref_squeeze %dma_start3A_127 : memref<1x5000x8xf32, #tpu.memory_space<vmem>> -> memref<5000x8xf32, #tpu.memory_space<vmem>>
      %dma_start3A_129 = arith.constant 0 : i32
      %dma_start3A_130 = tpu.memref_slice %arg4[%add3A_76, %dma_start3A_129] : memref<320000x8xf32, #tpu.memory_space<hbm>> -> memref<5000x8xf32, #tpu.memory_space<hbm>>
      %dma_start3A_131 = arith.constant 0 : i32
      %dma_start3A_132 = tpu.memref_slice %arg4[%add3A_76, %dma_start3A_131] : memref<320000x8xf32, #tpu.memory_space<hbm>> -> memref<5000x8xf32, #tpu.memory_space<hbm>>
      %dma_start3A_133 = arith.constant 0 : i32
      %dma_start3A_134 = arith.constant 0 : i32
      %dma_start3A_135 = tpu.memref_slice %arg7[%run_scoped3A_77, %dma_start3A_133, %dma_start3A_134] : memref<2x5000x8xf32, #tpu.memory_space<vmem>> -> memref<1x5000x8xf32, #tpu.memory_space<vmem>>
      %dma_start3A_136 = tpu.memref_squeeze %dma_start3A_135 : memref<1x5000x8xf32, #tpu.memory_space<vmem>> -> memref<5000x8xf32, #tpu.memory_space<vmem>>
      tpu.enqueue_dma source(%dma_start3A_136 : memref<5000x8xf32, #tpu.memory_space<vmem>>) target(%dma_start3A_132 : memref<5000x8xf32, #tpu.memory_space<hbm>>) target_semaphore(%run_scoped3A_124 : memref<!tpu.dma_semaphore, #tpu.memory_space<semaphore_mem>>)
      %dma_wait3A_137 = arith.constant 0 : i32
      %dma_wait3A_138 = arith.constant 0 : i32
      %dma_wait3A_139 = tpu.memref_slice %arg7[%run_scoped3A_77, %dma_wait3A_137, %dma_wait3A_138] : memref<2x5000x8xf32, #tpu.memory_space<vmem>> -> memref<1x5000x8xf32, #tpu.memory_space<vmem>>
      %dma_wait3A_140 = tpu.memref_squeeze %dma_wait3A_139 : memref<1x5000x8xf32, #tpu.memory_space<vmem>> -> memref<5000x8xf32, #tpu.memory_space<vmem>>
      %dma_wait3A_141 = arith.constant 0 : i32
      %dma_wait3A_142 = tpu.memref_slice %arg4[%add3A_76, %dma_wait3A_141] : memref<320000x8xf32, #tpu.memory_space<hbm>> -> memref<5000x8xf32, #tpu.memory_space<hbm>>
      %dma_wait3A_143 = arith.constant 0 : i32
      %dma_wait3A_144 = tpu.memref_slice %arg4[%add3A_76, %dma_wait3A_143] : memref<320000x8xf32, #tpu.memory_space<hbm>> -> memref<5000x8xf32, #tpu.memory_space<hbm>>
      %dma_wait3A_145 = arith.constant 0 : i32
      %dma_wait3A_146 = arith.constant 0 : i32
      %dma_wait3A_147 = tpu.memref_slice %arg7[%run_scoped3A_77, %dma_wait3A_145, %dma_wait3A_146] : memref<2x5000x8xf32, #tpu.memory_space<vmem>> -> memref<1x5000x8xf32, #tpu.memory_space<vmem>>
      %dma_wait3A_148 = tpu.memref_squeeze %dma_wait3A_147 : memref<1x5000x8xf32, #tpu.memory_space<vmem>> -> memref<5000x8xf32, #tpu.memory_space<vmem>>
      tpu.wait_dma2 semaphore(%run_scoped3A_124 : memref<!tpu.dma_semaphore, #tpu.memory_space<semaphore_mem>>) src(%dma_wait3A_148 : memref<5000x8xf32, #tpu.memory_space<vmem>>) dst(%dma_wait3A_144 : memref<5000x8xf32, #tpu.memory_space<hbm>>)
      tpu.yield
    }) : () -> ()
    %add3A_78 = arith.constant 5000 : i32
    %add3A_79 = arith.addi %mul3A_2, %add3A_78 : i32
    %run_scoped3A_80 = arith.constant 0 : i32
    %run_scoped3A_81 = arith.constant 1 : i32
    "tpu.region"() ({
      %run_scoped3A_124 = tpu.sem_alloc : memref<!tpu.dma_semaphore, #tpu.memory_space<semaphore_mem>>
      %dma_start3A_125 = arith.constant 0 : i32
      %dma_start3A_126 = tpu.memref_slice %arg6[%run_scoped3A_81, %dma_start3A_125] : memref<2x5000xi32, #tpu.memory_space<vmem>> -> memref<1x5000xi32, #tpu.memory_space<vmem>>
      %dma_start3A_127 = tpu.memref_squeeze %dma_start3A_126 : memref<1x5000xi32, #tpu.memory_space<vmem>> -> memref<5000xi32, #tpu.memory_space<vmem>>
      %dma_start3A_128 = tpu.memref_slice %arg3[%run_scoped3A_80, %add3A_79] : memref<2x320000xi32, #tpu.memory_space<hbm>> -> memref<1x5000xi32, #tpu.memory_space<hbm>>
      %dma_start3A_129 = tpu.memref_squeeze %dma_start3A_128 : memref<1x5000xi32, #tpu.memory_space<hbm>> -> memref<5000xi32, #tpu.memory_space<hbm>>
      %dma_start3A_130 = arith.constant 0 : i32
      %dma_start3A_131 = tpu.memref_slice %arg6[%run_scoped3A_81, %dma_start3A_130] : memref<2x5000xi32, #tpu.memory_space<vmem>> -> memref<1x5000xi32, #tpu.memory_space<vmem>>
      %dma_start3A_132 = tpu.memref_squeeze %dma_start3A_131 : memref<1x5000xi32, #tpu.memory_space<vmem>> -> memref<5000xi32, #tpu.memory_space<vmem>>
      %dma_start3A_133 = tpu.memref_slice %arg3[%run_scoped3A_80, %add3A_79] : memref<2x320000xi32, #tpu.memory_space<hbm>> -> memref<1x5000xi32, #tpu.memory_space<hbm>>
      %dma_start3A_134 = tpu.memref_squeeze %dma_start3A_133 : memref<1x5000xi32, #tpu.memory_space<hbm>> -> memref<5000xi32, #tpu.memory_space<hbm>>
      tpu.enqueue_dma source(%dma_start3A_134 : memref<5000xi32, #tpu.memory_space<hbm>>) target(%dma_start3A_132 : memref<5000xi32, #tpu.memory_space<vmem>>) target_semaphore(%run_scoped3A_124 : memref<!tpu.dma_semaphore, #tpu.memory_space<semaphore_mem>>)
      %dma_wait3A_135 = arith.constant 0 : i32
      %dma_wait3A_136 = tpu.memref_slice %arg6[%run_scoped3A_81, %dma_wait3A_135] : memref<2x5000xi32, #tpu.memory_space<vmem>> -> memref<1x5000xi32, #tpu.memory_space<vmem>>
      %dma_wait3A_137 = tpu.memref_squeeze %dma_wait3A_136 : memref<1x5000xi32, #tpu.memory_space<vmem>> -> memref<5000xi32, #tpu.memory_space<vmem>>
      %dma_wait3A_138 = tpu.memref_slice %arg3[%run_scoped3A_80, %add3A_79] : memref<2x320000xi32, #tpu.memory_space<hbm>> -> memref<1x5000xi32, #tpu.memory_space<hbm>>
      %dma_wait3A_139 = tpu.memref_squeeze %dma_wait3A_138 : memref<1x5000xi32, #tpu.memory_space<hbm>> -> memref<5000xi32, #tpu.memory_space<hbm>>
      %dma_wait3A_140 = arith.constant 0 : i32
      %dma_wait3A_141 = tpu.memref_slice %arg6[%run_scoped3A_81, %dma_wait3A_140] : memref<2x5000xi32, #tpu.memory_space<vmem>> -> memref<1x5000xi32, #tpu.memory_space<vmem>>
      %dma_wait3A_142 = tpu.memref_squeeze %dma_wait3A_141 : memref<1x5000xi32, #tpu.memory_space<vmem>> -> memref<5000xi32, #tpu.memory_space<vmem>>
      %dma_wait3A_143 = tpu.memref_slice %arg3[%run_scoped3A_80, %add3A_79] : memref<2x320000xi32, #tpu.memory_space<hbm>> -> memref<1x5000xi32, #tpu.memory_space<hbm>>
      %dma_wait3A_144 = tpu.memref_squeeze %dma_wait3A_143 : memref<1x5000xi32, #tpu.memory_space<hbm>> -> memref<5000xi32, #tpu.memory_space<hbm>>
      tpu.wait_dma2 semaphore(%run_scoped3A_124 : memref<!tpu.dma_semaphore, #tpu.memory_space<semaphore_mem>>) src(%dma_wait3A_144 : memref<5000xi32, #tpu.memory_space<hbm>>) dst(%dma_wait3A_142 : memref<5000xi32, #tpu.memory_space<vmem>>)
      tpu.yield
    }) : () -> ()
    %dma_start3A_82 = arith.constant 1 : i32
    %dma_start3A_83 = arith.constant 1 : i32
    %dma_start3A_84 = arith.constant 0 : i32
    %dma_start3A_85 = arith.constant 0 : i32
    %dma_start3A_86 = tpu.memref_slice %arg7[%dma_start3A_83, %dma_start3A_84, %dma_start3A_85] : memref<2x5000x8xf32, #tpu.memory_space<vmem>> -> memref<1x5000x8xf32, #tpu.memory_space<vmem>>
    %dma_start3A_87 = tpu.memref_squeeze %dma_start3A_86 : memref<1x5000x8xf32, #tpu.memory_space<vmem>> -> memref<5000x8xf32, #tpu.memory_space<vmem>>
    %dma_start3A_88 = arith.constant 0 : i32
    %dma_start3A_89 = tpu.memref_slice %arg6[%dma_start3A_82, %dma_start3A_88] : memref<2x5000xi32, #tpu.memory_space<vmem>> -> memref<1x5000xi32, #tpu.memory_space<vmem>>
    %dma_start3A_90 = tpu.memref_squeeze %dma_start3A_89 : memref<1x5000xi32, #tpu.memory_space<vmem>> -> memref<5000xi32, #tpu.memory_space<vmem>>
    %dma_start3A_91 = arith.constant 0 : i32
    %dma_start3A_92 = arith.constant 0 : i32
    %dma_start3A_93 = tpu.memref_slice %arg2[%dma_start3A_91, %dma_start3A_92] : memref<10000x8xf32, #tpu.memory_space<hbm>> -> memref<10000x8xf32, #tpu.memory_space<hbm>>
    tpu.enqueue_indirect_dma source(%dma_start3A_93 : memref<10000x8xf32, #tpu.memory_space<hbm>>) target(%dma_start3A_87 : memref<5000x8xf32, #tpu.memory_space<vmem>>) offsets(%dma_start3A_90 : memref<5000xi32, #tpu.memory_space<vmem>>) semaphore(%arg9 : memref<!tpu.dma_semaphore, #tpu.memory_space<semaphore_mem>>)
    %dma_wait3A_94 = arith.constant 0 : i32
    %dma_wait3A_95 = arith.constant 0 : i32
    %dma_wait3A_96 = arith.constant 0 : i32
    %dma_wait3A_97 = arith.constant 0 : i32
    %dma_wait3A_98 = tpu.memref_slice %arg7[%dma_wait3A_95, %dma_wait3A_96, %dma_wait3A_97] : memref<2x5000x8xf32, #tpu.memory_space<vmem>> -> memref<1x5000x8xf32, #tpu.memory_space<vmem>>
    %dma_wait3A_99 = tpu.memref_squeeze %dma_wait3A_98 : memref<1x5000x8xf32, #tpu.memory_space<vmem>> -> memref<5000x8xf32, #tpu.memory_space<vmem>>
    %dma_wait3A_100 = arith.constant 0 : i32
    %dma_wait3A_101 = tpu.memref_slice %arg6[%dma_wait3A_94, %dma_wait3A_100] : memref<2x5000xi32, #tpu.memory_space<vmem>> -> memref<1x5000xi32, #tpu.memory_space<vmem>>
    %dma_wait3A_102 = tpu.memref_squeeze %dma_wait3A_101 : memref<1x5000xi32, #tpu.memory_space<vmem>> -> memref<5000xi32, #tpu.memory_space<vmem>>
    %dma_wait3A_103 = arith.constant 0 : i32
    %dma_wait3A_104 = arith.constant 0 : i32
    %dma_wait3A_105 = tpu.memref_slice %arg2[%dma_wait3A_103, %dma_wait3A_104] : memref<10000x8xf32, #tpu.memory_space<hbm>> -> memref<10000x8xf32, #tpu.memory_space<hbm>>
    tpu.wait_indirect_dma semaphore(%arg8 : memref<!tpu.dma_semaphore, #tpu.memory_space<semaphore_mem>>) src(%dma_wait3A_105 : memref<10000x8xf32, #tpu.memory_space<hbm>>) dst(%dma_wait3A_99 : memref<5000x8xf32, #tpu.memory_space<vmem>>)
    %add3A_106 = arith.constant 0 : i32
    %add3A_107 = arith.addi %mul3A_2, %add3A_106 : i32
    %run_scoped3A_108 = arith.constant 0 : i32
    "tpu.region"() ({
      %run_scoped3A_124 = tpu.sem_alloc : memref<!tpu.dma_semaphore, #tpu.memory_space<semaphore_mem>>
      %dma_start3A_125 = arith.constant 0 : i32
      %dma_start3A_126 = arith.constant 0 : i32
      %dma_start3A_127 = tpu.memref_slice %arg7[%run_scoped3A_108, %dma_start3A_125, %dma_start3A_126] : memref<2x5000x8xf32, #tpu.memory_space<vmem>> -> memref<1x5000x8xf32, #tpu.memory_space<vmem>>
      %dma_start3A_128 = tpu.memref_squeeze %dma_start3A_127 : memref<1x5000x8xf32, #tpu.memory_space<vmem>> -> memref<5000x8xf32, #tpu.memory_space<vmem>>
      %dma_start3A_129 = arith.constant 0 : i32
      %dma_start3A_130 = tpu.memref_slice %arg5[%add3A_107, %dma_start3A_129] : memref<320000x8xf32, #tpu.memory_space<hbm>> -> memref<5000x8xf32, #tpu.memory_space<hbm>>
      %dma_start3A_131 = arith.constant 0 : i32
      %dma_start3A_132 = tpu.memref_slice %arg5[%add3A_107, %dma_start3A_131] : memref<320000x8xf32, #tpu.memory_space<hbm>> -> memref<5000x8xf32, #tpu.memory_space<hbm>>
      %dma_start3A_133 = arith.constant 0 : i32
      %dma_start3A_134 = arith.constant 0 : i32
      %dma_start3A_135 = tpu.memref_slice %arg7[%run_scoped3A_108, %dma_start3A_133, %dma_start3A_134] : memref<2x5000x8xf32, #tpu.memory_space<vmem>> -> memref<1x5000x8xf32, #tpu.memory_space<vmem>>
      %dma_start3A_136 = tpu.memref_squeeze %dma_start3A_135 : memref<1x5000x8xf32, #tpu.memory_space<vmem>> -> memref<5000x8xf32, #tpu.memory_space<vmem>>
      tpu.enqueue_dma source(%dma_start3A_136 : memref<5000x8xf32, #tpu.memory_space<vmem>>) target(%dma_start3A_132 : memref<5000x8xf32, #tpu.memory_space<hbm>>) target_semaphore(%run_scoped3A_124 : memref<!tpu.dma_semaphore, #tpu.memory_space<semaphore_mem>>)
      %dma_wait3A_137 = arith.constant 0 : i32
      %dma_wait3A_138 = arith.constant 0 : i32
      %dma_wait3A_139 = tpu.memref_slice %arg7[%run_scoped3A_108, %dma_wait3A_137, %dma_wait3A_138] : memref<2x5000x8xf32, #tpu.memory_space<vmem>> -> memref<1x5000x8xf32, #tpu.memory_space<vmem>>
      %dma_wait3A_140 = tpu.memref_squeeze %dma_wait3A_139 : memref<1x5000x8xf32, #tpu.memory_space<vmem>> -> memref<5000x8xf32, #tpu.memory_space<vmem>>
      %dma_wait3A_141 = arith.constant 0 : i32
      %dma_wait3A_142 = tpu.memref_slice %arg5[%add3A_107, %dma_wait3A_141] : memref<320000x8xf32, #tpu.memory_space<hbm>> -> memref<5000x8xf32, #tpu.memory_space<hbm>>
      %dma_wait3A_143 = arith.constant 0 : i32
      %dma_wait3A_144 = tpu.memref_slice %arg5[%add3A_107, %dma_wait3A_143] : memref<320000x8xf32, #tpu.memory_space<hbm>> -> memref<5000x8xf32, #tpu.memory_space<hbm>>
      %dma_wait3A_145 = arith.constant 0 : i32
      %dma_wait3A_146 = arith.constant 0 : i32
      %dma_wait3A_147 = tpu.memref_slice %arg7[%run_scoped3A_108, %dma_wait3A_145, %dma_wait3A_146] : memref<2x5000x8xf32, #tpu.memory_space<vmem>> -> memref<1x5000x8xf32, #tpu.memory_space<vmem>>
      %dma_wait3A_148 = tpu.memref_squeeze %dma_wait3A_147 : memref<1x5000x8xf32, #tpu.memory_space<vmem>> -> memref<5000x8xf32, #tpu.memory_space<vmem>>
      tpu.wait_dma2 semaphore(%run_scoped3A_124 : memref<!tpu.dma_semaphore, #tpu.memory_space<semaphore_mem>>) src(%dma_wait3A_148 : memref<5000x8xf32, #tpu.memory_space<vmem>>) dst(%dma_wait3A_144 : memref<5000x8xf32, #tpu.memory_space<hbm>>)
      tpu.yield
    }) : () -> ()
    %dma_wait3A_109 = arith.constant 1 : i32
    %dma_wait3A_110 = arith.constant 1 : i32
    %dma_wait3A_111 = arith.constant 0 : i32
    %dma_wait3A_112 = arith.constant 0 : i32
    %dma_wait3A_113 = tpu.memref_slice %arg7[%dma_wait3A_110, %dma_wait3A_111, %dma_wait3A_112] : memref<2x5000x8xf32, #tpu.memory_space<vmem>> -> memref<1x5000x8xf32, #tpu.memory_space<vmem>>
    %dma_wait3A_114 = tpu.memref_squeeze %dma_wait3A_113 : memref<1x5000x8xf32, #tpu.memory_space<vmem>> -> memref<5000x8xf32, #tpu.memory_space<vmem>>
    %dma_wait3A_115 = arith.constant 0 : i32
    %dma_wait3A_116 = tpu.memref_slice %arg6[%dma_wait3A_109, %dma_wait3A_115] : memref<2x5000xi32, #tpu.memory_space<vmem>> -> memref<1x5000xi32, #tpu.memory_space<vmem>>
    %dma_wait3A_117 = tpu.memref_squeeze %dma_wait3A_116 : memref<1x5000xi32, #tpu.memory_space<vmem>> -> memref<5000xi32, #tpu.memory_space<vmem>>
    %dma_wait3A_118 = arith.constant 0 : i32
    %dma_wait3A_119 = arith.constant 0 : i32
    %dma_wait3A_120 = tpu.memref_slice %arg2[%dma_wait3A_118, %dma_wait3A_119] : memref<10000x8xf32, #tpu.memory_space<hbm>> -> memref<10000x8xf32, #tpu.memory_space<hbm>>
    tpu.wait_indirect_dma semaphore(%arg9 : memref<!tpu.dma_semaphore, #tpu.memory_space<semaphore_mem>>) src(%dma_wait3A_120 : memref<10000x8xf32, #tpu.memory_space<hbm>>) dst(%dma_wait3A_114 : memref<5000x8xf32, #tpu.memory_space<vmem>>)
    %add3A_121 = arith.constant 5000 : i32
    %add3A_122 = arith.addi %mul3A_2, %add3A_121 : i32
    %run_scoped3A_123 = arith.constant 1 : i32
    "tpu.region"() ({
      %run_scoped3A_124 = tpu.sem_alloc : memref<!tpu.dma_semaphore, #tpu.memory_space<semaphore_mem>>
      %dma_start3A_125 = arith.constant 0 : i32
      %dma_start3A_126 = arith.constant 0 : i32
      %dma_start3A_127 = tpu.memref_slice %arg7[%run_scoped3A_123, %dma_start3A_125, %dma_start3A_126] : memref<2x5000x8xf32, #tpu.memory_space<vmem>> -> memref<1x5000x8xf32, #tpu.memory_space<vmem>>
      %dma_start3A_128 = tpu.memref_squeeze %dma_start3A_127 : memref<1x5000x8xf32, #tpu.memory_space<vmem>> -> memref<5000x8xf32, #tpu.memory_space<vmem>>
      %dma_start3A_129 = arith.constant 0 : i32
      %dma_start3A_130 = tpu.memref_slice %arg5[%add3A_122, %dma_start3A_129] : memref<320000x8xf32, #tpu.memory_space<hbm>> -> memref<5000x8xf32, #tpu.memory_space<hbm>>
      %dma_start3A_131 = arith.constant 0 : i32
      %dma_start3A_132 = tpu.memref_slice %arg5[%add3A_122, %dma_start3A_131] : memref<320000x8xf32, #tpu.memory_space<hbm>> -> memref<5000x8xf32, #tpu.memory_space<hbm>>
      %dma_start3A_133 = arith.constant 0 : i32
      %dma_start3A_134 = arith.constant 0 : i32
      %dma_start3A_135 = tpu.memref_slice %arg7[%run_scoped3A_123, %dma_start3A_133, %dma_start3A_134] : memref<2x5000x8xf32, #tpu.memory_space<vmem>> -> memref<1x5000x8xf32, #tpu.memory_space<vmem>>
      %dma_start3A_136 = tpu.memref_squeeze %dma_start3A_135 : memref<1x5000x8xf32, #tpu.memory_space<vmem>> -> memref<5000x8xf32, #tpu.memory_space<vmem>>
      tpu.enqueue_dma source(%dma_start3A_136 : memref<5000x8xf32, #tpu.memory_space<vmem>>) target(%dma_start3A_132 : memref<5000x8xf32, #tpu.memory_space<hbm>>) target_semaphore(%run_scoped3A_124 : memref<!tpu.dma_semaphore, #tpu.memory_space<semaphore_mem>>)
      %dma_wait3A_137 = arith.constant 0 : i32
      %dma_wait3A_138 = arith.constant 0 : i32
      %dma_wait3A_139 = tpu.memref_slice %arg7[%run_scoped3A_123, %dma_wait3A_137, %dma_wait3A_138] : memref<2x5000x8xf32, #tpu.memory_space<vmem>> -> memref<1x5000x8xf32, #tpu.memory_space<vmem>>
      %dma_wait3A_140 = tpu.memref_squeeze %dma_wait3A_139 : memref<1x5000x8xf32, #tpu.memory_space<vmem>> -> memref<5000x8xf32, #tpu.memory_space<vmem>>
      %dma_wait3A_141 = arith.constant 0 : i32
      %dma_wait3A_142 = tpu.memref_slice %arg5[%add3A_122, %dma_wait3A_141] : memref<320000x8xf32, #tpu.memory_space<hbm>> -> memref<5000x8xf32, #tpu.memory_space<hbm>>
      %dma_wait3A_143 = arith.constant 0 : i32
      %dma_wait3A_144 = tpu.memref_slice %arg5[%add3A_122, %dma_wait3A_143] : memref<320000x8xf32, #tpu.memory_space<hbm>> -> memref<5000x8xf32, #tpu.memory_space<hbm>>
      %dma_wait3A_145 = arith.constant 0 : i32
      %dma_wait3A_146 = arith.constant 0 : i32
      %dma_wait3A_147 = tpu.memref_slice %arg7[%run_scoped3A_123, %dma_wait3A_145, %dma_wait3A_146] : memref<2x5000x8xf32, #tpu.memory_space<vmem>> -> memref<1x5000x8xf32, #tpu.memory_space<vmem>>
      %dma_wait3A_148 = tpu.memref_squeeze %dma_wait3A_147 : memref<1x5000x8xf32, #tpu.memory_space<vmem>> -> memref<5000x8xf32, #tpu.memory_space<vmem>>
      tpu.wait_dma2 semaphore(%run_scoped3A_124 : memref<!tpu.dma_semaphore, #tpu.memory_space<semaphore_mem>>) src(%dma_wait3A_148 : memref<5000x8xf32, #tpu.memory_space<vmem>>) dst(%dma_wait3A_144 : memref<5000x8xf32, #tpu.memory_space<hbm>>)
      tpu.yield
    }) : () -> ()
    return
  }
}

#map = affine_map<(d0, d1) -> (0, 0)>
#map1 = affine_map<(d0, d1) -> (0, 0, 0)>
module attributes {stable_mosaic.version = 14 : i64} {
  func.func @sc_scatter(%arg0: i32, %arg1: i32, %arg2: memref<320000x8xf32, #tpu.memory_space<hbm>>, %arg3: memref<2x320000xi32, #tpu.memory_space<hbm>>, %arg4: memref<10000x8xf32, #tpu.memory_space<hbm>>, %arg5: memref<2x10000x8xf32, #tpu.memory_space<hbm>>, %arg6: memref<10000xi32, #tpu.memory_space<vmem>>, %arg7: memref<10000x8xf32, #tpu.memory_space<vmem>>, %arg8: memref<10000x8xf32, #tpu.memory_space<vmem_shared>>) attributes {dimension_semantics = [#tpu.dimension_semantics<core_parallel>, #tpu.dimension_semantics<subcore_parallel>], iteration_bounds = array<i64: 2, 16>, scalar_prefetch = 0 : i64, scratch_operands = 3 : i64, tpu.core_type = #tpu.core_type<sc_vector_subcore>, window_params = [{transform_indices = #map}, {transform_indices = #map}, {transform_indices = #map}, {transform_indices = #map1}]} {
    %mul3A = arith.constant 2 : i32
    %mul3A_0 = arith.muli %arg1, %mul3A : i32
    %add3A = arith.addi %mul3A_0, %arg0 : i32
    %mul3A_1 = arith.constant 10000 : i32
    %mul3A_2 = arith.muli %add3A, %mul3A_1 : i32
    %eq3A = arith.constant 0 : i32
    %eq3A_3 = arith.cmpi eq, %arg1, %eq3A : i32
    %convert_element_type3A = arith.extui %eq3A_3 : i1 to i32
    %cond3A = arith.constant 0 : i32
    %cond3A_4 = arith.cmpi ne, %convert_element_type3A, %cond3A : i32
    scf.if %cond3A_4 {
      "tpu.region"() ({
        %run_scoped3A_10 = tpu.sem_alloc : memref<!tpu.dma_semaphore, #tpu.memory_space<semaphore_mem>>
        tpu.enqueue_dma source(%arg4 : memref<10000x8xf32, #tpu.memory_space<hbm>>) target(%arg8 : memref<10000x8xf32, #tpu.memory_space<vmem_shared>>) target_semaphore(%run_scoped3A_10 : memref<!tpu.dma_semaphore, #tpu.memory_space<semaphore_mem>>)
        tpu.wait_dma2 semaphore(%run_scoped3A_10 : memref<!tpu.dma_semaphore, #tpu.memory_space<semaphore_mem>>) src(%arg4 : memref<10000x8xf32, #tpu.memory_space<hbm>>) dst(%arg8 : memref<10000x8xf32, #tpu.memory_space<vmem_shared>>)
        tpu.yield
      }) : () -> ()
    } else {
    }
    %barrier3A = arith.constant 0 : index
    tpu.barrier barrier_id(%barrier3A)
    %run_scoped3A = arith.constant 1 : i32
    "tpu.region"() ({
      %run_scoped3A_10 = tpu.sem_alloc : memref<!tpu.dma_semaphore, #tpu.memory_space<semaphore_mem>>
      %dma_start3A = tpu.memref_slice %arg3[%run_scoped3A, %mul3A_2] : memref<2x320000xi32, #tpu.memory_space<hbm>> -> memref<1x10000xi32, #tpu.memory_space<hbm>>
      %dma_start3A_11 = tpu.memref_squeeze %dma_start3A : memref<1x10000xi32, #tpu.memory_space<hbm>> -> memref<10000xi32, #tpu.memory_space<hbm>>
      %dma_start3A_12 = tpu.memref_slice %arg3[%run_scoped3A, %mul3A_2] : memref<2x320000xi32, #tpu.memory_space<hbm>> -> memref<1x10000xi32, #tpu.memory_space<hbm>>
      %dma_start3A_13 = tpu.memref_squeeze %dma_start3A_12 : memref<1x10000xi32, #tpu.memory_space<hbm>> -> memref<10000xi32, #tpu.memory_space<hbm>>
      tpu.enqueue_dma source(%dma_start3A_13 : memref<10000xi32, #tpu.memory_space<hbm>>) target(%arg6 : memref<10000xi32, #tpu.memory_space<vmem>>) target_semaphore(%run_scoped3A_10 : memref<!tpu.dma_semaphore, #tpu.memory_space<semaphore_mem>>)
      %dma_wait3A = tpu.memref_slice %arg3[%run_scoped3A, %mul3A_2] : memref<2x320000xi32, #tpu.memory_space<hbm>> -> memref<1x10000xi32, #tpu.memory_space<hbm>>
      %dma_wait3A_14 = tpu.memref_squeeze %dma_wait3A : memref<1x10000xi32, #tpu.memory_space<hbm>> -> memref<10000xi32, #tpu.memory_space<hbm>>
      %dma_wait3A_15 = tpu.memref_slice %arg3[%run_scoped3A, %mul3A_2] : memref<2x320000xi32, #tpu.memory_space<hbm>> -> memref<1x10000xi32, #tpu.memory_space<hbm>>
      %dma_wait3A_16 = tpu.memref_squeeze %dma_wait3A_15 : memref<1x10000xi32, #tpu.memory_space<hbm>> -> memref<10000xi32, #tpu.memory_space<hbm>>
      tpu.wait_dma2 semaphore(%run_scoped3A_10 : memref<!tpu.dma_semaphore, #tpu.memory_space<semaphore_mem>>) src(%dma_wait3A_16 : memref<10000xi32, #tpu.memory_space<hbm>>) dst(%arg6 : memref<10000xi32, #tpu.memory_space<vmem>>)
      tpu.yield
    }) : () -> ()
    "tpu.region"() ({
      %run_scoped3A_10 = tpu.sem_alloc : memref<!tpu.dma_semaphore, #tpu.memory_space<semaphore_mem>>
      %dma_start3A = arith.constant 0 : i32
      %dma_start3A_11 = tpu.memref_slice %arg2[%mul3A_2, %dma_start3A] : memref<320000x8xf32, #tpu.memory_space<hbm>> -> memref<10000x8xf32, #tpu.memory_space<hbm>>
      %dma_start3A_12 = arith.constant 0 : i32
      %dma_start3A_13 = tpu.memref_slice %arg2[%mul3A_2, %dma_start3A_12] : memref<320000x8xf32, #tpu.memory_space<hbm>> -> memref<10000x8xf32, #tpu.memory_space<hbm>>
      tpu.enqueue_dma source(%dma_start3A_13 : memref<10000x8xf32, #tpu.memory_space<hbm>>) target(%arg7 : memref<10000x8xf32, #tpu.memory_space<vmem>>) target_semaphore(%run_scoped3A_10 : memref<!tpu.dma_semaphore, #tpu.memory_space<semaphore_mem>>)
      %dma_wait3A = arith.constant 0 : i32
      %dma_wait3A_14 = tpu.memref_slice %arg2[%mul3A_2, %dma_wait3A] : memref<320000x8xf32, #tpu.memory_space<hbm>> -> memref<10000x8xf32, #tpu.memory_space<hbm>>
      %dma_wait3A_15 = arith.constant 0 : i32
      %dma_wait3A_16 = tpu.memref_slice %arg2[%mul3A_2, %dma_wait3A_15] : memref<320000x8xf32, #tpu.memory_space<hbm>> -> memref<10000x8xf32, #tpu.memory_space<hbm>>
      tpu.wait_dma2 semaphore(%run_scoped3A_10 : memref<!tpu.dma_semaphore, #tpu.memory_space<semaphore_mem>>) src(%dma_wait3A_16 : memref<10000x8xf32, #tpu.memory_space<hbm>>) dst(%arg7 : memref<10000x8xf32, #tpu.memory_space<vmem>>)
      tpu.yield
    }) : () -> ()
    "tpu.region"() ({
      %run_scoped3A_10 = tpu.sem_alloc : memref<!tpu.dma_semaphore, #tpu.memory_space<semaphore_mem>>
      %dma_start3A = arith.constant 0 : i32
      %dma_start3A_11 = arith.constant 0 : i32
      %dma_start3A_12 = tpu.memref_slice %arg8[%dma_start3A, %dma_start3A_11] : memref<10000x8xf32, #tpu.memory_space<vmem_shared>> -> memref<10000x8xf32, #tpu.memory_space<vmem_shared>>
      tpu.enqueue_indirect_dma source(%arg7 : memref<10000x8xf32, #tpu.memory_space<vmem>>) target(%dma_start3A_12 : memref<10000x8xf32, #tpu.memory_space<vmem_shared>>) offsets(%arg6 : memref<10000xi32, #tpu.memory_space<vmem>>) semaphore(%run_scoped3A_10 : memref<!tpu.dma_semaphore, #tpu.memory_space<semaphore_mem>>) {add = true}
      %dma_wait3A = arith.constant 0 : i32
      %dma_wait3A_13 = arith.constant 0 : i32
      %dma_wait3A_14 = tpu.memref_slice %arg8[%dma_wait3A, %dma_wait3A_13] : memref<10000x8xf32, #tpu.memory_space<vmem_shared>> -> memref<10000x8xf32, #tpu.memory_space<vmem_shared>>
      tpu.wait_indirect_dma semaphore(%run_scoped3A_10 : memref<!tpu.dma_semaphore, #tpu.memory_space<semaphore_mem>>) src(%arg7 : memref<10000x8xf32, #tpu.memory_space<vmem>>) dst(%dma_wait3A_14 : memref<10000x8xf32, #tpu.memory_space<vmem_shared>>)
      tpu.yield
    }) : () -> ()
    %barrier3A_5 = arith.constant 0 : index
    tpu.barrier barrier_id(%barrier3A_5)
    %mul3A_6 = arith.constant 625 : i32
    %mul3A_7 = arith.muli %arg1, %mul3A_6 : i32
    %mul3A_8 = arith.constant 625 : i32
    %mul3A_9 = arith.muli %arg1, %mul3A_8 : i32
    "tpu.region"() ({
      %run_scoped3A_10 = tpu.sem_alloc : memref<!tpu.dma_semaphore, #tpu.memory_space<semaphore_mem>>
      %dma_start3A = arith.constant 0 : i32
      %dma_start3A_11 = tpu.memref_slice %arg5[%arg0, %mul3A_9, %dma_start3A] : memref<2x10000x8xf32, #tpu.memory_space<hbm>> -> memref<1x625x8xf32, #tpu.memory_space<hbm>>
      %dma_start3A_12 = tpu.memref_squeeze %dma_start3A_11 : memref<1x625x8xf32, #tpu.memory_space<hbm>> -> memref<625x8xf32, #tpu.memory_space<hbm>>
      %dma_start3A_13 = arith.constant 0 : i32
      %dma_start3A_14 = tpu.memref_slice %arg8[%mul3A_7, %dma_start3A_13] : memref<10000x8xf32, #tpu.memory_space<vmem_shared>> -> memref<625x8xf32, #tpu.memory_space<vmem_shared>>
      tpu.enqueue_dma source(%dma_start3A_14 : memref<625x8xf32, #tpu.memory_space<vmem_shared>>) target(%dma_start3A_12 : memref<625x8xf32, #tpu.memory_space<hbm>>) target_semaphore(%run_scoped3A_10 : memref<!tpu.dma_semaphore, #tpu.memory_space<semaphore_mem>>)
      %dma_wait3A = arith.constant 0 : i32
      %dma_wait3A_15 = tpu.memref_slice %arg5[%arg0, %mul3A_9, %dma_wait3A] : memref<2x10000x8xf32, #tpu.memory_space<hbm>> -> memref<1x625x8xf32, #tpu.memory_space<hbm>>
      %dma_wait3A_16 = tpu.memref_squeeze %dma_wait3A_15 : memref<1x625x8xf32, #tpu.memory_space<hbm>> -> memref<625x8xf32, #tpu.memory_space<hbm>>
      %dma_wait3A_17 = arith.constant 0 : i32
      %dma_wait3A_18 = tpu.memref_slice %arg8[%mul3A_7, %dma_wait3A_17] : memref<10000x8xf32, #tpu.memory_space<vmem_shared>> -> memref<625x8xf32, #tpu.memory_space<vmem_shared>>
      tpu.wait_dma2 semaphore(%run_scoped3A_10 : memref<!tpu.dma_semaphore, #tpu.memory_space<semaphore_mem>>) src(%dma_wait3A_18 : memref<625x8xf32, #tpu.memory_space<vmem_shared>>) dst(%dma_wait3A_16 : memref<625x8xf32, #tpu.memory_space<hbm>>)
      tpu.yield
    }) : () -> ()
    return
  }
}

#map = affine_map<(d0, d1) -> (0, 0)>
module attributes {stable_mosaic.version = 14 : i64} {
  func.func @sc_gather(%arg0: i32, %arg1: i32, %arg2: memref<10000x8xf32, #tpu.memory_space<hbm>>, %arg3: memref<2x320000xi32, #tpu.memory_space<hbm>>, %arg4: memref<320000x8xf32, #tpu.memory_space<hbm>>, %arg5: memref<320000x8xf32, #tpu.memory_space<hbm>>, %arg6: memref<2x5000xi32, #tpu.memory_space<vmem>>, %arg7: memref<2x5000x8xf32, #tpu.memory_space<vmem>>, %arg8: memref<!tpu.dma_semaphore, #tpu.memory_space<semaphore_mem>>, %arg9: memref<!tpu.dma_semaphore, #tpu.memory_space<semaphore_mem>>) attributes {dimension_semantics = [#tpu.dimension_semantics<core_parallel>, #tpu.dimension_semantics<subcore_parallel>], iteration_bounds = array<i64: 2, 16>, scalar_prefetch = 0 : i64, scratch_operands = 4 : i64, tpu.core_type = #tpu.core_type<sc_vector_subcore>, window_params = [{transform_indices = #map}, {transform_indices = #map}, {transform_indices = #map}, {transform_indices = #map}]} {
    %mul3A = arith.constant 2 : i32
    %mul3A_0 = arith.muli %arg1, %mul3A : i32
    %add3A = arith.addi %mul3A_0, %arg0 : i32
    %mul3A_1 = arith.constant 10000 : i32
    %mul3A_2 = arith.muli %add3A, %mul3A_1 : i32
    %add3A_3 = arith.constant 0 : i32
    %add3A_4 = arith.addi %mul3A_2, %add3A_3 : i32
    %run_scoped3A = arith.constant 1 : i32
    %run_scoped3A_5 = arith.constant 0 : i32
    "tpu.region"() ({
      %run_scoped3A_124 = tpu.sem_alloc : memref<!tpu.dma_semaphore, #tpu.memory_space<semaphore_mem>>
      %dma_start3A_125 = arith.constant 0 : i32
      %dma_start3A_126 = tpu.memref_slice %arg6[%run_scoped3A_5, %dma_start3A_125] : memref<2x5000xi32, #tpu.memory_space<vmem>> -> memref<1x5000xi32, #tpu.memory_space<vmem>>
      %dma_start3A_127 = tpu.memref_squeeze %dma_start3A_126 : memref<1x5000xi32, #tpu.memory_space<vmem>> -> memref<5000xi32, #tpu.memory_space<vmem>>
      %dma_start3A_128 = tpu.memref_slice %arg3[%run_scoped3A, %add3A_4] : memref<2x320000xi32, #tpu.memory_space<hbm>> -> memref<1x5000xi32, #tpu.memory_space<hbm>>
      %dma_start3A_129 = tpu.memref_squeeze %dma_start3A_128 : memref<1x5000xi32, #tpu.memory_space<hbm>> -> memref<5000xi32, #tpu.memory_space<hbm>>
      %dma_start3A_130 = arith.constant 0 : i32
      %dma_start3A_131 = tpu.memref_slice %arg6[%run_scoped3A_5, %dma_start3A_130] : memref<2x5000xi32, #tpu.memory_space<vmem>> -> memref<1x5000xi32, #tpu.memory_space<vmem>>
      %dma_start3A_132 = tpu.memref_squeeze %dma_start3A_131 : memref<1x5000xi32, #tpu.memory_space<vmem>> -> memref<5000xi32, #tpu.memory_space<vmem>>
      %dma_start3A_133 = tpu.memref_slice %arg3[%run_scoped3A, %add3A_4] : memref<2x320000xi32, #tpu.memory_space<hbm>> -> memref<1x5000xi32, #tpu.memory_space<hbm>>
      %dma_start3A_134 = tpu.memref_squeeze %dma_start3A_133 : memref<1x5000xi32, #tpu.memory_space<hbm>> -> memref<5000xi32, #tpu.memory_space<hbm>>
      tpu.enqueue_dma source(%dma_start3A_134 : memref<5000xi32, #tpu.memory_space<hbm>>) target(%dma_start3A_132 : memref<5000xi32, #tpu.memory_space<vmem>>) target_semaphore(%run_scoped3A_124 : memref<!tpu.dma_semaphore, #tpu.memory_space<semaphore_mem>>)
      %dma_wait3A_135 = arith.constant 0 : i32
      %dma_wait3A_136 = tpu.memref_slice %arg6[%run_scoped3A_5, %dma_wait3A_135] : memref<2x5000xi32, #tpu.memory_space<vmem>> -> memref<1x5000xi32, #tpu.memory_space<vmem>>
      %dma_wait3A_137 = tpu.memref_squeeze %dma_wait3A_136 : memref<1x5000xi32, #tpu.memory_space<vmem>> -> memref<5000xi32, #tpu.memory_space<vmem>>
      %dma_wait3A_138 = tpu.memref_slice %arg3[%run_scoped3A, %add3A_4] : memref<2x320000xi32, #tpu.memory_space<hbm>> -> memref<1x5000xi32, #tpu.memory_space<hbm>>
      %dma_wait3A_139 = tpu.memref_squeeze %dma_wait3A_138 : memref<1x5000xi32, #tpu.memory_space<hbm>> -> memref<5000xi32, #tpu.memory_space<hbm>>
      %dma_wait3A_140 = arith.constant 0 : i32
      %dma_wait3A_141 = tpu.memref_slice %arg6[%run_scoped3A_5, %dma_wait3A_140] : memref<2x5000xi32, #tpu.memory_space<vmem>> -> memref<1x5000xi32, #tpu.memory_space<vmem>>
      %dma_wait3A_142 = tpu.memref_squeeze %dma_wait3A_141 : memref<1x5000xi32, #tpu.memory_space<vmem>> -> memref<5000xi32, #tpu.memory_space<vmem>>
      %dma_wait3A_143 = tpu.memref_slice %arg3[%run_scoped3A, %add3A_4] : memref<2x320000xi32, #tpu.memory_space<hbm>> -> memref<1x5000xi32, #tpu.memory_space<hbm>>
      %dma_wait3A_144 = tpu.memref_squeeze %dma_wait3A_143 : memref<1x5000xi32, #tpu.memory_space<hbm>> -> memref<5000xi32, #tpu.memory_space<hbm>>
      tpu.wait_dma2 semaphore(%run_scoped3A_124 : memref<!tpu.dma_semaphore, #tpu.memory_space<semaphore_mem>>) src(%dma_wait3A_144 : memref<5000xi32, #tpu.memory_space<hbm>>) dst(%dma_wait3A_142 : memref<5000xi32, #tpu.memory_space<vmem>>)
      tpu.yield
    }) : () -> ()
    %dma_start3A = arith.constant 0 : i32
    %dma_start3A_6 = arith.constant 0 : i32
    %dma_start3A_7 = arith.constant 0 : i32
    %dma_start3A_8 = arith.constant 0 : i32
    %dma_start3A_9 = tpu.memref_slice %arg7[%dma_start3A_6, %dma_start3A_7, %dma_start3A_8] : memref<2x5000x8xf32, #tpu.memory_space<vmem>> -> memref<1x5000x8xf32, #tpu.memory_space<vmem>>
    %dma_start3A_10 = tpu.memref_squeeze %dma_start3A_9 : memref<1x5000x8xf32, #tpu.memory_space<vmem>> -> memref<5000x8xf32, #tpu.memory_space<vmem>>
    %dma_start3A_11 = arith.constant 0 : i32
    %dma_start3A_12 = tpu.memref_slice %arg6[%dma_start3A, %dma_start3A_11] : memref<2x5000xi32, #tpu.memory_space<vmem>> -> memref<1x5000xi32, #tpu.memory_space<vmem>>
    %dma_start3A_13 = tpu.memref_squeeze %dma_start3A_12 : memref<1x5000xi32, #tpu.memory_space<vmem>> -> memref<5000xi32, #tpu.memory_space<vmem>>
    %dma_start3A_14 = arith.constant 0 : i32
    %dma_start3A_15 = arith.constant 0 : i32
    %dma_start3A_16 = tpu.memref_slice %arg2[%dma_start3A_14, %dma_start3A_15] : memref<10000x8xf32, #tpu.memory_space<hbm>> -> memref<10000x8xf32, #tpu.memory_space<hbm>>
    tpu.enqueue_indirect_dma source(%dma_start3A_16 : memref<10000x8xf32, #tpu.memory_space<hbm>>) target(%dma_start3A_10 : memref<5000x8xf32, #tpu.memory_space<vmem>>) offsets(%dma_start3A_13 : memref<5000xi32, #tpu.memory_space<vmem>>) semaphore(%arg8 : memref<!tpu.dma_semaphore, #tpu.memory_space<semaphore_mem>>)
    %add3A_17 = arith.constant 5000 : i32
    %add3A_18 = arith.addi %mul3A_2, %add3A_17 : i32
    %run_scoped3A_19 = arith.constant 1 : i32
    %run_scoped3A_20 = arith.constant 1 : i32
    "tpu.region"() ({
      %run_scoped3A_124 = tpu.sem_alloc : memref<!tpu.dma_semaphore, #tpu.memory_space<semaphore_mem>>
      %dma_start3A_125 = arith.constant 0 : i32
      %dma_start3A_126 = tpu.memref_slice %arg6[%run_scoped3A_20, %dma_start3A_125] : memref<2x5000xi32, #tpu.memory_space<vmem>> -> memref<1x5000xi32, #tpu.memory_space<vmem>>
      %dma_start3A_127 = tpu.memref_squeeze %dma_start3A_126 : memref<1x5000xi32, #tpu.memory_space<vmem>> -> memref<5000xi32, #tpu.memory_space<vmem>>
      %dma_start3A_128 = tpu.memref_slice %arg3[%run_scoped3A_19, %add3A_18] : memref<2x320000xi32, #tpu.memory_space<hbm>> -> memref<1x5000xi32, #tpu.memory_space<hbm>>
      %dma_start3A_129 = tpu.memref_squeeze %dma_start3A_128 : memref<1x5000xi32, #tpu.memory_space<hbm>> -> memref<5000xi32, #tpu.memory_space<hbm>>
      %dma_start3A_130 = arith.constant 0 : i32
      %dma_start3A_131 = tpu.memref_slice %arg6[%run_scoped3A_20, %dma_start3A_130] : memref<2x5000xi32, #tpu.memory_space<vmem>> -> memref<1x5000xi32, #tpu.memory_space<vmem>>
      %dma_start3A_132 = tpu.memref_squeeze %dma_start3A_131 : memref<1x5000xi32, #tpu.memory_space<vmem>> -> memref<5000xi32, #tpu.memory_space<vmem>>
      %dma_start3A_133 = tpu.memref_slice %arg3[%run_scoped3A_19, %add3A_18] : memref<2x320000xi32, #tpu.memory_space<hbm>> -> memref<1x5000xi32, #tpu.memory_space<hbm>>
      %dma_start3A_134 = tpu.memref_squeeze %dma_start3A_133 : memref<1x5000xi32, #tpu.memory_space<hbm>> -> memref<5000xi32, #tpu.memory_space<hbm>>
      tpu.enqueue_dma source(%dma_start3A_134 : memref<5000xi32, #tpu.memory_space<hbm>>) target(%dma_start3A_132 : memref<5000xi32, #tpu.memory_space<vmem>>) target_semaphore(%run_scoped3A_124 : memref<!tpu.dma_semaphore, #tpu.memory_space<semaphore_mem>>)
      %dma_wait3A_135 = arith.constant 0 : i32
      %dma_wait3A_136 = tpu.memref_slice %arg6[%run_scoped3A_20, %dma_wait3A_135] : memref<2x5000xi32, #tpu.memory_space<vmem>> -> memref<1x5000xi32, #tpu.memory_space<vmem>>
      %dma_wait3A_137 = tpu.memref_squeeze %dma_wait3A_136 : memref<1x5000xi32, #tpu.memory_space<vmem>> -> memref<5000xi32, #tpu.memory_space<vmem>>
      %dma_wait3A_138 = tpu.memref_slice %arg3[%run_scoped3A_19, %add3A_18] : memref<2x320000xi32, #tpu.memory_space<hbm>> -> memref<1x5000xi32, #tpu.memory_space<hbm>>
      %dma_wait3A_139 = tpu.memref_squeeze %dma_wait3A_138 : memref<1x5000xi32, #tpu.memory_space<hbm>> -> memref<5000xi32, #tpu.memory_space<hbm>>
      %dma_wait3A_140 = arith.constant 0 : i32
      %dma_wait3A_141 = tpu.memref_slice %arg6[%run_scoped3A_20, %dma_wait3A_140] : memref<2x5000xi32, #tpu.memory_space<vmem>> -> memref<1x5000xi32, #tpu.memory_space<vmem>>
      %dma_wait3A_142 = tpu.memref_squeeze %dma_wait3A_141 : memref<1x5000xi32, #tpu.memory_space<vmem>> -> memref<5000xi32, #tpu.memory_space<vmem>>
      %dma_wait3A_143 = tpu.memref_slice %arg3[%run_scoped3A_19, %add3A_18] : memref<2x320000xi32, #tpu.memory_space<hbm>> -> memref<1x5000xi32, #tpu.memory_space<hbm>>
      %dma_wait3A_144 = tpu.memref_squeeze %dma_wait3A_143 : memref<1x5000xi32, #tpu.memory_space<hbm>> -> memref<5000xi32, #tpu.memory_space<hbm>>
      tpu.wait_dma2 semaphore(%run_scoped3A_124 : memref<!tpu.dma_semaphore, #tpu.memory_space<semaphore_mem>>) src(%dma_wait3A_144 : memref<5000xi32, #tpu.memory_space<hbm>>) dst(%dma_wait3A_142 : memref<5000xi32, #tpu.memory_space<vmem>>)
      tpu.yield
    }) : () -> ()
    %dma_start3A_21 = arith.constant 1 : i32
    %dma_start3A_22 = arith.constant 1 : i32
    %dma_start3A_23 = arith.constant 0 : i32
    %dma_start3A_24 = arith.constant 0 : i32
    %dma_start3A_25 = tpu.memref_slice %arg7[%dma_start3A_22, %dma_start3A_23, %dma_start3A_24] : memref<2x5000x8xf32, #tpu.memory_space<vmem>> -> memref<1x5000x8xf32, #tpu.memory_space<vmem>>
    %dma_start3A_26 = tpu.memref_squeeze %dma_start3A_25 : memref<1x5000x8xf32, #tpu.memory_space<vmem>> -> memref<5000x8xf32, #tpu.memory_space<vmem>>
    %dma_start3A_27 = arith.constant 0 : i32
    %dma_start3A_28 = tpu.memref_slice %arg6[%dma_start3A_21, %dma_start3A_27] : memref<2x5000xi32, #tpu.memory_space<vmem>> -> memref<1x5000xi32, #tpu.memory_space<vmem>>
    %dma_start3A_29 = tpu.memref_squeeze %dma_start3A_28 : memref<1x5000xi32, #tpu.memory_space<vmem>> -> memref<5000xi32, #tpu.memory_space<vmem>>
    %dma_start3A_30 = arith.constant 0 : i32
    %dma_start3A_31 = arith.constant 0 : i32
    %dma_start3A_32 = tpu.memref_slice %arg2[%dma_start3A_30, %dma_start3A_31] : memref<10000x8xf32, #tpu.memory_space<hbm>> -> memref<10000x8xf32, #tpu.memory_space<hbm>>
    tpu.enqueue_indirect_dma source(%dma_start3A_32 : memref<10000x8xf32, #tpu.memory_space<hbm>>) target(%dma_start3A_26 : memref<5000x8xf32, #tpu.memory_space<vmem>>) offsets(%dma_start3A_29 : memref<5000xi32, #tpu.memory_space<vmem>>) semaphore(%arg9 : memref<!tpu.dma_semaphore, #tpu.memory_space<semaphore_mem>>)
    %dma_wait3A = arith.constant 0 : i32
    %dma_wait3A_33 = arith.constant 0 : i32
    %dma_wait3A_34 = arith.constant 0 : i32
    %dma_wait3A_35 = arith.constant 0 : i32
    %dma_wait3A_36 = tpu.memref_slice %arg7[%dma_wait3A_33, %dma_wait3A_34, %dma_wait3A_35] : memref<2x5000x8xf32, #tpu.memory_space<vmem>> -> memref<1x5000x8xf32, #tpu.memory_space<vmem>>
    %dma_wait3A_37 = tpu.memref_squeeze %dma_wait3A_36 : memref<1x5000x8xf32, #tpu.memory_space<vmem>> -> memref<5000x8xf32, #tpu.memory_space<vmem>>
    %dma_wait3A_38 = arith.constant 0 : i32
    %dma_wait3A_39 = tpu.memref_slice %arg6[%dma_wait3A, %dma_wait3A_38] : memref<2x5000xi32, #tpu.memory_space<vmem>> -> memref<1x5000xi32, #tpu.memory_space<vmem>>
    %dma_wait3A_40 = tpu.memref_squeeze %dma_wait3A_39 : memref<1x5000xi32, #tpu.memory_space<vmem>> -> memref<5000xi32, #tpu.memory_space<vmem>>
    %dma_wait3A_41 = arith.constant 0 : i32
    %dma_wait3A_42 = arith.constant 0 : i32
    %dma_wait3A_43 = tpu.memref_slice %arg2[%dma_wait3A_41, %dma_wait3A_42] : memref<10000x8xf32, #tpu.memory_space<hbm>> -> memref<10000x8xf32, #tpu.memory_space<hbm>>
    tpu.wait_indirect_dma semaphore(%arg8 : memref<!tpu.dma_semaphore, #tpu.memory_space<semaphore_mem>>) src(%dma_wait3A_43 : memref<10000x8xf32, #tpu.memory_space<hbm>>) dst(%dma_wait3A_37 : memref<5000x8xf32, #tpu.memory_space<vmem>>)
    %add3A_44 = arith.constant 0 : i32
    %add3A_45 = arith.addi %mul3A_2, %add3A_44 : i32
    %run_scoped3A_46 = arith.constant 0 : i32
    "tpu.region"() ({
      %run_scoped3A_124 = tpu.sem_alloc : memref<!tpu.dma_semaphore, #tpu.memory_space<semaphore_mem>>
      %dma_start3A_125 = arith.constant 0 : i32
      %dma_start3A_126 = arith.constant 0 : i32
      %dma_start3A_127 = tpu.memref_slice %arg7[%run_scoped3A_46, %dma_start3A_125, %dma_start3A_126] : memref<2x5000x8xf32, #tpu.memory_space<vmem>> -> memref<1x5000x8xf32, #tpu.memory_space<vmem>>
      %dma_start3A_128 = tpu.memref_squeeze %dma_start3A_127 : memref<1x5000x8xf32, #tpu.memory_space<vmem>> -> memref<5000x8xf32, #tpu.memory_space<vmem>>
      %dma_start3A_129 = arith.constant 0 : i32
      %dma_start3A_130 = tpu.memref_slice %arg4[%add3A_45, %dma_start3A_129] : memref<320000x8xf32, #tpu.memory_space<hbm>> -> memref<5000x8xf32, #tpu.memory_space<hbm>>
      %dma_start3A_131 = arith.constant 0 : i32
      %dma_start3A_132 = tpu.memref_slice %arg4[%add3A_45, %dma_start3A_131] : memref<320000x8xf32, #tpu.memory_space<hbm>> -> memref<5000x8xf32, #tpu.memory_space<hbm>>
      %dma_start3A_133 = arith.constant 0 : i32
      %dma_start3A_134 = arith.constant 0 : i32
      %dma_start3A_135 = tpu.memref_slice %arg7[%run_scoped3A_46, %dma_start3A_133, %dma_start3A_134] : memref<2x5000x8xf32, #tpu.memory_space<vmem>> -> memref<1x5000x8xf32, #tpu.memory_space<vmem>>
      %dma_start3A_136 = tpu.memref_squeeze %dma_start3A_135 : memref<1x5000x8xf32, #tpu.memory_space<vmem>> -> memref<5000x8xf32, #tpu.memory_space<vmem>>
      tpu.enqueue_dma source(%dma_start3A_136 : memref<5000x8xf32, #tpu.memory_space<vmem>>) target(%dma_start3A_132 : memref<5000x8xf32, #tpu.memory_space<hbm>>) target_semaphore(%run_scoped3A_124 : memref<!tpu.dma_semaphore, #tpu.memory_space<semaphore_mem>>)
      %dma_wait3A_137 = arith.constant 0 : i32
      %dma_wait3A_138 = arith.constant 0 : i32
      %dma_wait3A_139 = tpu.memref_slice %arg7[%run_scoped3A_46, %dma_wait3A_137, %dma_wait3A_138] : memref<2x5000x8xf32, #tpu.memory_space<vmem>> -> memref<1x5000x8xf32, #tpu.memory_space<vmem>>
      %dma_wait3A_140 = tpu.memref_squeeze %dma_wait3A_139 : memref<1x5000x8xf32, #tpu.memory_space<vmem>> -> memref<5000x8xf32, #tpu.memory_space<vmem>>
      %dma_wait3A_141 = arith.constant 0 : i32
      %dma_wait3A_142 = tpu.memref_slice %arg4[%add3A_45, %dma_wait3A_141] : memref<320000x8xf32, #tpu.memory_space<hbm>> -> memref<5000x8xf32, #tpu.memory_space<hbm>>
      %dma_wait3A_143 = arith.constant 0 : i32
      %dma_wait3A_144 = tpu.memref_slice %arg4[%add3A_45, %dma_wait3A_143] : memref<320000x8xf32, #tpu.memory_space<hbm>> -> memref<5000x8xf32, #tpu.memory_space<hbm>>
      %dma_wait3A_145 = arith.constant 0 : i32
      %dma_wait3A_146 = arith.constant 0 : i32
      %dma_wait3A_147 = tpu.memref_slice %arg7[%run_scoped3A_46, %dma_wait3A_145, %dma_wait3A_146] : memref<2x5000x8xf32, #tpu.memory_space<vmem>> -> memref<1x5000x8xf32, #tpu.memory_space<vmem>>
      %dma_wait3A_148 = tpu.memref_squeeze %dma_wait3A_147 : memref<1x5000x8xf32, #tpu.memory_space<vmem>> -> memref<5000x8xf32, #tpu.memory_space<vmem>>
      tpu.wait_dma2 semaphore(%run_scoped3A_124 : memref<!tpu.dma_semaphore, #tpu.memory_space<semaphore_mem>>) src(%dma_wait3A_148 : memref<5000x8xf32, #tpu.memory_space<vmem>>) dst(%dma_wait3A_144 : memref<5000x8xf32, #tpu.memory_space<hbm>>)
      tpu.yield
    }) : () -> ()
    %add3A_47 = arith.constant 0 : i32
    %add3A_48 = arith.addi %mul3A_2, %add3A_47 : i32
    %run_scoped3A_49 = arith.constant 0 : i32
    %run_scoped3A_50 = arith.constant 0 : i32
    "tpu.region"() ({
      %run_scoped3A_124 = tpu.sem_alloc : memref<!tpu.dma_semaphore, #tpu.memory_space<semaphore_mem>>
      %dma_start3A_125 = arith.constant 0 : i32
      %dma_start3A_126 = tpu.memref_slice %arg6[%run_scoped3A_50, %dma_start3A_125] : memref<2x5000xi32, #tpu.memory_space<vmem>> -> memref<1x5000xi32, #tpu.memory_space<vmem>>
      %dma_start3A_127 = tpu.memref_squeeze %dma_start3A_126 : memref<1x5000xi32, #tpu.memory_space<vmem>> -> memref<5000xi32, #tpu.memory_space<vmem>>
      %dma_start3A_128 = tpu.memref_slice %arg3[%run_scoped3A_49, %add3A_48] : memref<2x320000xi32, #tpu.memory_space<hbm>> -> memref<1x5000xi32, #tpu.memory_space<hbm>>
      %dma_start3A_129 = tpu.memref_squeeze %dma_start3A_128 : memref<1x5000xi32, #tpu.memory_space<hbm>> -> memref<5000xi32, #tpu.memory_space<hbm>>
      %dma_start3A_130 = arith.constant 0 : i32
      %dma_start3A_131 = tpu.memref_slice %arg6[%run_scoped3A_50, %dma_start3A_130] : memref<2x5000xi32, #tpu.memory_space<vmem>> -> memref<1x5000xi32, #tpu.memory_space<vmem>>
      %dma_start3A_132 = tpu.memref_squeeze %dma_start3A_131 : memref<1x5000xi32, #tpu.memory_space<vmem>> -> memref<5000xi32, #tpu.memory_space<vmem>>
      %dma_start3A_133 = tpu.memref_slice %arg3[%run_scoped3A_49, %add3A_48] : memref<2x320000xi32, #tpu.memory_space<hbm>> -> memref<1x5000xi32, #tpu.memory_space<hbm>>
      %dma_start3A_134 = tpu.memref_squeeze %dma_start3A_133 : memref<1x5000xi32, #tpu.memory_space<hbm>> -> memref<5000xi32, #tpu.memory_space<hbm>>
      tpu.enqueue_dma source(%dma_start3A_134 : memref<5000xi32, #tpu.memory_space<hbm>>) target(%dma_start3A_132 : memref<5000xi32, #tpu.memory_space<vmem>>) target_semaphore(%run_scoped3A_124 : memref<!tpu.dma_semaphore, #tpu.memory_space<semaphore_mem>>)
      %dma_wait3A_135 = arith.constant 0 : i32
      %dma_wait3A_136 = tpu.memref_slice %arg6[%run_scoped3A_50, %dma_wait3A_135] : memref<2x5000xi32, #tpu.memory_space<vmem>> -> memref<1x5000xi32, #tpu.memory_space<vmem>>
      %dma_wait3A_137 = tpu.memref_squeeze %dma_wait3A_136 : memref<1x5000xi32, #tpu.memory_space<vmem>> -> memref<5000xi32, #tpu.memory_space<vmem>>
      %dma_wait3A_138 = tpu.memref_slice %arg3[%run_scoped3A_49, %add3A_48] : memref<2x320000xi32, #tpu.memory_space<hbm>> -> memref<1x5000xi32, #tpu.memory_space<hbm>>
      %dma_wait3A_139 = tpu.memref_squeeze %dma_wait3A_138 : memref<1x5000xi32, #tpu.memory_space<hbm>> -> memref<5000xi32, #tpu.memory_space<hbm>>
      %dma_wait3A_140 = arith.constant 0 : i32
      %dma_wait3A_141 = tpu.memref_slice %arg6[%run_scoped3A_50, %dma_wait3A_140] : memref<2x5000xi32, #tpu.memory_space<vmem>> -> memref<1x5000xi32, #tpu.memory_space<vmem>>
      %dma_wait3A_142 = tpu.memref_squeeze %dma_wait3A_141 : memref<1x5000xi32, #tpu.memory_space<vmem>> -> memref<5000xi32, #tpu.memory_space<vmem>>
      %dma_wait3A_143 = tpu.memref_slice %arg3[%run_scoped3A_49, %add3A_48] : memref<2x320000xi32, #tpu.memory_space<hbm>> -> memref<1x5000xi32, #tpu.memory_space<hbm>>
      %dma_wait3A_144 = tpu.memref_squeeze %dma_wait3A_143 : memref<1x5000xi32, #tpu.memory_space<hbm>> -> memref<5000xi32, #tpu.memory_space<hbm>>
      tpu.wait_dma2 semaphore(%run_scoped3A_124 : memref<!tpu.dma_semaphore, #tpu.memory_space<semaphore_mem>>) src(%dma_wait3A_144 : memref<5000xi32, #tpu.memory_space<hbm>>) dst(%dma_wait3A_142 : memref<5000xi32, #tpu.memory_space<vmem>>)
      tpu.yield
    }) : () -> ()
    %dma_start3A_51 = arith.constant 0 : i32
    %dma_start3A_52 = arith.constant 0 : i32
    %dma_start3A_53 = arith.constant 0 : i32
    %dma_start3A_54 = arith.constant 0 : i32
    %dma_start3A_55 = tpu.memref_slice %arg7[%dma_start3A_52, %dma_start3A_53, %dma_start3A_54] : memref<2x5000x8xf32, #tpu.memory_space<vmem>> -> memref<1x5000x8xf32, #tpu.memory_space<vmem>>
    %dma_start3A_56 = tpu.memref_squeeze %dma_start3A_55 : memref<1x5000x8xf32, #tpu.memory_space<vmem>> -> memref<5000x8xf32, #tpu.memory_space<vmem>>
    %dma_start3A_57 = arith.constant 0 : i32
    %dma_start3A_58 = tpu.memref_slice %arg6[%dma_start3A_51, %dma_start3A_57] : memref<2x5000xi32, #tpu.memory_space<vmem>> -> memref<1x5000xi32, #tpu.memory_space<vmem>>
    %dma_start3A_59 = tpu.memref_squeeze %dma_start3A_58 : memref<1x5000xi32, #tpu.memory_space<vmem>> -> memref<5000xi32, #tpu.memory_space<vmem>>
    %dma_start3A_60 = arith.constant 0 : i32
    %dma_start3A_61 = arith.constant 0 : i32
    %dma_start3A_62 = tpu.memref_slice %arg2[%dma_start3A_60, %dma_start3A_61] : memref<10000x8xf32, #tpu.memory_space<hbm>> -> memref<10000x8xf32, #tpu.memory_space<hbm>>
    tpu.enqueue_indirect_dma source(%dma_start3A_62 : memref<10000x8xf32, #tpu.memory_space<hbm>>) target(%dma_start3A_56 : memref<5000x8xf32, #tpu.memory_space<vmem>>) offsets(%dma_start3A_59 : memref<5000xi32, #tpu.memory_space<vmem>>) semaphore(%arg8 : memref<!tpu.dma_semaphore, #tpu.memory_space<semaphore_mem>>)
    %dma_wait3A_63 = arith.constant 1 : i32
    %dma_wait3A_64 = arith.constant 1 : i32
    %dma_wait3A_65 = arith.constant 0 : i32
    %dma_wait3A_66 = arith.constant 0 : i32
    %dma_wait3A_67 = tpu.memref_slice %arg7[%dma_wait3A_64, %dma_wait3A_65, %dma_wait3A_66] : memref<2x5000x8xf32, #tpu.memory_space<vmem>> -> memref<1x5000x8xf32, #tpu.memory_space<vmem>>
    %dma_wait3A_68 = tpu.memref_squeeze %dma_wait3A_67 : memref<1x5000x8xf32, #tpu.memory_space<vmem>> -> memref<5000x8xf32, #tpu.memory_space<vmem>>
    %dma_wait3A_69 = arith.constant 0 : i32
    %dma_wait3A_70 = tpu.memref_slice %arg6[%dma_wait3A_63, %dma_wait3A_69] : memref<2x5000xi32, #tpu.memory_space<vmem>> -> memref<1x5000xi32, #tpu.memory_space<vmem>>
    %dma_wait3A_71 = tpu.memref_squeeze %dma_wait3A_70 : memref<1x5000xi32, #tpu.memory_space<vmem>> -> memref<5000xi32, #tpu.memory_space<vmem>>
    %dma_wait3A_72 = arith.constant 0 : i32
    %dma_wait3A_73 = arith.constant 0 : i32
    %dma_wait3A_74 = tpu.memref_slice %arg2[%dma_wait3A_72, %dma_wait3A_73] : memref<10000x8xf32, #tpu.memory_space<hbm>> -> memref<10000x8xf32, #tpu.memory_space<hbm>>
    tpu.wait_indirect_dma semaphore(%arg9 : memref<!tpu.dma_semaphore, #tpu.memory_space<semaphore_mem>>) src(%dma_wait3A_74 : memref<10000x8xf32, #tpu.memory_space<hbm>>) dst(%dma_wait3A_68 : memref<5000x8xf32, #tpu.memory_space<vmem>>)
    %add3A_75 = arith.constant 5000 : i32
    %add3A_76 = arith.addi %mul3A_2, %add3A_75 : i32
    %run_scoped3A_77 = arith.constant 1 : i32
    "tpu.region"() ({
      %run_scoped3A_124 = tpu.sem_alloc : memref<!tpu.dma_semaphore, #tpu.memory_space<semaphore_mem>>
      %dma_start3A_125 = arith.constant 0 : i32
      %dma_start3A_126 = arith.constant 0 : i32
      %dma_start3A_127 = tpu.memref_slice %arg7[%run_scoped3A_77, %dma_start3A_125, %dma_start3A_126] : memref<2x5000x8xf32, #tpu.memory_space<vmem>> -> memref<1x5000x8xf32, #tpu.memory_space<vmem>>
      %dma_start3A_128 = tpu.memref_squeeze %dma_start3A_127 : memref<1x5000x8xf32, #tpu.memory_space<vmem>> -> memref<5000x8xf32, #tpu.memory_space<vmem>>
      %dma_start3A_129 = arith.constant 0 : i32
      %dma_start3A_130 = tpu.memref_slice %arg4[%add3A_76, %dma_start3A_129] : memref<320000x8xf32, #tpu.memory_space<hbm>> -> memref<5000x8xf32, #tpu.memory_space<hbm>>
      %dma_start3A_131 = arith.constant 0 : i32
      %dma_start3A_132 = tpu.memref_slice %arg4[%add3A_76, %dma_start3A_131] : memref<320000x8xf32, #tpu.memory_space<hbm>> -> memref<5000x8xf32, #tpu.memory_space<hbm>>
      %dma_start3A_133 = arith.constant 0 : i32
      %dma_start3A_134 = arith.constant 0 : i32
      %dma_start3A_135 = tpu.memref_slice %arg7[%run_scoped3A_77, %dma_start3A_133, %dma_start3A_134] : memref<2x5000x8xf32, #tpu.memory_space<vmem>> -> memref<1x5000x8xf32, #tpu.memory_space<vmem>>
      %dma_start3A_136 = tpu.memref_squeeze %dma_start3A_135 : memref<1x5000x8xf32, #tpu.memory_space<vmem>> -> memref<5000x8xf32, #tpu.memory_space<vmem>>
      tpu.enqueue_dma source(%dma_start3A_136 : memref<5000x8xf32, #tpu.memory_space<vmem>>) target(%dma_start3A_132 : memref<5000x8xf32, #tpu.memory_space<hbm>>) target_semaphore(%run_scoped3A_124 : memref<!tpu.dma_semaphore, #tpu.memory_space<semaphore_mem>>)
      %dma_wait3A_137 = arith.constant 0 : i32
      %dma_wait3A_138 = arith.constant 0 : i32
      %dma_wait3A_139 = tpu.memref_slice %arg7[%run_scoped3A_77, %dma_wait3A_137, %dma_wait3A_138] : memref<2x5000x8xf32, #tpu.memory_space<vmem>> -> memref<1x5000x8xf32, #tpu.memory_space<vmem>>
      %dma_wait3A_140 = tpu.memref_squeeze %dma_wait3A_139 : memref<1x5000x8xf32, #tpu.memory_space<vmem>> -> memref<5000x8xf32, #tpu.memory_space<vmem>>
      %dma_wait3A_141 = arith.constant 0 : i32
      %dma_wait3A_142 = tpu.memref_slice %arg4[%add3A_76, %dma_wait3A_141] : memref<320000x8xf32, #tpu.memory_space<hbm>> -> memref<5000x8xf32, #tpu.memory_space<hbm>>
      %dma_wait3A_143 = arith.constant 0 : i32
      %dma_wait3A_144 = tpu.memref_slice %arg4[%add3A_76, %dma_wait3A_143] : memref<320000x8xf32, #tpu.memory_space<hbm>> -> memref<5000x8xf32, #tpu.memory_space<hbm>>
      %dma_wait3A_145 = arith.constant 0 : i32
      %dma_wait3A_146 = arith.constant 0 : i32
      %dma_wait3A_147 = tpu.memref_slice %arg7[%run_scoped3A_77, %dma_wait3A_145, %dma_wait3A_146] : memref<2x5000x8xf32, #tpu.memory_space<vmem>> -> memref<1x5000x8xf32, #tpu.memory_space<vmem>>
      %dma_wait3A_148 = tpu.memref_squeeze %dma_wait3A_147 : memref<1x5000x8xf32, #tpu.memory_space<vmem>> -> memref<5000x8xf32, #tpu.memory_space<vmem>>
      tpu.wait_dma2 semaphore(%run_scoped3A_124 : memref<!tpu.dma_semaphore, #tpu.memory_space<semaphore_mem>>) src(%dma_wait3A_148 : memref<5000x8xf32, #tpu.memory_space<vmem>>) dst(%dma_wait3A_144 : memref<5000x8xf32, #tpu.memory_space<hbm>>)
      tpu.yield
    }) : () -> ()
    %add3A_78 = arith.constant 5000 : i32
    %add3A_79 = arith.addi %mul3A_2, %add3A_78 : i32
    %run_scoped3A_80 = arith.constant 0 : i32
    %run_scoped3A_81 = arith.constant 1 : i32
    "tpu.region"() ({
      %run_scoped3A_124 = tpu.sem_alloc : memref<!tpu.dma_semaphore, #tpu.memory_space<semaphore_mem>>
      %dma_start3A_125 = arith.constant 0 : i32
      %dma_start3A_126 = tpu.memref_slice %arg6[%run_scoped3A_81, %dma_start3A_125] : memref<2x5000xi32, #tpu.memory_space<vmem>> -> memref<1x5000xi32, #tpu.memory_space<vmem>>
      %dma_start3A_127 = tpu.memref_squeeze %dma_start3A_126 : memref<1x5000xi32, #tpu.memory_space<vmem>> -> memref<5000xi32, #tpu.memory_space<vmem>>
      %dma_start3A_128 = tpu.memref_slice %arg3[%run_scoped3A_80, %add3A_79] : memref<2x320000xi32, #tpu.memory_space<hbm>> -> memref<1x5000xi32, #tpu.memory_space<hbm>>
      %dma_start3A_129 = tpu.memref_squeeze %dma_start3A_128 : memref<1x5000xi32, #tpu.memory_space<hbm>> -> memref<5000xi32, #tpu.memory_space<hbm>>
      %dma_start3A_130 = arith.constant 0 : i32
      %dma_start3A_131 = tpu.memref_slice %arg6[%run_scoped3A_81, %dma_start3A_130] : memref<2x5000xi32, #tpu.memory_space<vmem>> -> memref<1x5000xi32, #tpu.memory_space<vmem>>
      %dma_start3A_132 = tpu.memref_squeeze %dma_start3A_131 : memref<1x5000xi32, #tpu.memory_space<vmem>> -> memref<5000xi32, #tpu.memory_space<vmem>>
      %dma_start3A_133 = tpu.memref_slice %arg3[%run_scoped3A_80, %add3A_79] : memref<2x320000xi32, #tpu.memory_space<hbm>> -> memref<1x5000xi32, #tpu.memory_space<hbm>>
      %dma_start3A_134 = tpu.memref_squeeze %dma_start3A_133 : memref<1x5000xi32, #tpu.memory_space<hbm>> -> memref<5000xi32, #tpu.memory_space<hbm>>
      tpu.enqueue_dma source(%dma_start3A_134 : memref<5000xi32, #tpu.memory_space<hbm>>) target(%dma_start3A_132 : memref<5000xi32, #tpu.memory_space<vmem>>) target_semaphore(%run_scoped3A_124 : memref<!tpu.dma_semaphore, #tpu.memory_space<semaphore_mem>>)
      %dma_wait3A_135 = arith.constant 0 : i32
      %dma_wait3A_136 = tpu.memref_slice %arg6[%run_scoped3A_81, %dma_wait3A_135] : memref<2x5000xi32, #tpu.memory_space<vmem>> -> memref<1x5000xi32, #tpu.memory_space<vmem>>
      %dma_wait3A_137 = tpu.memref_squeeze %dma_wait3A_136 : memref<1x5000xi32, #tpu.memory_space<vmem>> -> memref<5000xi32, #tpu.memory_space<vmem>>
      %dma_wait3A_138 = tpu.memref_slice %arg3[%run_scoped3A_80, %add3A_79] : memref<2x320000xi32, #tpu.memory_space<hbm>> -> memref<1x5000xi32, #tpu.memory_space<hbm>>
      %dma_wait3A_139 = tpu.memref_squeeze %dma_wait3A_138 : memref<1x5000xi32, #tpu.memory_space<hbm>> -> memref<5000xi32, #tpu.memory_space<hbm>>
      %dma_wait3A_140 = arith.constant 0 : i32
      %dma_wait3A_141 = tpu.memref_slice %arg6[%run_scoped3A_81, %dma_wait3A_140] : memref<2x5000xi32, #tpu.memory_space<vmem>> -> memref<1x5000xi32, #tpu.memory_space<vmem>>
      %dma_wait3A_142 = tpu.memref_squeeze %dma_wait3A_141 : memref<1x5000xi32, #tpu.memory_space<vmem>> -> memref<5000xi32, #tpu.memory_space<vmem>>
      %dma_wait3A_143 = tpu.memref_slice %arg3[%run_scoped3A_80, %add3A_79] : memref<2x320000xi32, #tpu.memory_space<hbm>> -> memref<1x5000xi32, #tpu.memory_space<hbm>>
      %dma_wait3A_144 = tpu.memref_squeeze %dma_wait3A_143 : memref<1x5000xi32, #tpu.memory_space<hbm>> -> memref<5000xi32, #tpu.memory_space<hbm>>
      tpu.wait_dma2 semaphore(%run_scoped3A_124 : memref<!tpu.dma_semaphore, #tpu.memory_space<semaphore_mem>>) src(%dma_wait3A_144 : memref<5000xi32, #tpu.memory_space<hbm>>) dst(%dma_wait3A_142 : memref<5000xi32, #tpu.memory_space<vmem>>)
      tpu.yield
    }) : () -> ()
    %dma_start3A_82 = arith.constant 1 : i32
    %dma_start3A_83 = arith.constant 1 : i32
    %dma_start3A_84 = arith.constant 0 : i32
    %dma_start3A_85 = arith.constant 0 : i32
    %dma_start3A_86 = tpu.memref_slice %arg7[%dma_start3A_83, %dma_start3A_84, %dma_start3A_85] : memref<2x5000x8xf32, #tpu.memory_space<vmem>> -> memref<1x5000x8xf32, #tpu.memory_space<vmem>>
    %dma_start3A_87 = tpu.memref_squeeze %dma_start3A_86 : memref<1x5000x8xf32, #tpu.memory_space<vmem>> -> memref<5000x8xf32, #tpu.memory_space<vmem>>
    %dma_start3A_88 = arith.constant 0 : i32
    %dma_start3A_89 = tpu.memref_slice %arg6[%dma_start3A_82, %dma_start3A_88] : memref<2x5000xi32, #tpu.memory_space<vmem>> -> memref<1x5000xi32, #tpu.memory_space<vmem>>
    %dma_start3A_90 = tpu.memref_squeeze %dma_start3A_89 : memref<1x5000xi32, #tpu.memory_space<vmem>> -> memref<5000xi32, #tpu.memory_space<vmem>>
    %dma_start3A_91 = arith.constant 0 : i32
    %dma_start3A_92 = arith.constant 0 : i32
    %dma_start3A_93 = tpu.memref_slice %arg2[%dma_start3A_91, %dma_start3A_92] : memref<10000x8xf32, #tpu.memory_space<hbm>> -> memref<10000x8xf32, #tpu.memory_space<hbm>>
    tpu.enqueue_indirect_dma source(%dma_start3A_93 : memref<10000x8xf32, #tpu.memory_space<hbm>>) target(%dma_start3A_87 : memref<5000x8xf32, #tpu.memory_space<vmem>>) offsets(%dma_start3A_90 : memref<5000xi32, #tpu.memory_space<vmem>>) semaphore(%arg9 : memref<!tpu.dma_semaphore, #tpu.memory_space<semaphore_mem>>)
    %dma_wait3A_94 = arith.constant 0 : i32
    %dma_wait3A_95 = arith.constant 0 : i32
    %dma_wait3A_96 = arith.constant 0 : i32
    %dma_wait3A_97 = arith.constant 0 : i32
    %dma_wait3A_98 = tpu.memref_slice %arg7[%dma_wait3A_95, %dma_wait3A_96, %dma_wait3A_97] : memref<2x5000x8xf32, #tpu.memory_space<vmem>> -> memref<1x5000x8xf32, #tpu.memory_space<vmem>>
    %dma_wait3A_99 = tpu.memref_squeeze %dma_wait3A_98 : memref<1x5000x8xf32, #tpu.memory_space<vmem>> -> memref<5000x8xf32, #tpu.memory_space<vmem>>
    %dma_wait3A_100 = arith.constant 0 : i32
    %dma_wait3A_101 = tpu.memref_slice %arg6[%dma_wait3A_94, %dma_wait3A_100] : memref<2x5000xi32, #tpu.memory_space<vmem>> -> memref<1x5000xi32, #tpu.memory_space<vmem>>
    %dma_wait3A_102 = tpu.memref_squeeze %dma_wait3A_101 : memref<1x5000xi32, #tpu.memory_space<vmem>> -> memref<5000xi32, #tpu.memory_space<vmem>>
    %dma_wait3A_103 = arith.constant 0 : i32
    %dma_wait3A_104 = arith.constant 0 : i32
    %dma_wait3A_105 = tpu.memref_slice %arg2[%dma_wait3A_103, %dma_wait3A_104] : memref<10000x8xf32, #tpu.memory_space<hbm>> -> memref<10000x8xf32, #tpu.memory_space<hbm>>
    tpu.wait_indirect_dma semaphore(%arg8 : memref<!tpu.dma_semaphore, #tpu.memory_space<semaphore_mem>>) src(%dma_wait3A_105 : memref<10000x8xf32, #tpu.memory_space<hbm>>) dst(%dma_wait3A_99 : memref<5000x8xf32, #tpu.memory_space<vmem>>)
    %add3A_106 = arith.constant 0 : i32
    %add3A_107 = arith.addi %mul3A_2, %add3A_106 : i32
    %run_scoped3A_108 = arith.constant 0 : i32
    "tpu.region"() ({
      %run_scoped3A_124 = tpu.sem_alloc : memref<!tpu.dma_semaphore, #tpu.memory_space<semaphore_mem>>
      %dma_start3A_125 = arith.constant 0 : i32
      %dma_start3A_126 = arith.constant 0 : i32
      %dma_start3A_127 = tpu.memref_slice %arg7[%run_scoped3A_108, %dma_start3A_125, %dma_start3A_126] : memref<2x5000x8xf32, #tpu.memory_space<vmem>> -> memref<1x5000x8xf32, #tpu.memory_space<vmem>>
      %dma_start3A_128 = tpu.memref_squeeze %dma_start3A_127 : memref<1x5000x8xf32, #tpu.memory_space<vmem>> -> memref<5000x8xf32, #tpu.memory_space<vmem>>
      %dma_start3A_129 = arith.constant 0 : i32
      %dma_start3A_130 = tpu.memref_slice %arg5[%add3A_107, %dma_start3A_129] : memref<320000x8xf32, #tpu.memory_space<hbm>> -> memref<5000x8xf32, #tpu.memory_space<hbm>>
      %dma_start3A_131 = arith.constant 0 : i32
      %dma_start3A_132 = tpu.memref_slice %arg5[%add3A_107, %dma_start3A_131] : memref<320000x8xf32, #tpu.memory_space<hbm>> -> memref<5000x8xf32, #tpu.memory_space<hbm>>
      %dma_start3A_133 = arith.constant 0 : i32
      %dma_start3A_134 = arith.constant 0 : i32
      %dma_start3A_135 = tpu.memref_slice %arg7[%run_scoped3A_108, %dma_start3A_133, %dma_start3A_134] : memref<2x5000x8xf32, #tpu.memory_space<vmem>> -> memref<1x5000x8xf32, #tpu.memory_space<vmem>>
      %dma_start3A_136 = tpu.memref_squeeze %dma_start3A_135 : memref<1x5000x8xf32, #tpu.memory_space<vmem>> -> memref<5000x8xf32, #tpu.memory_space<vmem>>
      tpu.enqueue_dma source(%dma_start3A_136 : memref<5000x8xf32, #tpu.memory_space<vmem>>) target(%dma_start3A_132 : memref<5000x8xf32, #tpu.memory_space<hbm>>) target_semaphore(%run_scoped3A_124 : memref<!tpu.dma_semaphore, #tpu.memory_space<semaphore_mem>>)
      %dma_wait3A_137 = arith.constant 0 : i32
      %dma_wait3A_138 = arith.constant 0 : i32
      %dma_wait3A_139 = tpu.memref_slice %arg7[%run_scoped3A_108, %dma_wait3A_137, %dma_wait3A_138] : memref<2x5000x8xf32, #tpu.memory_space<vmem>> -> memref<1x5000x8xf32, #tpu.memory_space<vmem>>
      %dma_wait3A_140 = tpu.memref_squeeze %dma_wait3A_139 : memref<1x5000x8xf32, #tpu.memory_space<vmem>> -> memref<5000x8xf32, #tpu.memory_space<vmem>>
      %dma_wait3A_141 = arith.constant 0 : i32
      %dma_wait3A_142 = tpu.memref_slice %arg5[%add3A_107, %dma_wait3A_141] : memref<320000x8xf32, #tpu.memory_space<hbm>> -> memref<5000x8xf32, #tpu.memory_space<hbm>>
      %dma_wait3A_143 = arith.constant 0 : i32
      %dma_wait3A_144 = tpu.memref_slice %arg5[%add3A_107, %dma_wait3A_143] : memref<320000x8xf32, #tpu.memory_space<hbm>> -> memref<5000x8xf32, #tpu.memory_space<hbm>>
      %dma_wait3A_145 = arith.constant 0 : i32
      %dma_wait3A_146 = arith.constant 0 : i32
      %dma_wait3A_147 = tpu.memref_slice %arg7[%run_scoped3A_108, %dma_wait3A_145, %dma_wait3A_146] : memref<2x5000x8xf32, #tpu.memory_space<vmem>> -> memref<1x5000x8xf32, #tpu.memory_space<vmem>>
      %dma_wait3A_148 = tpu.memref_squeeze %dma_wait3A_147 : memref<1x5000x8xf32, #tpu.memory_space<vmem>> -> memref<5000x8xf32, #tpu.memory_space<vmem>>
      tpu.wait_dma2 semaphore(%run_scoped3A_124 : memref<!tpu.dma_semaphore, #tpu.memory_space<semaphore_mem>>) src(%dma_wait3A_148 : memref<5000x8xf32, #tpu.memory_space<vmem>>) dst(%dma_wait3A_144 : memref<5000x8xf32, #tpu.memory_space<hbm>>)
      tpu.yield
    }) : () -> ()
    %dma_wait3A_109 = arith.constant 1 : i32
    %dma_wait3A_110 = arith.constant 1 : i32
    %dma_wait3A_111 = arith.constant 0 : i32
    %dma_wait3A_112 = arith.constant 0 : i32
    %dma_wait3A_113 = tpu.memref_slice %arg7[%dma_wait3A_110, %dma_wait3A_111, %dma_wait3A_112] : memref<2x5000x8xf32, #tpu.memory_space<vmem>> -> memref<1x5000x8xf32, #tpu.memory_space<vmem>>
    %dma_wait3A_114 = tpu.memref_squeeze %dma_wait3A_113 : memref<1x5000x8xf32, #tpu.memory_space<vmem>> -> memref<5000x8xf32, #tpu.memory_space<vmem>>
    %dma_wait3A_115 = arith.constant 0 : i32
    %dma_wait3A_116 = tpu.memref_slice %arg6[%dma_wait3A_109, %dma_wait3A_115] : memref<2x5000xi32, #tpu.memory_space<vmem>> -> memref<1x5000xi32, #tpu.memory_space<vmem>>
    %dma_wait3A_117 = tpu.memref_squeeze %dma_wait3A_116 : memref<1x5000xi32, #tpu.memory_space<vmem>> -> memref<5000xi32, #tpu.memory_space<vmem>>
    %dma_wait3A_118 = arith.constant 0 : i32
    %dma_wait3A_119 = arith.constant 0 : i32
    %dma_wait3A_120 = tpu.memref_slice %arg2[%dma_wait3A_118, %dma_wait3A_119] : memref<10000x8xf32, #tpu.memory_space<hbm>> -> memref<10000x8xf32, #tpu.memory_space<hbm>>
    tpu.wait_indirect_dma semaphore(%arg9 : memref<!tpu.dma_semaphore, #tpu.memory_space<semaphore_mem>>) src(%dma_wait3A_120 : memref<10000x8xf32, #tpu.memory_space<hbm>>) dst(%dma_wait3A_114 : memref<5000x8xf32, #tpu.memory_space<vmem>>)
    %add3A_121 = arith.constant 5000 : i32
    %add3A_122 = arith.addi %mul3A_2, %add3A_121 : i32
    %run_scoped3A_123 = arith.constant 1 : i32
    "tpu.region"() ({
      %run_scoped3A_124 = tpu.sem_alloc : memref<!tpu.dma_semaphore, #tpu.memory_space<semaphore_mem>>
      %dma_start3A_125 = arith.constant 0 : i32
      %dma_start3A_126 = arith.constant 0 : i32
      %dma_start3A_127 = tpu.memref_slice %arg7[%run_scoped3A_123, %dma_start3A_125, %dma_start3A_126] : memref<2x5000x8xf32, #tpu.memory_space<vmem>> -> memref<1x5000x8xf32, #tpu.memory_space<vmem>>
      %dma_start3A_128 = tpu.memref_squeeze %dma_start3A_127 : memref<1x5000x8xf32, #tpu.memory_space<vmem>> -> memref<5000x8xf32, #tpu.memory_space<vmem>>
      %dma_start3A_129 = arith.constant 0 : i32
      %dma_start3A_130 = tpu.memref_slice %arg5[%add3A_122, %dma_start3A_129] : memref<320000x8xf32, #tpu.memory_space<hbm>> -> memref<5000x8xf32, #tpu.memory_space<hbm>>
      %dma_start3A_131 = arith.constant 0 : i32
      %dma_start3A_132 = tpu.memref_slice %arg5[%add3A_122, %dma_start3A_131] : memref<320000x8xf32, #tpu.memory_space<hbm>> -> memref<5000x8xf32, #tpu.memory_space<hbm>>
      %dma_start3A_133 = arith.constant 0 : i32
      %dma_start3A_134 = arith.constant 0 : i32
      %dma_start3A_135 = tpu.memref_slice %arg7[%run_scoped3A_123, %dma_start3A_133, %dma_start3A_134] : memref<2x5000x8xf32, #tpu.memory_space<vmem>> -> memref<1x5000x8xf32, #tpu.memory_space<vmem>>
      %dma_start3A_136 = tpu.memref_squeeze %dma_start3A_135 : memref<1x5000x8xf32, #tpu.memory_space<vmem>> -> memref<5000x8xf32, #tpu.memory_space<vmem>>
      tpu.enqueue_dma source(%dma_start3A_136 : memref<5000x8xf32, #tpu.memory_space<vmem>>) target(%dma_start3A_132 : memref<5000x8xf32, #tpu.memory_space<hbm>>) target_semaphore(%run_scoped3A_124 : memref<!tpu.dma_semaphore, #tpu.memory_space<semaphore_mem>>)
      %dma_wait3A_137 = arith.constant 0 : i32
      %dma_wait3A_138 = arith.constant 0 : i32
      %dma_wait3A_139 = tpu.memref_slice %arg7[%run_scoped3A_123, %dma_wait3A_137, %dma_wait3A_138] : memref<2x5000x8xf32, #tpu.memory_space<vmem>> -> memref<1x5000x8xf32, #tpu.memory_space<vmem>>
      %dma_wait3A_140 = tpu.memref_squeeze %dma_wait3A_139 : memref<1x5000x8xf32, #tpu.memory_space<vmem>> -> memref<5000x8xf32, #tpu.memory_space<vmem>>
      %dma_wait3A_141 = arith.constant 0 : i32
      %dma_wait3A_142 = tpu.memref_slice %arg5[%add3A_122, %dma_wait3A_141] : memref<320000x8xf32, #tpu.memory_space<hbm>> -> memref<5000x8xf32, #tpu.memory_space<hbm>>
      %dma_wait3A_143 = arith.constant 0 : i32
      %dma_wait3A_144 = tpu.memref_slice %arg5[%add3A_122, %dma_wait3A_143] : memref<320000x8xf32, #tpu.memory_space<hbm>> -> memref<5000x8xf32, #tpu.memory_space<hbm>>
      %dma_wait3A_145 = arith.constant 0 : i32
      %dma_wait3A_146 = arith.constant 0 : i32
      %dma_wait3A_147 = tpu.memref_slice %arg7[%run_scoped3A_123, %dma_wait3A_145, %dma_wait3A_146] : memref<2x5000x8xf32, #tpu.memory_space<vmem>> -> memref<1x5000x8xf32, #tpu.memory_space<vmem>>
      %dma_wait3A_148 = tpu.memref_squeeze %dma_wait3A_147 : memref<1x5000x8xf32, #tpu.memory_space<vmem>> -> memref<5000x8xf32, #tpu.memory_space<vmem>>
      tpu.wait_dma2 semaphore(%run_scoped3A_124 : memref<!tpu.dma_semaphore, #tpu.memory_space<semaphore_mem>>) src(%dma_wait3A_148 : memref<5000x8xf32, #tpu.memory_space<vmem>>) dst(%dma_wait3A_144 : memref<5000x8xf32, #tpu.memory_space<hbm>>)
      tpu.yield
    }) : () -> ()
    return
  }
}

module attributes {stable_mosaic.version = 14 : i64} {
  func.func @_ne_body(%arg0: i32, %arg1: memref<2000x128xf32, #tpu.memory_space<vmem>>, %arg2: memref<128x40xf32, #tpu.memory_space<vmem>>, %arg3: memref<40x8xf32, #tpu.memory_space<vmem>>, %arg4: memref<2000x8xf32, #tpu.memory_space<vmem>>) attributes {dimension_semantics = [#tpu.dimension_semantics<arbitrary>], iteration_bounds = array<i64: 5>, scalar_prefetch = 0 : i64, scratch_operands = 0 : i64, tpu.core_type = #tpu.core_type<tc>, window_params = [{transform_indices = @transform_0, window_bounds = array<i64: 2000, 128>}, {pipeline_mode = #tpu.pipeline_mode<synchronous>, transform_indices = @transform_1, window_bounds = array<i64: 128, 40>}, {pipeline_mode = #tpu.pipeline_mode<synchronous>, transform_indices = @transform_2, window_bounds = array<i64: 40, 8>}, {transform_indices = @transform_3, window_bounds = array<i64: 2000, 8>}]} {
    %get3A = arith.constant 0 : index
    %get3A_0 = arith.constant 0 : index
    %get3A_1 = vector.load %arg1[%get3A, %get3A_0] : memref<2000x128xf32, #tpu.memory_space<vmem>>, vector<2000x128xf32>
    %get3A_2 = arith.constant 0 : index
    %get3A_3 = arith.constant 0 : index
    %get3A_4 = vector.load %arg2[%get3A_2, %get3A_3] : memref<128x40xf32, #tpu.memory_space<vmem>>, vector<128x40xf32>
    %dot_general3A = arith.constant dense<0.000000e+00> : vector<2000x40xf32>
    %dot_general3A_5 = tpu.matmul %get3A_1, %get3A_4, %dot_general3A {dimension_numbers = #tpu.dot_dimension_numbers<[1], [0], [0], [1], [0, 0, 1, 1], [], []>, transpose_lhs_hint = false} : vector<2000x128xf32>, vector<128x40xf32>, vector<2000x40xf32> -> vector<2000x40xf32>
    %max3A = arith.constant 0.000000e+00 : f32
    %max3A_6 = vector.broadcast %max3A : f32 to vector<2000x40xf32>
    %max3A_7 = arith.maximumf %dot_general3A_5, %max3A_6 : vector<2000x40xf32>
    %get3A_8 = arith.constant 0 : index
    %get3A_9 = arith.constant 0 : index
    %get3A_10 = vector.load %arg3[%get3A_8, %get3A_9] : memref<40x8xf32, #tpu.memory_space<vmem>>, vector<40x8xf32>
    %dot_general3A_11 = arith.constant dense<0.000000e+00> : vector<2000x8xf32>
    %dot_general3A_12 = tpu.matmul %max3A_7, %get3A_10, %dot_general3A_11 {dimension_numbers = #tpu.dot_dimension_numbers<[1], [0], [0], [1], [0, 0, 1, 1], [], []>, transpose_lhs_hint = false} : vector<2000x40xf32>, vector<40x8xf32>, vector<2000x8xf32> -> vector<2000x8xf32>
    %max3A_13 = arith.constant 0.000000e+00 : f32
    %max3A_14 = vector.broadcast %max3A_13 : f32 to vector<2000x8xf32>
    %max3A_15 = arith.maximumf %dot_general3A_12, %max3A_14 : vector<2000x8xf32>
    %swap3A = arith.constant 0 : index
    %swap3A_16 = arith.constant 0 : index
    %swap3A_17 = vector.load %arg4[%swap3A, %swap3A_16] : memref<2000x8xf32, #tpu.memory_space<vmem>>, vector<2000x8xf32>
    tpu.vector_store %arg4[%swap3A, %swap3A_16], %max3A_15 {strides = array<i32>} : memref<2000x8xf32, #tpu.memory_space<vmem>>, vector<2000x8xf32>,
    return
  }
  func.func @transform_0(%arg0: i32) -> (i32, i32) {
    %c0_i32 = arith.constant 0 : i32
    %c0_i32_0 = arith.constant 0 : i32
    return %arg0, %c0_i32 : i32, i32
  }
  func.func @transform_1(%arg0: i32) -> (i32, i32) {
    %c0_i32 = arith.constant 0 : i32
    %c0_i32_0 = arith.constant 0 : i32
    %c0_i32_1 = arith.constant 0 : i32
    return %c0_i32, %c0_i32_0 : i32, i32
  }
  func.func @transform_2(%arg0: i32) -> (i32, i32) {
    %c0_i32 = arith.constant 0 : i32
    %c0_i32_0 = arith.constant 0 : i32
    %c0_i32_1 = arith.constant 0 : i32
    return %c0_i32, %c0_i32_0 : i32, i32
  }
  func.func @transform_3(%arg0: i32) -> (i32, i32) {
    %c0_i32 = arith.constant 0 : i32
    %c0_i32_0 = arith.constant 0 : i32
    return %arg0, %c0_i32 : i32, i32
  }
}

module attributes {stable_mosaic.version = 14 : i64} {
  func.func @_ee_body(%arg0: i32, %arg1: memref<4000x128xf32, #tpu.memory_space<vmem>>, %arg2: memref<128x320xf32, #tpu.memory_space<vmem>>, %arg3: memref<320x64xf32, #tpu.memory_space<vmem>>, %arg4: memref<4000x64xf32, #tpu.memory_space<vmem>>) attributes {dimension_semantics = [#tpu.dimension_semantics<arbitrary>], iteration_bounds = array<i64: 10>, scalar_prefetch = 0 : i64, scratch_operands = 0 : i64, tpu.core_type = #tpu.core_type<tc>, window_params = [{transform_indices = @transform_0, window_bounds = array<i64: 4000, 128>}, {pipeline_mode = #tpu.pipeline_mode<synchronous>, transform_indices = @transform_1, window_bounds = array<i64: 128, 320>}, {pipeline_mode = #tpu.pipeline_mode<synchronous>, transform_indices = @transform_2, window_bounds = array<i64: 320, 64>}, {transform_indices = @transform_3, window_bounds = array<i64: 4000, 64>}]} {
    %get3A = arith.constant 0 : index
    %get3A_0 = arith.constant 0 : index
    %get3A_1 = vector.load %arg1[%get3A, %get3A_0] : memref<4000x128xf32, #tpu.memory_space<vmem>>, vector<4000x128xf32>
    %get3A_2 = arith.constant 0 : index
    %get3A_3 = arith.constant 0 : index
    %get3A_4 = vector.load %arg2[%get3A_2, %get3A_3] : memref<128x320xf32, #tpu.memory_space<vmem>>, vector<128x320xf32>
    %dot_general3A = arith.constant dense<0.000000e+00> : vector<4000x320xf32>
    %dot_general3A_5 = tpu.matmul %get3A_1, %get3A_4, %dot_general3A {dimension_numbers = #tpu.dot_dimension_numbers<[1], [0], [0], [1], [0, 0, 1, 1], [], []>, transpose_lhs_hint = false} : vector<4000x128xf32>, vector<128x320xf32>, vector<4000x320xf32> -> vector<4000x320xf32>
    %max3A = arith.constant 0.000000e+00 : f32
    %max3A_6 = vector.broadcast %max3A : f32 to vector<4000x320xf32>
    %max3A_7 = arith.maximumf %dot_general3A_5, %max3A_6 : vector<4000x320xf32>
    %get3A_8 = arith.constant 0 : index
    %get3A_9 = arith.constant 0 : index
    %get3A_10 = vector.load %arg3[%get3A_8, %get3A_9] : memref<320x64xf32, #tpu.memory_space<vmem>>, vector<320x64xf32>
    %dot_general3A_11 = arith.constant dense<0.000000e+00> : vector<4000x64xf32>
    %dot_general3A_12 = tpu.matmul %max3A_7, %get3A_10, %dot_general3A_11 {dimension_numbers = #tpu.dot_dimension_numbers<[1], [0], [0], [1], [0, 0, 1, 1], [], []>, transpose_lhs_hint = false} : vector<4000x320xf32>, vector<320x64xf32>, vector<4000x64xf32> -> vector<4000x64xf32>
    %max3A_13 = arith.constant 0.000000e+00 : f32
    %max3A_14 = vector.broadcast %max3A_13 : f32 to vector<4000x64xf32>
    %max3A_15 = arith.maximumf %dot_general3A_12, %max3A_14 : vector<4000x64xf32>
    %swap3A = arith.constant 0 : index
    %swap3A_16 = arith.constant 0 : index
    %swap3A_17 = vector.load %arg4[%swap3A, %swap3A_16] : memref<4000x64xf32, #tpu.memory_space<vmem>>, vector<4000x64xf32>
    tpu.vector_store %arg4[%swap3A, %swap3A_16], %max3A_15 {strides = array<i32>} : memref<4000x64xf32, #tpu.memory_space<vmem>>, vector<4000x64xf32>,
    return
  }
  func.func @transform_0(%arg0: i32) -> (i32, i32) {
    %c0_i32 = arith.constant 0 : i32
    %c0_i32_0 = arith.constant 0 : i32
    return %arg0, %c0_i32 : i32, i32
  }
  func.func @transform_1(%arg0: i32) -> (i32, i32) {
    %c0_i32 = arith.constant 0 : i32
    %c0_i32_0 = arith.constant 0 : i32
    %c0_i32_1 = arith.constant 0 : i32
    return %c0_i32, %c0_i32_0 : i32, i32
  }
  func.func @transform_2(%arg0: i32) -> (i32, i32) {
    %c0_i32 = arith.constant 0 : i32
    %c0_i32_0 = arith.constant 0 : i32
    %c0_i32_1 = arith.constant 0 : i32
    return %c0_i32, %c0_i32_0 : i32, i32
  }
  func.func @transform_3(%arg0: i32) -> (i32, i32) {
    %c0_i32 = arith.constant 0 : i32
    %c0_i32_0 = arith.constant 0 : i32
    return %arg0, %c0_i32 : i32, i32
  }
}

module attributes {stable_mosaic.version = 14 : i64} {
  func.func @_rel_body(%arg0: i32, %arg1: memref<2000x128xf32, #tpu.memory_space<vmem>>, %arg2: memref<2000x128xf32, #tpu.memory_space<vmem>>, %arg3: memref<2000x128xf32, #tpu.memory_space<vmem>>, %arg4: memref<384x640xf32, #tpu.memory_space<vmem>>, %arg5: memref<1x640xf32, #tpu.memory_space<vmem>>, %arg6: memref<640x640xf32, #tpu.memory_space<vmem>>, %arg7: memref<1x640xf32, #tpu.memory_space<vmem>>, %arg8: memref<640x128xf32, #tpu.memory_space<vmem>>, %arg9: memref<1x128xf32, #tpu.memory_space<vmem>>, %arg10: memref<2000x128xf32, #tpu.memory_space<vmem>>, %arg11: memref<2000x128xf32, #tpu.memory_space<vmem>>) attributes {dimension_semantics = [#tpu.dimension_semantics<arbitrary>], iteration_bounds = array<i64: 10>, scalar_prefetch = 0 : i64, scratch_operands = 0 : i64, tpu.core_type = #tpu.core_type<tc>, window_params = [{transform_indices = @transform_0, window_bounds = array<i64: 2000, 128>}, {transform_indices = @transform_1, window_bounds = array<i64: 2000, 128>}, {transform_indices = @transform_2, window_bounds = array<i64: 2000, 128>}, {pipeline_mode = #tpu.pipeline_mode<synchronous>, transform_indices = @transform_3, window_bounds = array<i64: 384, 640>}, {pipeline_mode = #tpu.pipeline_mode<synchronous>, transform_indices = @transform_4, window_bounds = array<i64: 1, 640>}, {pipeline_mode = #tpu.pipeline_mode<synchronous>, transform_indices = @transform_5, window_bounds = array<i64: 640, 640>}, {pipeline_mode = #tpu.pipeline_mode<synchronous>, transform_indices = @transform_6, window_bounds = array<i64: 1, 640>}, {pipeline_mode = #tpu.pipeline_mode<synchronous>, transform_indices = @transform_7, window_bounds = array<i64: 640, 128>}, {pipeline_mode = #tpu.pipeline_mode<synchronous>, transform_indices = @transform_8, window_bounds = array<i64: 1, 128>}, {transform_indices = @transform_9, window_bounds = array<i64: 2000, 128>}, {transform_indices = @transform_10, window_bounds = array<i64: 2000, 128>}]} {
    %get3A = arith.constant 0 : index
    %get3A_0 = arith.constant 0 : index
    %get3A_1 = vector.load %arg1[%get3A, %get3A_0] : memref<2000x128xf32, #tpu.memory_space<vmem>>, vector<2000x128xf32>
    %get3A_2 = arith.constant 0 : index
    %get3A_3 = arith.constant 0 : index
    %get3A_4 = vector.load %arg4[%get3A_2, %get3A_3] : memref<384x640xf32, #tpu.memory_space<vmem>>, vector<128x640xf32>
    %dot_general3A = arith.constant dense<0.000000e+00> : vector<2000x640xf32>
    %dot_general3A_5 = tpu.matmul %get3A_1, %get3A_4, %dot_general3A {dimension_numbers = #tpu.dot_dimension_numbers<[1], [0], [0], [1], [0, 0, 1, 1], [], []>, transpose_lhs_hint = false} : vector<2000x128xf32>, vector<128x640xf32>, vector<2000x640xf32> -> vector<2000x640xf32>
    %get3A_6 = arith.constant 0 : index
    %get3A_7 = arith.constant 0 : index
    %get3A_8 = vector.load %arg2[%get3A_6, %get3A_7] : memref<2000x128xf32, #tpu.memory_space<vmem>>, vector<2000x128xf32>
    %get3A_9 = arith.constant 128 : index
    %get3A_10 = arith.constant 0 : index
    %get3A_11 = vector.load %arg4[%get3A_9, %get3A_10] : memref<384x640xf32, #tpu.memory_space<vmem>>, vector<128x640xf32>
    %dot_general3A_12 = arith.constant dense<0.000000e+00> : vector<2000x640xf32>
    %dot_general3A_13 = tpu.matmul %get3A_8, %get3A_11, %dot_general3A_12 {dimension_numbers = #tpu.dot_dimension_numbers<[1], [0], [0], [1], [0, 0, 1, 1], [], []>, transpose_lhs_hint = false} : vector<2000x128xf32>, vector<128x640xf32>, vector<2000x640xf32> -> vector<2000x640xf32>
    %add3A = arith.addf %dot_general3A_5, %dot_general3A_13 : vector<2000x640xf32>
    %get3A_14 = arith.constant 0 : index
    %get3A_15 = arith.constant 0 : index
    %get3A_16 = vector.load %arg3[%get3A_14, %get3A_15] : memref<2000x128xf32, #tpu.memory_space<vmem>>, vector<2000x128xf32>
    %get3A_17 = arith.constant 256 : index
    %get3A_18 = arith.constant 0 : index
    %get3A_19 = vector.load %arg4[%get3A_17, %get3A_18] : memref<384x640xf32, #tpu.memory_space<vmem>>, vector<128x640xf32>
    %dot_general3A_20 = arith.constant dense<0.000000e+00> : vector<2000x640xf32>
    %dot_general3A_21 = tpu.matmul %get3A_16, %get3A_19, %dot_general3A_20 {dimension_numbers = #tpu.dot_dimension_numbers<[1], [0], [0], [1], [0, 0, 1, 1], [], []>, transpose_lhs_hint = false} : vector<2000x128xf32>, vector<128x640xf32>, vector<2000x640xf32> -> vector<2000x640xf32>
    %add3A_22 = arith.addf %add3A, %dot_general3A_21 : vector<2000x640xf32>
    %get3A_23 = arith.constant 0 : index
    %get3A_24 = arith.constant 0 : index
    %get3A_25 = vector.load %arg5[%get3A_23, %get3A_24] : memref<1x640xf32, #tpu.memory_space<vmem>>, vector<1x640xf32>
    %add3A_26 = vector.broadcast %get3A_25 : vector<1x640xf32> to vector<2000x640xf32>
    %add3A_27 = arith.addf %add3A_22, %add3A_26 : vector<2000x640xf32>
    %max3A = arith.constant 0.000000e+00 : f32
    %max3A_28 = vector.broadcast %max3A : f32 to vector<2000x640xf32>
    %max3A_29 = arith.maximumf %add3A_27, %max3A_28 : vector<2000x640xf32>
    %get3A_30 = arith.constant 0 : index
    %get3A_31 = arith.constant 0 : index
    %get3A_32 = vector.load %arg6[%get3A_30, %get3A_31] : memref<640x640xf32, #tpu.memory_space<vmem>>, vector<640x640xf32>
    %dot_general3A_33 = arith.constant dense<0.000000e+00> : vector<2000x640xf32>
    %dot_general3A_34 = tpu.matmul %max3A_29, %get3A_32, %dot_general3A_33 {dimension_numbers = #tpu.dot_dimension_numbers<[1], [0], [0], [1], [0, 0, 1, 1], [], []>, transpose_lhs_hint = false} : vector<2000x640xf32>, vector<640x640xf32>, vector<2000x640xf32> -> vector<2000x640xf32>
    %get3A_35 = arith.constant 0 : index
    %get3A_36 = arith.constant 0 : index
    %get3A_37 = vector.load %arg7[%get3A_35, %get3A_36] : memref<1x640xf32, #tpu.memory_space<vmem>>, vector<1x640xf32>
    %add3A_38 = vector.broadcast %get3A_37 : vector<1x640xf32> to vector<2000x640xf32>
    %add3A_39 = arith.addf %dot_general3A_34, %add3A_38 : vector<2000x640xf32>
    %max3A_40 = arith.constant 0.000000e+00 : f32
    %max3A_41 = vector.broadcast %max3A_40 : f32 to vector<2000x640xf32>
    %max3A_42 = arith.maximumf %add3A_39, %max3A_41 : vector<2000x640xf32>
    %get3A_43 = arith.constant 0 : index
    %get3A_44 = arith.constant 0 : index
    %get3A_45 = vector.load %arg8[%get3A_43, %get3A_44] : memref<640x128xf32, #tpu.memory_space<vmem>>, vector<640x128xf32>
    %dot_general3A_46 = arith.constant dense<0.000000e+00> : vector<2000x128xf32>
    %dot_general3A_47 = tpu.matmul %max3A_42, %get3A_45, %dot_general3A_46 {dimension_numbers = #tpu.dot_dimension_numbers<[1], [0], [0], [1], [0, 0, 1, 1], [], []>, transpose_lhs_hint = false} : vector<2000x640xf32>, vector<640x128xf32>, vector<2000x128xf32> -> vector<2000x128xf32>
    %get3A_48 = arith.constant 0 : index
    %get3A_49 = arith.constant 0 : index
    %get3A_50 = vector.load %arg9[%get3A_48, %get3A_49] : memref<1x128xf32, #tpu.memory_space<vmem>>, vector<1x128xf32>
    %add3A_51 = vector.broadcast %get3A_50 : vector<1x128xf32> to vector<2000x128xf32>
    %add3A_52 = arith.addf %dot_general3A_47, %add3A_51 : vector<2000x128xf32>
    %swap3A = arith.constant 0 : index
    %swap3A_53 = arith.constant 0 : index
    %swap3A_54 = vector.load %arg10[%swap3A, %swap3A_53] : memref<2000x128xf32, #tpu.memory_space<vmem>>, vector<2000x128xf32>
    tpu.vector_store %arg10[%swap3A, %swap3A_53], %add3A_52 {strides = array<i32>} : memref<2000x128xf32, #tpu.memory_space<vmem>>, vector<2000x128xf32>,
    %get3A_55 = arith.constant 0 : index
    %get3A_56 = arith.constant 0 : index
    %get3A_57 = vector.load %arg3[%get3A_55, %get3A_56] : memref<2000x128xf32, #tpu.memory_space<vmem>>, vector<2000x128xf32>
    %mul3A = arith.constant 5.000000e-01 : f32
    %mul3A_58 = vector.broadcast %mul3A : f32 to vector<2000x128xf32>
    %mul3A_59 = arith.mulf %mul3A_58, %get3A_57 : vector<2000x128xf32>
    %mul3A_60 = arith.constant 5.000000e-01 : f32
    %mul3A_61 = vector.broadcast %mul3A_60 : f32 to vector<2000x128xf32>
    %mul3A_62 = arith.mulf %mul3A_61, %add3A_52 : vector<2000x128xf32>
    %add3A_63 = arith.addf %mul3A_59, %mul3A_62 : vector<2000x128xf32>
    %swap3A_64 = arith.constant 0 : index
    %swap3A_65 = arith.constant 0 : index
    %swap3A_66 = vector.load %arg11[%swap3A_64, %swap3A_65] : memref<2000x128xf32, #tpu.memory_space<vmem>>, vector<2000x128xf32>
    tpu.vector_store %arg11[%swap3A_64, %swap3A_65], %add3A_63 {strides = array<i32>} : memref<2000x128xf32, #tpu.memory_space<vmem>>, vector<2000x128xf32>,
    return
  }
  func.func @transform_0(%arg0: i32) -> (i32, i32) {
    %c0_i32 = arith.constant 0 : i32
    %c0_i32_0 = arith.constant 0 : i32
    return %arg0, %c0_i32 : i32, i32
  }
  func.func @transform_1(%arg0: i32) -> (i32, i32) {
    %c0_i32 = arith.constant 0 : i32
    %c0_i32_0 = arith.constant 0 : i32
    return %arg0, %c0_i32 : i32, i32
  }
  func.func @transform_2(%arg0: i32) -> (i32, i32) {
    %c0_i32 = arith.constant 0 : i32
    %c0_i32_0 = arith.constant 0 : i32
    return %arg0, %c0_i32 : i32, i32
  }
  func.func @transform_3(%arg0: i32) -> (i32, i32) {
    %c0_i32 = arith.constant 0 : i32
    %c0_i32_0 = arith.constant 0 : i32
    %c0_i32_1 = arith.constant 0 : i32
    return %c0_i32, %c0_i32_0 : i32, i32
  }
  func.func @transform_4(%arg0: i32) -> (i32, i32) {
    %c0_i32 = arith.constant 0 : i32
    %c0_i32_0 = arith.constant 0 : i32
    %c0_i32_1 = arith.constant 0 : i32
    return %c0_i32, %c0_i32_0 : i32, i32
  }
  func.func @transform_5(%arg0: i32) -> (i32, i32) {
    %c0_i32 = arith.constant 0 : i32
    %c0_i32_0 = arith.constant 0 : i32
    %c0_i32_1 = arith.constant 0 : i32
    return %c0_i32, %c0_i32_0 : i32, i32
  }
  func.func @transform_6(%arg0: i32) -> (i32, i32) {
    %c0_i32 = arith.constant 0 : i32
    %c0_i32_0 = arith.constant 0 : i32
    %c0_i32_1 = arith.constant 0 : i32
    return %c0_i32, %c0_i32_0 : i32, i32
  }
  func.func @transform_7(%arg0: i32) -> (i32, i32) {
    %c0_i32 = arith.constant 0 : i32
    %c0_i32_0 = arith.constant 0 : i32
    %c0_i32_1 = arith.constant 0 : i32
    return %c0_i32, %c0_i32_0 : i32, i32
  }
  func.func @transform_8(%arg0: i32) -> (i32, i32) {
    %c0_i32 = arith.constant 0 : i32
    %c0_i32_0 = arith.constant 0 : i32
    %c0_i32_1 = arith.constant 0 : i32
    return %c0_i32, %c0_i32_0 : i32, i32
  }
  func.func @transform_9(%arg0: i32) -> (i32, i32) {
    %c0_i32 = arith.constant 0 : i32
    %c0_i32_0 = arith.constant 0 : i32
    return %arg0, %c0_i32 : i32, i32
  }
  func.func @transform_10(%arg0: i32) -> (i32, i32) {
    %c0_i32 = arith.constant 0 : i32
    %c0_i32_0 = arith.constant 0 : i32
    return %arg0, %c0_i32 : i32, i32
  }
}

module attributes {stable_mosaic.version = 14 : i64} {
  func.func @_obj_body(%arg0: i32, %arg1: memref<625x128xf32, #tpu.memory_space<vmem>>, %arg2: memref<625x128xf32, #tpu.memory_space<vmem>>, %arg3: memref<625x128xf32, #tpu.memory_space<vmem>>, %arg4: memref<256x640xf32, #tpu.memory_space<vmem>>, %arg5: memref<1x640xf32, #tpu.memory_space<vmem>>, %arg6: memref<640x640xf32, #tpu.memory_space<vmem>>, %arg7: memref<1x640xf32, #tpu.memory_space<vmem>>, %arg8: memref<640x128xf32, #tpu.memory_space<vmem>>, %arg9: memref<1x128xf32, #tpu.memory_space<vmem>>, %arg10: memref<625x128xf32, #tpu.memory_space<vmem>>) attributes {dimension_semantics = [#tpu.dimension_semantics<arbitrary>], iteration_bounds = array<i64: 1>, scalar_prefetch = 0 : i64, scratch_operands = 0 : i64, tpu.core_type = #tpu.core_type<tc>, window_params = [{transform_indices = @transform_0, window_bounds = array<i64: 625, 128>}, {transform_indices = @transform_1, window_bounds = array<i64: 625, 128>}, {transform_indices = @transform_2, window_bounds = array<i64: 625, 128>}, {pipeline_mode = #tpu.pipeline_mode<synchronous>, transform_indices = @transform_3, window_bounds = array<i64: 256, 640>}, {pipeline_mode = #tpu.pipeline_mode<synchronous>, transform_indices = @transform_4, window_bounds = array<i64: 1, 640>}, {pipeline_mode = #tpu.pipeline_mode<synchronous>, transform_indices = @transform_5, window_bounds = array<i64: 640, 640>}, {pipeline_mode = #tpu.pipeline_mode<synchronous>, transform_indices = @transform_6, window_bounds = array<i64: 1, 640>}, {pipeline_mode = #tpu.pipeline_mode<synchronous>, transform_indices = @transform_7, window_bounds = array<i64: 640, 128>}, {pipeline_mode = #tpu.pipeline_mode<synchronous>, transform_indices = @transform_8, window_bounds = array<i64: 1, 128>}, {transform_indices = @transform_9, window_bounds = array<i64: 625, 128>}]} {
    %get3A = arith.constant 0 : index
    %get3A_0 = arith.constant 0 : index
    %get3A_1 = vector.load %arg2[%get3A, %get3A_0] : memref<625x128xf32, #tpu.memory_space<vmem>>, vector<625x128xf32>
    %get3A_2 = arith.constant 0 : index
    %get3A_3 = arith.constant 0 : index
    %get3A_4 = vector.load %arg3[%get3A_2, %get3A_3] : memref<625x128xf32, #tpu.memory_space<vmem>>, vector<625x128xf32>
    %add3A = arith.addf %get3A_1, %get3A_4 : vector<625x128xf32>
    %get3A_5 = arith.constant 0 : index
    %get3A_6 = arith.constant 0 : index
    %get3A_7 = vector.load %arg1[%get3A_5, %get3A_6] : memref<625x128xf32, #tpu.memory_space<vmem>>, vector<625x128xf32>
    %get3A_8 = arith.constant 0 : index
    %get3A_9 = arith.constant 0 : index
    %get3A_10 = vector.load %arg4[%get3A_8, %get3A_9] : memref<256x640xf32, #tpu.memory_space<vmem>>, vector<128x640xf32>
    %dot_general3A = arith.constant dense<0.000000e+00> : vector<625x640xf32>
    %dot_general3A_11 = tpu.matmul %get3A_7, %get3A_10, %dot_general3A {dimension_numbers = #tpu.dot_dimension_numbers<[1], [0], [0], [1], [0, 0, 1, 1], [], []>, transpose_lhs_hint = false} : vector<625x128xf32>, vector<128x640xf32>, vector<625x640xf32> -> vector<625x640xf32>
    %get3A_12 = arith.constant 128 : index
    %get3A_13 = arith.constant 0 : index
    %get3A_14 = vector.load %arg4[%get3A_12, %get3A_13] : memref<256x640xf32, #tpu.memory_space<vmem>>, vector<128x640xf32>
    %dot_general3A_15 = arith.constant dense<0.000000e+00> : vector<625x640xf32>
    %dot_general3A_16 = tpu.matmul %add3A, %get3A_14, %dot_general3A_15 {dimension_numbers = #tpu.dot_dimension_numbers<[1], [0], [0], [1], [0, 0, 1, 1], [], []>, transpose_lhs_hint = false} : vector<625x128xf32>, vector<128x640xf32>, vector<625x640xf32> -> vector<625x640xf32>
    %add3A_17 = arith.addf %dot_general3A_11, %dot_general3A_16 : vector<625x640xf32>
    %get3A_18 = arith.constant 0 : index
    %get3A_19 = arith.constant 0 : index
    %get3A_20 = vector.load %arg5[%get3A_18, %get3A_19] : memref<1x640xf32, #tpu.memory_space<vmem>>, vector<1x640xf32>
    %add3A_21 = vector.broadcast %get3A_20 : vector<1x640xf32> to vector<625x640xf32>
    %add3A_22 = arith.addf %add3A_17, %add3A_21 : vector<625x640xf32>
    %max3A = arith.constant 0.000000e+00 : f32
    %max3A_23 = vector.broadcast %max3A : f32 to vector<625x640xf32>
    %max3A_24 = arith.maximumf %add3A_22, %max3A_23 : vector<625x640xf32>
    %get3A_25 = arith.constant 0 : index
    %get3A_26 = arith.constant 0 : index
    %get3A_27 = vector.load %arg6[%get3A_25, %get3A_26] : memref<640x640xf32, #tpu.memory_space<vmem>>, vector<640x640xf32>
    %dot_general3A_28 = arith.constant dense<0.000000e+00> : vector<625x640xf32>
    %dot_general3A_29 = tpu.matmul %max3A_24, %get3A_27, %dot_general3A_28 {dimension_numbers = #tpu.dot_dimension_numbers<[1], [0], [0], [1], [0, 0, 1, 1], [], []>, transpose_lhs_hint = false} : vector<625x640xf32>, vector<640x640xf32>, vector<625x640xf32> -> vector<625x640xf32>
    %get3A_30 = arith.constant 0 : index
    %get3A_31 = arith.constant 0 : index
    %get3A_32 = vector.load %arg7[%get3A_30, %get3A_31] : memref<1x640xf32, #tpu.memory_space<vmem>>, vector<1x640xf32>
    %add3A_33 = vector.broadcast %get3A_32 : vector<1x640xf32> to vector<625x640xf32>
    %add3A_34 = arith.addf %dot_general3A_29, %add3A_33 : vector<625x640xf32>
    %max3A_35 = arith.constant 0.000000e+00 : f32
    %max3A_36 = vector.broadcast %max3A_35 : f32 to vector<625x640xf32>
    %max3A_37 = arith.maximumf %add3A_34, %max3A_36 : vector<625x640xf32>
    %get3A_38 = arith.constant 0 : index
    %get3A_39 = arith.constant 0 : index
    %get3A_40 = vector.load %arg8[%get3A_38, %get3A_39] : memref<640x128xf32, #tpu.memory_space<vmem>>, vector<640x128xf32>
    %dot_general3A_41 = arith.constant dense<0.000000e+00> : vector<625x128xf32>
    %dot_general3A_42 = tpu.matmul %max3A_37, %get3A_40, %dot_general3A_41 {dimension_numbers = #tpu.dot_dimension_numbers<[1], [0], [0], [1], [0, 0, 1, 1], [], []>, transpose_lhs_hint = false} : vector<625x640xf32>, vector<640x128xf32>, vector<625x128xf32> -> vector<625x128xf32>
    %get3A_43 = arith.constant 0 : index
    %get3A_44 = arith.constant 0 : index
    %get3A_45 = vector.load %arg9[%get3A_43, %get3A_44] : memref<1x128xf32, #tpu.memory_space<vmem>>, vector<1x128xf32>
    %add3A_46 = vector.broadcast %get3A_45 : vector<1x128xf32> to vector<625x128xf32>
    %add3A_47 = arith.addf %dot_general3A_42, %add3A_46 : vector<625x128xf32>
    %get3A_48 = arith.constant 0 : index
    %get3A_49 = arith.constant 0 : index
    %get3A_50 = vector.load %arg1[%get3A_48, %get3A_49] : memref<625x128xf32, #tpu.memory_space<vmem>>, vector<625x128xf32>
    %mul3A = arith.constant 5.000000e-01 : f32
    %mul3A_51 = vector.broadcast %mul3A : f32 to vector<625x128xf32>
    %mul3A_52 = arith.mulf %mul3A_51, %get3A_50 : vector<625x128xf32>
    %mul3A_53 = arith.constant 5.000000e-01 : f32
    %mul3A_54 = vector.broadcast %mul3A_53 : f32 to vector<625x128xf32>
    %mul3A_55 = arith.mulf %mul3A_54, %add3A_47 : vector<625x128xf32>
    %add3A_56 = arith.addf %mul3A_52, %mul3A_55 : vector<625x128xf32>
    %swap3A = arith.constant 0 : index
    %swap3A_57 = arith.constant 0 : index
    %swap3A_58 = vector.load %arg10[%swap3A, %swap3A_57] : memref<625x128xf32, #tpu.memory_space<vmem>>, vector<625x128xf32>
    tpu.vector_store %arg10[%swap3A, %swap3A_57], %add3A_56 {strides = array<i32>} : memref<625x128xf32, #tpu.memory_space<vmem>>, vector<625x128xf32>,
    return
  }
  func.func @transform_0(%arg0: i32) -> (i32, i32) {
    %c0_i32 = arith.constant 0 : i32
    %c0_i32_0 = arith.constant 0 : i32
    return %arg0, %c0_i32 : i32, i32
  }
  func.func @transform_1(%arg0: i32) -> (i32, i32) {
    %c0_i32 = arith.constant 0 : i32
    %c0_i32_0 = arith.constant 0 : i32
    return %arg0, %c0_i32 : i32, i32
  }
  func.func @transform_2(%arg0: i32) -> (i32, i32) {
    %c0_i32 = arith.constant 0 : i32
    %c0_i32_0 = arith.constant 0 : i32
    return %arg0, %c0_i32 : i32, i32
  }
  func.func @transform_3(%arg0: i32) -> (i32, i32) {
    %c0_i32 = arith.constant 0 : i32
    %c0_i32_0 = arith.constant 0 : i32
    %c0_i32_1 = arith.constant 0 : i32
    return %c0_i32, %c0_i32_0 : i32, i32
  }
  func.func @transform_4(%arg0: i32) -> (i32, i32) {
    %c0_i32 = arith.constant 0 : i32
    %c0_i32_0 = arith.constant 0 : i32
    %c0_i32_1 = arith.constant 0 : i32
    return %c0_i32, %c0_i32_0 : i32, i32
  }
  func.func @transform_5(%arg0: i32) -> (i32, i32) {
    %c0_i32 = arith.constant 0 : i32
    %c0_i32_0 = arith.constant 0 : i32
    %c0_i32_1 = arith.constant 0 : i32
    return %c0_i32, %c0_i32_0 : i32, i32
  }
  func.func @transform_6(%arg0: i32) -> (i32, i32) {
    %c0_i32 = arith.constant 0 : i32
    %c0_i32_0 = arith.constant 0 : i32
    %c0_i32_1 = arith.constant 0 : i32
    return %c0_i32, %c0_i32_0 : i32, i32
  }
  func.func @transform_7(%arg0: i32) -> (i32, i32) {
    %c0_i32 = arith.constant 0 : i32
    %c0_i32_0 = arith.constant 0 : i32
    %c0_i32_1 = arith.constant 0 : i32
    return %c0_i32, %c0_i32_0 : i32, i32
  }
  func.func @transform_8(%arg0: i32) -> (i32, i32) {
    %c0_i32 = arith.constant 0 : i32
    %c0_i32_0 = arith.constant 0 : i32
    %c0_i32_1 = arith.constant 0 : i32
    return %c0_i32, %c0_i32_0 : i32, i32
  }
  func.func @transform_9(%arg0: i32) -> (i32, i32) {
    %c0_i32 = arith.constant 0 : i32
    %c0_i32_0 = arith.constant 0 : i32
    return %arg0, %c0_i32 : i32, i32
  }
}

module attributes {stable_mosaic.version = 14 : i64} {
  func.func @_rel_body(%arg0: i32, %arg1: memref<2000x128xf32, #tpu.memory_space<vmem>>, %arg2: memref<2000x128xf32, #tpu.memory_space<vmem>>, %arg3: memref<2000x128xf32, #tpu.memory_space<vmem>>, %arg4: memref<384x640xf32, #tpu.memory_space<vmem>>, %arg5: memref<1x640xf32, #tpu.memory_space<vmem>>, %arg6: memref<640x640xf32, #tpu.memory_space<vmem>>, %arg7: memref<1x640xf32, #tpu.memory_space<vmem>>, %arg8: memref<640x128xf32, #tpu.memory_space<vmem>>, %arg9: memref<1x128xf32, #tpu.memory_space<vmem>>, %arg10: memref<2000x128xf32, #tpu.memory_space<vmem>>, %arg11: memref<2000x128xf32, #tpu.memory_space<vmem>>) attributes {dimension_semantics = [#tpu.dimension_semantics<arbitrary>], iteration_bounds = array<i64: 10>, scalar_prefetch = 0 : i64, scratch_operands = 0 : i64, tpu.core_type = #tpu.core_type<tc>, window_params = [{transform_indices = @transform_0, window_bounds = array<i64: 2000, 128>}, {transform_indices = @transform_1, window_bounds = array<i64: 2000, 128>}, {transform_indices = @transform_2, window_bounds = array<i64: 2000, 128>}, {pipeline_mode = #tpu.pipeline_mode<synchronous>, transform_indices = @transform_3, window_bounds = array<i64: 384, 640>}, {pipeline_mode = #tpu.pipeline_mode<synchronous>, transform_indices = @transform_4, window_bounds = array<i64: 1, 640>}, {pipeline_mode = #tpu.pipeline_mode<synchronous>, transform_indices = @transform_5, window_bounds = array<i64: 640, 640>}, {pipeline_mode = #tpu.pipeline_mode<synchronous>, transform_indices = @transform_6, window_bounds = array<i64: 1, 640>}, {pipeline_mode = #tpu.pipeline_mode<synchronous>, transform_indices = @transform_7, window_bounds = array<i64: 640, 128>}, {pipeline_mode = #tpu.pipeline_mode<synchronous>, transform_indices = @transform_8, window_bounds = array<i64: 1, 128>}, {transform_indices = @transform_9, window_bounds = array<i64: 2000, 128>}, {transform_indices = @transform_10, window_bounds = array<i64: 2000, 128>}]} {
    %get3A = arith.constant 0 : index
    %get3A_0 = arith.constant 0 : index
    %get3A_1 = vector.load %arg1[%get3A, %get3A_0] : memref<2000x128xf32, #tpu.memory_space<vmem>>, vector<2000x128xf32>
    %get3A_2 = arith.constant 0 : index
    %get3A_3 = arith.constant 0 : index
    %get3A_4 = vector.load %arg4[%get3A_2, %get3A_3] : memref<384x640xf32, #tpu.memory_space<vmem>>, vector<128x640xf32>
    %dot_general3A = arith.constant dense<0.000000e+00> : vector<2000x640xf32>
    %dot_general3A_5 = tpu.matmul %get3A_1, %get3A_4, %dot_general3A {dimension_numbers = #tpu.dot_dimension_numbers<[1], [0], [0], [1], [0, 0, 1, 1], [], []>, transpose_lhs_hint = false} : vector<2000x128xf32>, vector<128x640xf32>, vector<2000x640xf32> -> vector<2000x640xf32>
    %get3A_6 = arith.constant 0 : index
    %get3A_7 = arith.constant 0 : index
    %get3A_8 = vector.load %arg2[%get3A_6, %get3A_7] : memref<2000x128xf32, #tpu.memory_space<vmem>>, vector<2000x128xf32>
    %get3A_9 = arith.constant 128 : index
    %get3A_10 = arith.constant 0 : index
    %get3A_11 = vector.load %arg4[%get3A_9, %get3A_10] : memref<384x640xf32, #tpu.memory_space<vmem>>, vector<128x640xf32>
    %dot_general3A_12 = arith.constant dense<0.000000e+00> : vector<2000x640xf32>
    %dot_general3A_13 = tpu.matmul %get3A_8, %get3A_11, %dot_general3A_12 {dimension_numbers = #tpu.dot_dimension_numbers<[1], [0], [0], [1], [0, 0, 1, 1], [], []>, transpose_lhs_hint = false} : vector<2000x128xf32>, vector<128x640xf32>, vector<2000x640xf32> -> vector<2000x640xf32>
    %add3A = arith.addf %dot_general3A_5, %dot_general3A_13 : vector<2000x640xf32>
    %get3A_14 = arith.constant 0 : index
    %get3A_15 = arith.constant 0 : index
    %get3A_16 = vector.load %arg3[%get3A_14, %get3A_15] : memref<2000x128xf32, #tpu.memory_space<vmem>>, vector<2000x128xf32>
    %get3A_17 = arith.constant 256 : index
    %get3A_18 = arith.constant 0 : index
    %get3A_19 = vector.load %arg4[%get3A_17, %get3A_18] : memref<384x640xf32, #tpu.memory_space<vmem>>, vector<128x640xf32>
    %dot_general3A_20 = arith.constant dense<0.000000e+00> : vector<2000x640xf32>
    %dot_general3A_21 = tpu.matmul %get3A_16, %get3A_19, %dot_general3A_20 {dimension_numbers = #tpu.dot_dimension_numbers<[1], [0], [0], [1], [0, 0, 1, 1], [], []>, transpose_lhs_hint = false} : vector<2000x128xf32>, vector<128x640xf32>, vector<2000x640xf32> -> vector<2000x640xf32>
    %add3A_22 = arith.addf %add3A, %dot_general3A_21 : vector<2000x640xf32>
    %get3A_23 = arith.constant 0 : index
    %get3A_24 = arith.constant 0 : index
    %get3A_25 = vector.load %arg5[%get3A_23, %get3A_24] : memref<1x640xf32, #tpu.memory_space<vmem>>, vector<1x640xf32>
    %add3A_26 = vector.broadcast %get3A_25 : vector<1x640xf32> to vector<2000x640xf32>
    %add3A_27 = arith.addf %add3A_22, %add3A_26 : vector<2000x640xf32>
    %max3A = arith.constant 0.000000e+00 : f32
    %max3A_28 = vector.broadcast %max3A : f32 to vector<2000x640xf32>
    %max3A_29 = arith.maximumf %add3A_27, %max3A_28 : vector<2000x640xf32>
    %get3A_30 = arith.constant 0 : index
    %get3A_31 = arith.constant 0 : index
    %get3A_32 = vector.load %arg6[%get3A_30, %get3A_31] : memref<640x640xf32, #tpu.memory_space<vmem>>, vector<640x640xf32>
    %dot_general3A_33 = arith.constant dense<0.000000e+00> : vector<2000x640xf32>
    %dot_general3A_34 = tpu.matmul %max3A_29, %get3A_32, %dot_general3A_33 {dimension_numbers = #tpu.dot_dimension_numbers<[1], [0], [0], [1], [0, 0, 1, 1], [], []>, transpose_lhs_hint = false} : vector<2000x640xf32>, vector<640x640xf32>, vector<2000x640xf32> -> vector<2000x640xf32>
    %get3A_35 = arith.constant 0 : index
    %get3A_36 = arith.constant 0 : index
    %get3A_37 = vector.load %arg7[%get3A_35, %get3A_36] : memref<1x640xf32, #tpu.memory_space<vmem>>, vector<1x640xf32>
    %add3A_38 = vector.broadcast %get3A_37 : vector<1x640xf32> to vector<2000x640xf32>
    %add3A_39 = arith.addf %dot_general3A_34, %add3A_38 : vector<2000x640xf32>
    %max3A_40 = arith.constant 0.000000e+00 : f32
    %max3A_41 = vector.broadcast %max3A_40 : f32 to vector<2000x640xf32>
    %max3A_42 = arith.maximumf %add3A_39, %max3A_41 : vector<2000x640xf32>
    %get3A_43 = arith.constant 0 : index
    %get3A_44 = arith.constant 0 : index
    %get3A_45 = vector.load %arg8[%get3A_43, %get3A_44] : memref<640x128xf32, #tpu.memory_space<vmem>>, vector<640x128xf32>
    %dot_general3A_46 = arith.constant dense<0.000000e+00> : vector<2000x128xf32>
    %dot_general3A_47 = tpu.matmul %max3A_42, %get3A_45, %dot_general3A_46 {dimension_numbers = #tpu.dot_dimension_numbers<[1], [0], [0], [1], [0, 0, 1, 1], [], []>, transpose_lhs_hint = false} : vector<2000x640xf32>, vector<640x128xf32>, vector<2000x128xf32> -> vector<2000x128xf32>
    %get3A_48 = arith.constant 0 : index
    %get3A_49 = arith.constant 0 : index
    %get3A_50 = vector.load %arg9[%get3A_48, %get3A_49] : memref<1x128xf32, #tpu.memory_space<vmem>>, vector<1x128xf32>
    %add3A_51 = vector.broadcast %get3A_50 : vector<1x128xf32> to vector<2000x128xf32>
    %add3A_52 = arith.addf %dot_general3A_47, %add3A_51 : vector<2000x128xf32>
    %swap3A = arith.constant 0 : index
    %swap3A_53 = arith.constant 0 : index
    %swap3A_54 = vector.load %arg10[%swap3A, %swap3A_53] : memref<2000x128xf32, #tpu.memory_space<vmem>>, vector<2000x128xf32>
    tpu.vector_store %arg10[%swap3A, %swap3A_53], %add3A_52 {strides = array<i32>} : memref<2000x128xf32, #tpu.memory_space<vmem>>, vector<2000x128xf32>,
    %get3A_55 = arith.constant 0 : index
    %get3A_56 = arith.constant 0 : index
    %get3A_57 = vector.load %arg3[%get3A_55, %get3A_56] : memref<2000x128xf32, #tpu.memory_space<vmem>>, vector<2000x128xf32>
    %mul3A = arith.constant 5.000000e-01 : f32
    %mul3A_58 = vector.broadcast %mul3A : f32 to vector<2000x128xf32>
    %mul3A_59 = arith.mulf %mul3A_58, %get3A_57 : vector<2000x128xf32>
    %mul3A_60 = arith.constant 5.000000e-01 : f32
    %mul3A_61 = vector.broadcast %mul3A_60 : f32 to vector<2000x128xf32>
    %mul3A_62 = arith.mulf %mul3A_61, %add3A_52 : vector<2000x128xf32>
    %add3A_63 = arith.addf %mul3A_59, %mul3A_62 : vector<2000x128xf32>
    %swap3A_64 = arith.constant 0 : index
    %swap3A_65 = arith.constant 0 : index
    %swap3A_66 = vector.load %arg11[%swap3A_64, %swap3A_65] : memref<2000x128xf32, #tpu.memory_space<vmem>>, vector<2000x128xf32>
    tpu.vector_store %arg11[%swap3A_64, %swap3A_65], %add3A_63 {strides = array<i32>} : memref<2000x128xf32, #tpu.memory_space<vmem>>, vector<2000x128xf32>,
    return
  }
  func.func @transform_0(%arg0: i32) -> (i32, i32) {
    %c0_i32 = arith.constant 0 : i32
    %c0_i32_0 = arith.constant 0 : i32
    return %arg0, %c0_i32 : i32, i32
  }
  func.func @transform_1(%arg0: i32) -> (i32, i32) {
    %c0_i32 = arith.constant 0 : i32
    %c0_i32_0 = arith.constant 0 : i32
    return %arg0, %c0_i32 : i32, i32
  }
  func.func @transform_2(%arg0: i32) -> (i32, i32) {
    %c0_i32 = arith.constant 0 : i32
    %c0_i32_0 = arith.constant 0 : i32
    return %arg0, %c0_i32 : i32, i32
  }
  func.func @transform_3(%arg0: i32) -> (i32, i32) {
    %c0_i32 = arith.constant 0 : i32
    %c0_i32_0 = arith.constant 0 : i32
    %c0_i32_1 = arith.constant 0 : i32
    return %c0_i32, %c0_i32_0 : i32, i32
  }
  func.func @transform_4(%arg0: i32) -> (i32, i32) {
    %c0_i32 = arith.constant 0 : i32
    %c0_i32_0 = arith.constant 0 : i32
    %c0_i32_1 = arith.constant 0 : i32
    return %c0_i32, %c0_i32_0 : i32, i32
  }
  func.func @transform_5(%arg0: i32) -> (i32, i32) {
    %c0_i32 = arith.constant 0 : i32
    %c0_i32_0 = arith.constant 0 : i32
    %c0_i32_1 = arith.constant 0 : i32
    return %c0_i32, %c0_i32_0 : i32, i32
  }
  func.func @transform_6(%arg0: i32) -> (i32, i32) {
    %c0_i32 = arith.constant 0 : i32
    %c0_i32_0 = arith.constant 0 : i32
    %c0_i32_1 = arith.constant 0 : i32
    return %c0_i32, %c0_i32_0 : i32, i32
  }
  func.func @transform_7(%arg0: i32) -> (i32, i32) {
    %c0_i32 = arith.constant 0 : i32
    %c0_i32_0 = arith.constant 0 : i32
    %c0_i32_1 = arith.constant 0 : i32
    return %c0_i32, %c0_i32_0 : i32, i32
  }
  func.func @transform_8(%arg0: i32) -> (i32, i32) {
    %c0_i32 = arith.constant 0 : i32
    %c0_i32_0 = arith.constant 0 : i32
    %c0_i32_1 = arith.constant 0 : i32
    return %c0_i32, %c0_i32_0 : i32, i32
  }
  func.func @transform_9(%arg0: i32) -> (i32, i32) {
    %c0_i32 = arith.constant 0 : i32
    %c0_i32_0 = arith.constant 0 : i32
    return %arg0, %c0_i32 : i32, i32
  }
  func.func @transform_10(%arg0: i32) -> (i32, i32) {
    %c0_i32 = arith.constant 0 : i32
    %c0_i32_0 = arith.constant 0 : i32
    return %arg0, %c0_i32 : i32, i32
  }
}

module attributes {stable_mosaic.version = 14 : i64} {
  func.func @_fin_body(%arg0: i32, %arg1: memref<2000x128xf32, #tpu.memory_space<vmem>>, %arg2: memref<2000x128xf32, #tpu.memory_space<vmem>>, %arg3: memref<2000x128xf32, #tpu.memory_space<vmem>>, %arg4: memref<2000x128xf32, #tpu.memory_space<vmem>>, %arg5: memref<512x640xf32, #tpu.memory_space<vmem>>, %arg6: memref<1x640xf32, #tpu.memory_space<vmem>>, %arg7: memref<640x640xf32, #tpu.memory_space<vmem>>, %arg8: memref<1x640xf32, #tpu.memory_space<vmem>>, %arg9: memref<640x16xf32, #tpu.memory_space<vmem>>, %arg10: memref<1x16xf32, #tpu.memory_space<vmem>>, %arg11: memref<2000x16xf32, #tpu.memory_space<vmem>>) attributes {dimension_semantics = [#tpu.dimension_semantics<arbitrary>], iteration_bounds = array<i64: 10>, scalar_prefetch = 0 : i64, scratch_operands = 0 : i64, tpu.core_type = #tpu.core_type<tc>, window_params = [{transform_indices = @transform_0, window_bounds = array<i64: 2000, 128>}, {transform_indices = @transform_1, window_bounds = array<i64: 2000, 128>}, {transform_indices = @transform_2, window_bounds = array<i64: 2000, 128>}, {transform_indices = @transform_3, window_bounds = array<i64: 2000, 128>}, {pipeline_mode = #tpu.pipeline_mode<synchronous>, transform_indices = @transform_4, window_bounds = array<i64: 512, 640>}, {pipeline_mode = #tpu.pipeline_mode<synchronous>, transform_indices = @transform_5, window_bounds = array<i64: 1, 640>}, {pipeline_mode = #tpu.pipeline_mode<synchronous>, transform_indices = @transform_6, window_bounds = array<i64: 640, 640>}, {pipeline_mode = #tpu.pipeline_mode<synchronous>, transform_indices = @transform_7, window_bounds = array<i64: 1, 640>}, {pipeline_mode = #tpu.pipeline_mode<synchronous>, transform_indices = @transform_8, window_bounds = array<i64: 640, 16>}, {pipeline_mode = #tpu.pipeline_mode<synchronous>, transform_indices = @transform_9, window_bounds = array<i64: 1, 16>}, {transform_indices = @transform_10, window_bounds = array<i64: 2000, 16>}]} {
    %get3A = arith.constant 0 : index
    %get3A_0 = arith.constant 0 : index
    %get3A_1 = vector.load %arg1[%get3A, %get3A_0] : memref<2000x128xf32, #tpu.memory_space<vmem>>, vector<2000x128xf32>
    %get3A_2 = arith.constant 0 : index
    %get3A_3 = arith.constant 0 : index
    %get3A_4 = vector.load %arg5[%get3A_2, %get3A_3] : memref<512x640xf32, #tpu.memory_space<vmem>>, vector<128x640xf32>
    %dot_general3A = arith.constant dense<0.000000e+00> : vector<2000x640xf32>
    %dot_general3A_5 = tpu.matmul %get3A_1, %get3A_4, %dot_general3A {dimension_numbers = #tpu.dot_dimension_numbers<[1], [0], [0], [1], [0, 0, 1, 1], [], []>, transpose_lhs_hint = false} : vector<2000x128xf32>, vector<128x640xf32>, vector<2000x640xf32> -> vector<2000x640xf32>
    %get3A_6 = arith.constant 0 : index
    %get3A_7 = arith.constant 0 : index
    %get3A_8 = vector.load %arg2[%get3A_6, %get3A_7] : memref<2000x128xf32, #tpu.memory_space<vmem>>, vector<2000x128xf32>
    %get3A_9 = arith.constant 128 : index
    %get3A_10 = arith.constant 0 : index
    %get3A_11 = vector.load %arg5[%get3A_9, %get3A_10] : memref<512x640xf32, #tpu.memory_space<vmem>>, vector<128x640xf32>
    %dot_general3A_12 = arith.constant dense<0.000000e+00> : vector<2000x640xf32>
    %dot_general3A_13 = tpu.matmul %get3A_8, %get3A_11, %dot_general3A_12 {dimension_numbers = #tpu.dot_dimension_numbers<[1], [0], [0], [1], [0, 0, 1, 1], [], []>, transpose_lhs_hint = false} : vector<2000x128xf32>, vector<128x640xf32>, vector<2000x640xf32> -> vector<2000x640xf32>
    %add3A = arith.addf %dot_general3A_5, %dot_general3A_13 : vector<2000x640xf32>
    %get3A_14 = arith.constant 0 : index
    %get3A_15 = arith.constant 0 : index
    %get3A_16 = vector.load %arg3[%get3A_14, %get3A_15] : memref<2000x128xf32, #tpu.memory_space<vmem>>, vector<2000x128xf32>
    %get3A_17 = arith.constant 256 : index
    %get3A_18 = arith.constant 0 : index
    %get3A_19 = vector.load %arg5[%get3A_17, %get3A_18] : memref<512x640xf32, #tpu.memory_space<vmem>>, vector<128x640xf32>
    %dot_general3A_20 = arith.constant dense<0.000000e+00> : vector<2000x640xf32>
    %dot_general3A_21 = tpu.matmul %get3A_16, %get3A_19, %dot_general3A_20 {dimension_numbers = #tpu.dot_dimension_numbers<[1], [0], [0], [1], [0, 0, 1, 1], [], []>, transpose_lhs_hint = false} : vector<2000x128xf32>, vector<128x640xf32>, vector<2000x640xf32> -> vector<2000x640xf32>
    %add3A_22 = arith.addf %add3A, %dot_general3A_21 : vector<2000x640xf32>
    %get3A_23 = arith.constant 0 : index
    %get3A_24 = arith.constant 0 : index
    %get3A_25 = vector.load %arg4[%get3A_23, %get3A_24] : memref<2000x128xf32, #tpu.memory_space<vmem>>, vector<2000x128xf32>
    %get3A_26 = arith.constant 384 : index
    %get3A_27 = arith.constant 0 : index
    %get3A_28 = vector.load %arg5[%get3A_26, %get3A_27] : memref<512x640xf32, #tpu.memory_space<vmem>>, vector<128x640xf32>
    %dot_general3A_29 = arith.constant dense<0.000000e+00> : vector<2000x640xf32>
    %dot_general3A_30 = tpu.matmul %get3A_25, %get3A_28, %dot_general3A_29 {dimension_numbers = #tpu.dot_dimension_numbers<[1], [0], [0], [1], [0, 0, 1, 1], [], []>, transpose_lhs_hint = false} : vector<2000x128xf32>, vector<128x640xf32>, vector<2000x640xf32> -> vector<2000x640xf32>
    %add3A_31 = arith.addf %add3A_22, %dot_general3A_30 : vector<2000x640xf32>
    %get3A_32 = arith.constant 0 : index
    %get3A_33 = arith.constant 0 : index
    %get3A_34 = vector.load %arg6[%get3A_32, %get3A_33] : memref<1x640xf32, #tpu.memory_space<vmem>>, vector<1x640xf32>
    %add3A_35 = vector.broadcast %get3A_34 : vector<1x640xf32> to vector<2000x640xf32>
    %add3A_36 = arith.addf %add3A_31, %add3A_35 : vector<2000x640xf32>
    %max3A = arith.constant 0.000000e+00 : f32
    %max3A_37 = vector.broadcast %max3A : f32 to vector<2000x640xf32>
    %max3A_38 = arith.maximumf %add3A_36, %max3A_37 : vector<2000x640xf32>
    %get3A_39 = arith.constant 0 : index
    %get3A_40 = arith.constant 0 : index
    %get3A_41 = vector.load %arg7[%get3A_39, %get3A_40] : memref<640x640xf32, #tpu.memory_space<vmem>>, vector<640x640xf32>
    %dot_general3A_42 = arith.constant dense<0.000000e+00> : vector<2000x640xf32>
    %dot_general3A_43 = tpu.matmul %max3A_38, %get3A_41, %dot_general3A_42 {dimension_numbers = #tpu.dot_dimension_numbers<[1], [0], [0], [1], [0, 0, 1, 1], [], []>, transpose_lhs_hint = false} : vector<2000x640xf32>, vector<640x640xf32>, vector<2000x640xf32> -> vector<2000x640xf32>
    %get3A_44 = arith.constant 0 : index
    %get3A_45 = arith.constant 0 : index
    %get3A_46 = vector.load %arg8[%get3A_44, %get3A_45] : memref<1x640xf32, #tpu.memory_space<vmem>>, vector<1x640xf32>
    %add3A_47 = vector.broadcast %get3A_46 : vector<1x640xf32> to vector<2000x640xf32>
    %add3A_48 = arith.addf %dot_general3A_43, %add3A_47 : vector<2000x640xf32>
    %max3A_49 = arith.constant 0.000000e+00 : f32
    %max3A_50 = vector.broadcast %max3A_49 : f32 to vector<2000x640xf32>
    %max3A_51 = arith.maximumf %add3A_48, %max3A_50 : vector<2000x640xf32>
    %get3A_52 = arith.constant 0 : index
    %get3A_53 = arith.constant 0 : index
    %get3A_54 = vector.load %arg9[%get3A_52, %get3A_53] : memref<640x16xf32, #tpu.memory_space<vmem>>, vector<640x16xf32>
    %dot_general3A_55 = arith.constant dense<0.000000e+00> : vector<2000x16xf32>
    %dot_general3A_56 = tpu.matmul %max3A_51, %get3A_54, %dot_general3A_55 {dimension_numbers = #tpu.dot_dimension_numbers<[1], [0], [0], [1], [0, 0, 1, 1], [], []>, transpose_lhs_hint = false} : vector<2000x640xf32>, vector<640x16xf32>, vector<2000x16xf32> -> vector<2000x16xf32>
    %get3A_57 = arith.constant 0 : index
    %get3A_58 = arith.constant 0 : index
    %get3A_59 = vector.load %arg10[%get3A_57, %get3A_58] : memref<1x16xf32, #tpu.memory_space<vmem>>, vector<1x16xf32>
    %add3A_60 = vector.broadcast %get3A_59 : vector<1x16xf32> to vector<2000x16xf32>
    %add3A_61 = arith.addf %dot_general3A_56, %add3A_60 : vector<2000x16xf32>
    %logistic3A = arith.negf %add3A_61 : vector<2000x16xf32>
    %logistic3A_62 = math.exp %logistic3A : vector<2000x16xf32>
    %logistic3A_63 = arith.constant 1.000000e+00 : f32
    %logistic3A_64 = vector.broadcast %logistic3A_63 : f32 to vector<2000x16xf32>
    %logistic3A_65 = arith.addf %logistic3A_64, %logistic3A_62 : vector<2000x16xf32>
    %logistic3A_66 = arith.divf %logistic3A_64, %logistic3A_65 : vector<2000x16xf32>
    %swap3A = arith.constant 0 : index
    %swap3A_67 = arith.constant 0 : index
    %swap3A_68 = vector.load %arg11[%swap3A, %swap3A_67] : memref<2000x16xf32, #tpu.memory_space<vmem>>, vector<2000x16xf32>
    tpu.vector_store %arg11[%swap3A, %swap3A_67], %logistic3A_66 {strides = array<i32>} : memref<2000x16xf32, #tpu.memory_space<vmem>>, vector<2000x16xf32>,
    return
  }
  func.func @transform_0(%arg0: i32) -> (i32, i32) {
    %c0_i32 = arith.constant 0 : i32
    %c0_i32_0 = arith.constant 0 : i32
    return %arg0, %c0_i32 : i32, i32
  }
  func.func @transform_1(%arg0: i32) -> (i32, i32) {
    %c0_i32 = arith.constant 0 : i32
    %c0_i32_0 = arith.constant 0 : i32
    return %arg0, %c0_i32 : i32, i32
  }
  func.func @transform_2(%arg0: i32) -> (i32, i32) {
    %c0_i32 = arith.constant 0 : i32
    %c0_i32_0 = arith.constant 0 : i32
    return %arg0, %c0_i32 : i32, i32
  }
  func.func @transform_3(%arg0: i32) -> (i32, i32) {
    %c0_i32 = arith.constant 0 : i32
    %c0_i32_0 = arith.constant 0 : i32
    return %arg0, %c0_i32 : i32, i32
  }
  func.func @transform_4(%arg0: i32) -> (i32, i32) {
    %c0_i32 = arith.constant 0 : i32
    %c0_i32_0 = arith.constant 0 : i32
    %c0_i32_1 = arith.constant 0 : i32
    return %c0_i32, %c0_i32_0 : i32, i32
  }
  func.func @transform_5(%arg0: i32) -> (i32, i32) {
    %c0_i32 = arith.constant 0 : i32
    %c0_i32_0 = arith.constant 0 : i32
    %c0_i32_1 = arith.constant 0 : i32
    return %c0_i32, %c0_i32_0 : i32, i32
  }
  func.func @transform_6(%arg0: i32) -> (i32, i32) {
    %c0_i32 = arith.constant 0 : i32
    %c0_i32_0 = arith.constant 0 : i32
    %c0_i32_1 = arith.constant 0 : i32
    return %c0_i32, %c0_i32_0 : i32, i32
  }
  func.func @transform_7(%arg0: i32) -> (i32, i32) {
    %c0_i32 = arith.constant 0 : i32
    %c0_i32_0 = arith.constant 0 : i32
    %c0_i32_1 = arith.constant 0 : i32
    return %c0_i32, %c0_i32_0 : i32, i32
  }
  func.func @transform_8(%arg0: i32) -> (i32, i32) {
    %c0_i32 = arith.constant 0 : i32
    %c0_i32_0 = arith.constant 0 : i32
    %c0_i32_1 = arith.constant 0 : i32
    return %c0_i32, %c0_i32_0 : i32, i32
  }
  func.func @transform_9(%arg0: i32) -> (i32, i32) {
    %c0_i32 = arith.constant 0 : i32
    %c0_i32_0 = arith.constant 0 : i32
    %c0_i32_1 = arith.constant 0 : i32
    return %c0_i32, %c0_i32_0 : i32, i32
  }
  func.func @transform_10(%arg0: i32) -> (i32, i32) {
    %c0_i32 = arith.constant 0 : i32
    %c0_i32_0 = arith.constant 0 : i32
    return %arg0, %c0_i32 : i32, i32
  }
}

</mosaic_0001>

<sc_bundles>
// kernel: kernel.15.cloned.1.call-start
scs
__scs_entry_jumppad:
0x0: {  	(pc) =	sbr.rel $0x88, $3  }
0x1: {  	(tag) =	ssettag $0x0;
	lr =	simm.s32 $0x1  }
0x2: {  	[smem:$0x3F88] =	sst lr;
	_ =	strace $0xD0000000  }
0x3: {  	_ = 	snop  }
0x4: {  	_ = 	snop  }
0x5: {  	_ = 	snop  }
0x6: {  	_ = 	snop  }
0x7: {  	_ = 	snop  }
__scs_overlays_trampoline_lowered:
0x8: {  	[smem:$0x3F97] =	sst s0  }
0x9: {  	[smem:$0x3F98] =	sst s1  }
0xa: {  	[smem:$0x3F99] =	sst s2  }
0xb: {  	[smem:$0x3F9A] =	sst s3  }
0xc: {  	[smem:$0x3F9B] =	sst s4  }
0xd: {  	[smem:$0x3F9C] =	sst s5  }
0xe: {  	[smem:$0x3F9D] =	sst s6  }
0xf: {  	[smem:$0x3F9E] =	sst s7  }
0x10: {  	[smem:$0x3F9F] =	sst s8  }
0x11: {  	[smem:$0x3FA0] =	sst s9;
	s0 =	simm.s32 @!p0 $0x0  }
0x12: {  	s1 =	sld [smem:$0x3F86];
	s0 =	simm.s32 @p0 $0x1  }
0x13: {  	[smem:$0x3FA1] =	sst s0;
	s0 =	simm.s32 @!p1 $0x0  }
0x14: {  	s2 =	sld [smem:$0x3F85];
	s0 =	simm.s32 @p1 $0x1  }
0x15: {  	[smem:$0x3FA2] =	sst s0;
	s0 =	simm.s32 @!p2 $0x0  }
0x16: {  	s3 =	sld [smem:$0x3FDB];
	s0 =	simm.s32 @p2 $0x1  }
0x17: {  	s4 =	simm.s32 $0x1BF5;
	[smem:$0x3FA4] =	sst s0  }
0x18: {  	s0 =	sld [smem:$0x3F87];
	_ =	swait.ge [sflag:s4], $0x0  }
0x19: {  	s7 =	sld [smem:$0x3F88]  }
0x1a: {  	s8 =	sadd.s32 $0xFFFFE003, lr  }
0x1b: {  	s9 =	sadd.s32 $0xFFFFFEF7, lr;
	s5 =	simm.s32 $0xFFFFFFFF;
	p2 =	slt.u32 s8, $0xFFFFF086  }
0x1c: {  	p1 =	slt.u32 s9, $0xF7A;
	s5 =	simm.s32 @!p2 $0x0  }
0x1d: {  	s5 =	simm.s32 @p1 $0x1;
	p0 =	seq.s32 s7, s2  }
0x1e: {  	s7 =	smul.u32 @!p0 $0xF7A, s2;
	p2 =	seq.s32 @!p0 s5, $0x0  }
0x1f: {  	s9 =	smul.u32 $0xF7A, s1;
	s8 =	simm.s32 @!p0 $0x1BF5;
	p2 =	por !p2, p0  }
0x20: {  	[sflag:s8] =	ssyncset.s32 @!p0 $0xFFFFF086;
	s6 =	sadd.s32 @!p0 s3, s7;
	s7 =	simm.s32 @!p0 $0x108  }
0x21: {  	s3 =	sadd.s32 s3, s9;
	s6 =	sadd.s32 @!p0 $0x88, s6;
	s7 =	simm.s32 @p2 $0x1082  }
0x22: {  	[simem:s7], [sflag:s8] =	dma.local @!p0 [hbm:s6], $0xF7A  }
0x23: {  	s9 =	sor.u32 $0xD0000000, s2;
	s6 =	simm.s32 $0x108;
	_ =	swait.ge @!p0 [sflag:s8], $0x0  }
0x24: {  	s3 =	sadd.s32 $0x88, s3;
	s6 =	simm.s32 @!p1 $0x1082;
	[sflag:s4] =	ssyncset.s32 $0xFFFFF086  }
0x25: {  	[simem:s6], [sflag:s4] =	dma.local [hbm:s3], $0xF7A  }
0x26: {  	[smem:$0x3F88] =	sst s1;
	(tag) =	ssettag s2;
	_ =	strace s9  }
0x27: {  	s1 =	sld [smem:$0x3F98]  }
0x28: {  	s2 =	sld [smem:$0x3F99]  }
0x29: {  	s4 =	sld [smem:$0x3F9B]  }
0x2a: {  	p0 =	seq.s32 s5, $0x0;
	s5 =	sld [smem:$0x3F9C]  }
0x2b: {  	s6 =	sld [smem:$0x3F9D]  }
0x2c: {  	s7 =	sld [smem:$0x3F9E]  }
0x2d: {  	s3 =	simm.s32 $0x108;
	s8 =	sld [smem:$0x3F9F]  }
0x2e: {  	s3 =	simm.s32 @!p0 $0x1082;
	s9 =	sld [smem:$0x3FA0]  }
0x2f: {  	lr =	sadd.s32 s0, s3;
	s0 =	sld [smem:$0x3F97]  }
0x30: {  	s3 =	sld [smem:$0x3F9A]  }
0x31: {  	[smem:$0x3FA3] =	sst s10  }
0x32: {  	s10 =	sld [smem:$0x3FA1];
	_ =	sdelay $0x3  }
0x33: {  	p0 =	seq.s32 s10, $0x1;
	s10 =	sld [smem:$0x3FA3];
	_ =	sdelay $0x3  }
0x34: {  	[smem:$0x3FA3] =	sst s10  }
0x35: {  	s10 =	sld [smem:$0x3FA2];
	_ =	sdelay $0x3  }
0x36: {  	p1 =	seq.s32 s10, $0x1;
	s10 =	sld [smem:$0x3FA3];
	_ =	sdelay $0x3  }
0x37: {  	[smem:$0x3FA3] =	sst s10  }
0x38: {  	s10 =	sld [smem:$0x3FA4]  }
0x39: {  	_ = 	snop;
	(pc) =	sbr.ind lr, $3  }
0x3a: {  	_ = 	snop  }
0x3b: {  	_ = 	snop  }
0x3c: {  	p2 =	seq.s32 s10, $0x1;
	s10 =	sld [smem:$0x3FA3]  }
0x3d: {  	_ =	shalt  }
0x3e: {  	_ =	shalt  }
0x3f: {  	_ =	shalt  }
0x40: {  	_ =	shalt  }
0x41: {  	_ =	shalt  }
0x42: {  	_ =	shalt  }
0x43: {  	_ =	shalt  }
0x44: {  	_ =	shalt  }
0x45: {  	_ =	shalt  }
0x46: {  	_ =	shalt  }
0x47: {  	_ =	shalt  }
0x48: {  	_ =	shalt  }
0x49: {  	_ =	shalt  }
0x4a: {  	_ =	shalt  }
0x4b: {  	_ =	shalt  }
0x4c: {  	_ =	shalt  }
0x4d: {  	_ =	shalt  }
0x4e: {  	_ =	shalt  }
0x4f: {  	_ =	shalt  }
0x50: {  	_ =	shalt  }
0x51: {  	_ =	shalt  }
0x52: {  	_ =	shalt  }
0x53: {  	_ =	shalt  }
0x54: {  	_ =	shalt  }
0x55: {  	_ =	shalt  }
0x56: {  	_ =	shalt  }
0x57: {  	_ =	shalt  }
0x58: {  	_ =	shalt  }
0x59: {  	_ =	shalt  }
0x5a: {  	_ =	shalt  }
0x5b: {  	_ =	shalt  }
0x5c: {  	_ =	shalt  }
0x5d: {  	_ =	shalt  }
0x5e: {  	_ =	shalt  }
0x5f: {  	_ =	shalt  }
0x60: {  	_ =	shalt  }
0x61: {  	_ =	shalt  }
0x62: {  	_ =	shalt  }
0x63: {  	_ =	shalt  }
0x64: {  	_ =	shalt  }
0x65: {  	_ =	shalt  }
0x66: {  	_ =	shalt  }
0x67: {  	_ =	shalt  }
0x68: {  	_ =	shalt  }
0x69: {  	_ =	shalt  }
0x6a: {  	_ =	shalt  }
0x6b: {  	_ =	shalt  }
0x6c: {  	_ =	shalt  }
0x6d: {  	_ =	shalt  }
0x6e: {  	_ =	shalt  }
0x6f: {  	_ =	shalt  }
0x70: {  	_ =	shalt  }
0x71: {  	_ =	shalt  }
0x72: {  	_ =	shalt  }
0x73: {  	_ =	shalt  }
0x74: {  	_ =	shalt  }
0x75: {  	_ =	shalt  }
0x76: {  	_ =	shalt  }
0x77: {  	_ =	shalt  }
0x78: {  	_ =	shalt  }
0x79: {  	_ =	shalt  }
0x7a: {  	_ =	shalt  }
0x7b: {  	_ =	shalt  }
0x7c: {  	_ =	shalt  }
0x7d: {  	_ =	shalt  }
0x7e: {  	_ =	shalt  }
0x7f: {  	_ =	shalt  }
0x80: {  	_ =	shalt  }
0x81: {  	_ =	shalt  }
0x82: {  	_ =	shalt  }
0x83: {  	_ =	shalt  }
0x84: {  	_ =	shalt  }
0x85: {  	_ =	shalt  }
0x86: {  	_ =	shalt  }
0x87: {  	_ =	shalt  }
.Lfunc_end0:
.L_simem_size_0:
called_computation_lowered:
.L_overlay_start_0:
0x88: {  	s2 =	sld [smem:$0x3FD9]  }
0x89: {  	s3 =	sld [smem:$0x3FFE];
	_ =	sdelay $0x1  }
0x8a: {  	s1 =	srdreg.scid  }
0x8b: {  	s0 =	sand.u32 $0x1, s1  }
0x8c: {  	s16 =	sshll.u32 s0, $0xA;
	s2 =	sadd.s32 s3, s2  }
0x8d: {  	s2 =	sadd.s32 s2, s16  }
0x8e: {  	[smem:$0x3FAF] =	sst s2  }
0x8f: {  	_ = 	snop  }
0x90: {  	(tm) =	ssettm $0x1  }
0x91: {  	s17 =	sld [smem:$0x3FFB];
	_ =	sdelay $0x3  }
0x92: {  	_ =	strace s17  }
0x93: {  	s2 =	sld [smem:$0x3FFC];
	_ =	sdelay $0x3  }
0x94: {  	_ =	strace s2  }
0x95: {  	s2 =	sld [smem:$0x3FFD];
	_ =	sdelay $0x3  }
0x96: {  	_ =	strace s2  }
0x97: {  	_ =	strace $0x8FFFFFFF  }
0x98: {  	s18 =	sld [smem:$0x3FDB];
	_ =	sdelay $0x1  }
0x99: {  	s19 =	simm.s32 $_scs_section_size  }
0x9a: {  	s4 =	simm.s32 $_size__tile_overlayer_lowered;
	s5 =	simm.s32 $_tile_overlayer_lowered  }
0x9b: {  	s22 =	simm.s32 $0x1BFF;
	s21 =	sshll.u32 s5, $0x1;
	s2 =	sadd.s32 s19, s18  }
0x9c: {  	s6 =	simm.s32 $0x0;
	s20 =	sshll.u32 s4, $0x1;
	s4 =	sadd.s32 s21, s2  }
0x9d: {  	[timem:s6], [sflag:s22] =	dma.local [hbm:s4], s20  }
0x9e: {  	_ =	swait.ge [sflag:s22], s20  }
0x9f: {  	s3 =	ssub.s32 $0x0, s20;
	[sflag:s22] =	ssyncset.done $0x0  }
0xa0: {  	[sflag:s22] =	ssyncadd.s32 s3;
	_ =	sdelay $0x1  }
0xa1: {  	s23 =	simm.s32 $0x1B8B  }
0xa2: {  	_ =	swait.ge [sflag:s23], $0x1  }
0xa3: {  	[sflag:s23] =	ssyncset.done $0x0  }
0xa4: {  	s25 =	simm.s32 $0x1B8E;
	s24 =	sld [smem:$0x3FFE];
	[sflag:s23] =	ssyncadd.s32 $0xFFFFFFFF  }
0xa5: {  	s26 =	simm.s32 $execute0_lowered;
	[smem:$0x3FD2] =	sst s25  }
0xa6: {  	s4 =	sshll.u32 s26, $0x1;
	_ =	strace $0x80000046;
	[dreg:$0x1] =	wrdreg $0xFFFFFFFF  }
0xa7: {  	s28 =	simm.s32 $_size_execute0_lowered;
	s2 =	sadd.s32 s2, s4;
	[dreg:$0x0] =	wrdreg $0x0  }
0xa8: {  	s4 =	sshll.u32 s28, $0x1;
	[dreg:$0x2] =	wrdreg s2  }
0xa9: {  	[dreg:$0x3] =	wrdreg s4  }
0xaa: {  	[dreg:$0x4] =	wrdreg $0xC0  }
0xab: {  	_ =	task [dreg:s6], $0x5FFFF  }
0xac: {  	[dreg:$0x1] =	wrdreg $0xFFFFFFFF  }
0xad: {  	[dreg:$0x0] =	wrdreg $0x60  }
0xae: {  	[dreg:$0x2] =	wrdreg s24  }
0xaf: {  	[dreg:$0x3] =	wrdreg $0x9  }
0xb0: {  	_ =	task.clear_ibuf [dreg:s6], $0x4FFFF;
	_ =	strace $0x90000046  }
0xb1: {  	s29 =	simm.s32 $0x9;
	_ =	strace $0x80000048  }
0xb2: {  	_ =	swait.ge [sflag:s29], $0x1  }
0xb3: {  	[sflag:s29] =	ssyncadd.s32 $0xFFFFFFFF  }
0xb4: {  	_ =	strace $0x90000048  }
0xb5: {  	_ =	sfence  }
0xb6: {  	s30 =	sld [smem:$0x0];
	_ =	sdelay $0x2  }
0xb7: {  	s31 =	sshll.u32 s1, $0xD;
	s1 =	sshrl.u32 s1, $0x2  }
0xb8: {  	s3 =	sand.u32 $0x4000, s31;
	s1 =	sadd.s32 s1, s30  }
0xb9: {  	s0 =	sor.u32 s3, s0;
	s1 =	sshll.u32 s1, $0x11  }
0xba: {  	s0 =	sor.u32 s1, s0  }
0xbb: {  	s0 =	sadd.s32 $0x8F2B, s0  }
0xbc: {  	[sflag:s0] =	ssyncadd.remote.s32 $0x1  }
0xbd: {  	_ =	sfence.sel $0xFFFF  }
0xbe: {  	[dreg:$0x0] =	wrdreg $0xFFFFFFFF;
	(pc) =	sbr.abs _section_cstart, $3  }
0xbf: {  	[dreg:$0x1] =	wrdreg $0xFFFFFFFF  }
0xc0: {  	_ =	task.clear_ibuf [dreg:s6], $0x2FFFF;
	_ =	strace $0x9FFFFFFF  }
0xc1: {  	(tm) =	ssettm $0x7FFFFFFF  }
tec
execute0_lowered:
.L_overlay_start_1:
0x0: {  	(tag) =	ssettag $0x1  }
0x1: {  	s1 =	srdreg.scid;
	s0 =	stileid.u32  }
0x2: {  	s17 =	sand.u32 $0x1, s1;
	s29 =	sshll.u32 s0, $0x1  }
0x3: {  	s1 =	sor.u32 s17, s29  }
0x4: {  	s18 =	smul.u32 $0x2710, s1  }
0x5: {  	s16 =	rddreg [dreg:$0x0]  }
0x6: {  	s2 =	simm.s32 $0x0;
	s15 =	sadd.s32 $0x35400, s16;
	s3 =	sshrl.u32 s18, $0x3  }
0x7: {  	s4 =	simm.s32 $0x3;
	[smem:$0x7FF] =	sst s2;
	s3 =	sadd.s32 s15, s3  }
0x8: {  	s1 =	rddreg [dreg:$0x1];
	_ =	strace $0x80000047;
	s5 =	sadd.s32 $0x9C40, s3  }
0x9: {  	[tilespmem:s2], [sflag:$0x3] =	stream.linear.gather [hbm4b:s5+s2], $0x1388, $0x38;
	[tilespmem:$0x15F90] =	vst v63  }
0xa: {  	s8 =	simm.s32 $0x2710;
	_ =	swait.ge [sflag:s4], $0x1388  }
0xb: {  	s6 =	sadd.s32 $0x32C00, s16;
	s7 =	sadd.s32 $0x4F588, s18;
	[sflag:s4] =	ssyncset.done $0x0  }
0xc: {  	s9 =	sshrl.u32 s7, $0x3;
	s7 =	simm.s32 $0x1388;
	[sflag:s4] =	ssyncadd.s32 $0xFFFFEC78  }
0xd: {  	[tilespmem:s8], [sflag:$0x1] =	stream.indirect.gather [hbm4b:s6+s7], $0x8, s2, s7, $0xb8;
	[tilespmem:$0x15F90] =	vst v63  }
0xe: {  	s9 =	sadd.s32 s15, s9  }
0xf: {  	[tilespmem:s7], [sflag:$0x3] =	stream.linear.gather [hbm4b:s9+s2], $0x1388, $0x38;
	[tilespmem:$0x15F90] =	vst v63  }
0x10: {  	_ =	swait.ge [sflag:s4], $0x1388  }
0x11: {  	[sflag:s4] =	ssyncset.done $0x0  }
0x12: {  	s10 =	simm.s32 $0xC350;
	s11 =	simm.s32 $0x1;
	[sflag:s4] =	ssyncadd.s32 $0xFFFFEC78  }
0x13: {  	[tilespmem:s10], [sflag:$0x2] =	stream.indirect.gather [hbm4b:s6+s7], $0x8, s7, s7, $0xb8;
	[tilespmem:$0x15F90] =	vst v63  }
0x14: {  	_ =	swait.ge [sflag:s11], $0x9C40  }
0x15: {  	s14 =	sadd.s32 $0x48E00, s16;
	[sflag:s11] =	ssyncset.done $0x0  }
0x16: {  	s12 =	sadd.s32 s14, s18;
	[sflag:s11] =	ssyncadd.s32 $0xFFFF63C0  }
0x17: {  	[hbm4b:s12+s2] =	stream.linear.scatter [tilespmem:s8], [sflag:$0x3], $0x9C40, $0x38;
	[tilespmem:$0x15F90] =	vst v63  }
0x18: {  	_ =	swait.ge [sflag:s4], $0x9C40  }
0x19: {  	[sflag:s4] =	ssyncset.done $0x0  }
0x1a: {  	[sflag:s4] =	ssyncadd.s32 $0xFFFF63C0  }
0x1b: {  	[tilespmem:s2], [sflag:$0x3] =	stream.linear.gather [hbm4b:s3+s2], $0x1388, $0x38;
	[tilespmem:$0x15F90] =	vst v63  }
0x1c: {  	_ =	swait.ge [sflag:s4], $0x1388  }
0x1d: {  	[sflag:s4] =	ssyncset.done $0x0  }
0x1e: {  	s13 =	simm.s32 $0x2;
	[sflag:s4] =	ssyncadd.s32 $0xFFFFEC78  }
0x1f: {  	[tilespmem:s8], [sflag:$0x1] =	stream.indirect.gather [hbm4b:s6+s7], $0x8, s2, s7, $0xb8;
	[tilespmem:$0x15F90] =	vst v63  }
0x20: {  	_ =	swait.ge [sflag:s13], $0x9C40  }
0x21: {  	s19 =	sadd.s32 $0x1388, s18;
	[sflag:s13] =	ssyncset.done $0x0  }
0x22: {  	s14 =	sadd.s32 s14, s19;
	[sflag:s13] =	ssyncadd.s32 $0xFFFF63C0  }
0x23: {  	[hbm4b:s14+s2] =	stream.linear.scatter [tilespmem:s10], [sflag:$0x3], $0x9C40, $0x38;
	[tilespmem:$0x15F90] =	vst v63  }
0x24: {  	_ =	swait.ge [sflag:s4], $0x9C40  }
0x25: {  	s20 =	sshrl.u32 s19, $0x3;
	[sflag:s4] =	ssyncset.done $0x0  }
0x26: {  	s15 =	sadd.s32 s15, s20;
	[sflag:s4] =	ssyncadd.s32 $0xFFFF63C0  }
0x27: {  	[tilespmem:s7], [sflag:$0x3] =	stream.linear.gather [hbm4b:s15+s2], $0x1388, $0x38;
	[tilespmem:$0x15F90] =	vst v63  }
0x28: {  	_ =	swait.ge [sflag:s4], $0x1388  }
0x29: {  	[sflag:s4] =	ssyncset.done $0x0  }
0x2a: {  	[sflag:s4] =	ssyncadd.s32 $0xFFFFEC78  }
0x2b: {  	[tilespmem:s10], [sflag:$0x2] =	stream.indirect.gather [hbm4b:s6+s7], $0x8, s7, s7, $0xb8;
	[tilespmem:$0x15F90] =	vst v63  }
0x2c: {  	_ =	swait.ge [sflag:s11], $0x9C40  }
0x2d: {  	s30 =	sadd.s32 $0x97000, s16;
	[sflag:s11] =	ssyncset.done $0x0  }
0x2e: {  	s17 =	ssub.s32 $0x2, s17;
	s16 =	sadd.s32 s30, s18;
	[sflag:s11] =	ssyncadd.s32 $0xFFFF63C0  }
0x2f: {  	[hbm4b:s16+s2] =	stream.linear.scatter [tilespmem:s8], [sflag:$0x3], $0x9C40, $0x38;
	[tilespmem:$0x15F90] =	vst v63  }
0x30: {  	s31 =	sshrl.u32 s17, $0x1;
	_ =	swait.ge [sflag:s4], $0x9C40  }
0x31: {  	s18 =	ssub.s32 s17, s31;
	[sflag:s4] =	ssyncset.done $0x0  }
0x32: {  	s18 =	smax.u32 s18, $0x1;
	[sflag:s4] =	ssyncadd.s32 $0xFFFF63C0  }
0x33: {  	p0 =	sne.s32 s18, $0x1;
	_ =	swait.ge [sflag:s13], $0x9C40  }
.Ltmp0:
0x34: {  	[sflag:s13] =	ssyncset.done $0x0;
	(pc) =	sbr.rel @!p0 .LBB2_2-.Ltmp0, $4  }
0x35: {  	s17 =	sadd.s32 s30, s19;
	[sflag:s13] =	ssyncadd.s32 $0xFFFF63C0  }
0x36: {  	[hbm4b:s17+s2] =	stream.linear.scatter [tilespmem:s10], [sflag:$0x3], $0x9C40, $0x38;
	[tilespmem:$0x15F90] =	vst v63  }
0x37: {  	_ =	swait.ge [sflag:s4], $0x9C40  }
0x38: {  	s18 =	sadd.s32 $0xFFFFFFFF, s18;
	[sflag:s4] =	ssyncset.done $0x0  }
.LBB2_1:
0x39: {  	p0 =	sne.s32 s18, $0x1;
	s18 =	sadd.s32 $0xFFFFFFFF, s18;
	[sflag:s4] =	ssyncadd.s32 $0xFFFF63C0  }
0x3a: {  	[tilespmem:s2], [sflag:$0x3] =	stream.linear.gather [hbm4b:s5+s2], $0x1388, $0x38;
	[tilespmem:$0x15F90] =	vst v63  }
0x3b: {  	_ =	swait.ge [sflag:s4], $0x1388  }
0x3c: {  	[sflag:s4] =	ssyncset.done $0x0  }
0x3d: {  	[sflag:s4] =	ssyncadd.s32 $0xFFFFEC78  }
0x3e: {  	[tilespmem:s8], [sflag:$0x1] =	stream.indirect.gather [hbm4b:s6+s7], $0x8, s2, s7, $0xb8;
	[tilespmem:$0x15F90] =	vst v63  }
0x3f: {  	_ = 	snop  }
0x40: {  	[tilespmem:s7], [sflag:$0x3] =	stream.linear.gather [hbm4b:s9+s2], $0x1388, $0x38;
	[tilespmem:$0x15F90] =	vst v63  }
0x41: {  	_ =	swait.ge [sflag:s4], $0x1388  }
0x42: {  	[sflag:s4] =	ssyncset.done $0x0  }
0x43: {  	[sflag:s4] =	ssyncadd.s32 $0xFFFFEC78  }
0x44: {  	[tilespmem:s10], [sflag:$0x2] =	stream.indirect.gather [hbm4b:s6+s7], $0x8, s7, s7, $0xb8;
	[tilespmem:$0x15F90] =	vst v63  }
0x45: {  	_ =	swait.ge [sflag:s11], $0x9C40  }
0x46: {  	[sflag:s11] =	ssyncset.done $0x0  }
0x47: {  	[sflag:s11] =	ssyncadd.s32 $0xFFFF63C0  }
0x48: {  	[hbm4b:s12+s2] =	stream.linear.scatter [tilespmem:s8], [sflag:$0x3], $0x9C40, $0x38;
	[tilespmem:$0x15F90] =	vst v63  }
0x49: {  	_ =	swait.ge [sflag:s4], $0x9C40  }
0x4a: {  	[sflag:s4] =	ssyncset.done $0x0  }
0x4b: {  	[sflag:s4] =	ssyncadd.s32 $0xFFFF63C0  }
0x4c: {  	[tilespmem:s2], [sflag:$0x3] =	stream.linear.gather [hbm4b:s3+s2], $0x1388, $0x38;
	[tilespmem:$0x15F90] =	vst v63  }
0x4d: {  	_ =	swait.ge [sflag:s4], $0x1388  }
0x4e: {  	[sflag:s4] =	ssyncset.done $0x0  }
0x4f: {  	[sflag:s4] =	ssyncadd.s32 $0xFFFFEC78  }
0x50: {  	[tilespmem:s8], [sflag:$0x1] =	stream.indirect.gather [hbm4b:s6+s7], $0x8, s2, s7, $0xb8;
	[tilespmem:$0x15F90] =	vst v63  }
0x51: {  	_ =	swait.ge [sflag:s13], $0x9C40  }
0x52: {  	[sflag:s13] =	ssyncset.done $0x0  }
0x53: {  	[sflag:s13] =	ssyncadd.s32 $0xFFFF63C0  }
0x54: {  	[hbm4b:s14+s2] =	stream.linear.scatter [tilespmem:s10], [sflag:$0x3], $0x9C40, $0x38;
	[tilespmem:$0x15F90] =	vst v63  }
0x55: {  	_ =	swait.ge [sflag:s4], $0x9C40  }
0x56: {  	[sflag:s4] =	ssyncset.done $0x0  }
0x57: {  	[sflag:s4] =	ssyncadd.s32 $0xFFFF63C0  }
0x58: {  	[tilespmem:s7], [sflag:$0x3] =	stream.linear.gather [hbm4b:s15+s2], $0x1388, $0x38;
	[tilespmem:$0x15F90] =	vst v63  }
0x59: {  	_ =	swait.ge [sflag:s4], $0x1388  }
0x5a: {  	[sflag:s4] =	ssyncset.done $0x0  }
0x5b: {  	[sflag:s4] =	ssyncadd.s32 $0xFFFFEC78  }
0x5c: {  	[tilespmem:s10], [sflag:$0x2] =	stream.indirect.gather [hbm4b:s6+s7], $0x8, s7, s7, $0xb8;
	[tilespmem:$0x15F90] =	vst v63  }
0x5d: {  	_ =	swait.ge [sflag:s11], $0x9C40  }
0x5e: {  	[sflag:s11] =	ssyncset.done $0x0  }
0x5f: {  	[sflag:s11] =	ssyncadd.s32 $0xFFFF63C0  }
0x60: {  	[hbm4b:s16+s2] =	stream.linear.scatter [tilespmem:s8], [sflag:$0x3], $0x9C40, $0x38;
	[tilespmem:$0x15F90] =	vst v63  }
0x61: {  	_ =	swait.ge [sflag:s4], $0x9C40  }
0x62: {  	[sflag:s4] =	ssyncset.done $0x0  }
0x63: {  	[sflag:s4] =	ssyncadd.s32 $0xFFFF63C0  }
0x64: {  	_ =	swait.ge [sflag:s13], $0x9C40  }
.Ltmp1:
0x65: {  	[sflag:s13] =	ssyncset.done $0x0;
	(pc) =	sbr.rel @p0 .LBB2_1-.Ltmp1, $4  }
0x66: {  	[sflag:s13] =	ssyncadd.s32 $0xFFFF63C0  }
0x67: {  	[hbm4b:s17+s2] =	stream.linear.scatter [tilespmem:s10], [sflag:$0x3], $0x9C40, $0x38;
	[tilespmem:$0x15F90] =	vst v63  }
0x68: {  	_ =	swait.ge [sflag:s4], $0x9C40  }
0x69: {  	[sflag:s4] =	ssyncset.done $0x0  }
.LBB2_2:
0x6a: {  	[sflag:s4] =	ssyncadd.s32 $0xFFFF63C0  }
0x6b: {  	_ =	sfence.sel $0x180000  }
0x6c: {  	[bflag:$0x0] =	sbarrier.arrive $0xFFFF  }
0x6d: {  	p0 =	sne.s32 s0, $0x0;
	_ =	strace $0x90000047  }
0x6e: {  	s0 =	sadd.s32 @!p0 $0x100000, s1;
	[bflag:$0x2] =	sbarrier.arrive $0xFFFF  }
0x6f: {  	[sflag:s0] =	ssyncadd.tile.s32 @!p0 $0x1;
	_ =	shalt  }
.Lfunc_end2:
_tile_overlayer_lowered:
.L_overlay_start_2:
0x70: {  	(tag) =	ssettag $0x2  }
0x71: {  	s0 =	rddreg [dreg:$0x0];
	s2 =	stileid.u32  }
0x72: {  	s1 =	rddreg [dreg:$0x1];
	p0 =	sne.s32 s2, $0x0  }
0x73: {  	s3 =	rddreg [dreg:$0x2];
	[bflag:$0x3] =	sbarrier.arrive $0xFFFF;
	s2 =	simm.s32 @!p0 $0x1C03  }
0x74: {  	[timem:s3], [sflag:s2] =	dma.local @!p0 [hbm:s0], s1  }
0x75: {  	s0 =	simm.s32 @!p0 $0x3  }
0x76: {  	_ =	swait.ge @!p0 [sflag:s0], s1  }
0x77: {  	s1 =	ssub.s32 @!p0 $0x0, s1;
	[sflag:s0] =	ssyncset.done @!p0 $0x0  }
0x78: {  	[sflag:s0] =	ssyncadd.s32 @!p0 s1  }
0x79: {  	[bflag:$0x3] =	sbarrier.arrive $0xFFFF  }
0x7a: {  	_ =	shalt  }

// kernel: kernel.18.cloned.1.call-start
scs
__scs_entry_jumppad:
0x0: {  	(pc) =	sbr.rel $0x88, $3  }
0x1: {  	(tag) =	ssettag $0x0;
	lr =	simm.s32 $0x1  }
0x2: {  	[smem:$0x3F88] =	sst lr;
	_ =	strace $0xD0000000  }
0x3: {  	_ = 	snop  }
0x4: {  	_ = 	snop  }
0x5: {  	_ = 	snop  }
0x6: {  	_ = 	snop  }
0x7: {  	_ = 	snop  }
__scs_overlays_trampoline_lowered:
0x8: {  	[smem:$0x3F97] =	sst s0  }
0x9: {  	[smem:$0x3F98] =	sst s1  }
0xa: {  	[smem:$0x3F99] =	sst s2  }
0xb: {  	[smem:$0x3F9A] =	sst s3  }
0xc: {  	[smem:$0x3F9B] =	sst s4  }
0xd: {  	[smem:$0x3F9C] =	sst s5  }
0xe: {  	[smem:$0x3F9D] =	sst s6  }
0xf: {  	[smem:$0x3F9E] =	sst s7  }
0x10: {  	[smem:$0x3F9F] =	sst s8  }
0x11: {  	[smem:$0x3FA0] =	sst s9;
	s0 =	simm.s32 @!p0 $0x0  }
0x12: {  	s1 =	sld [smem:$0x3F86];
	s0 =	simm.s32 @p0 $0x1  }
0x13: {  	[smem:$0x3FA1] =	sst s0;
	s0 =	simm.s32 @!p1 $0x0  }
0x14: {  	s2 =	sld [smem:$0x3F85];
	s0 =	simm.s32 @p1 $0x1  }
0x15: {  	[smem:$0x3FA2] =	sst s0;
	s0 =	simm.s32 @!p2 $0x0  }
0x16: {  	s3 =	sld [smem:$0x3FDB];
	s0 =	simm.s32 @p2 $0x1  }
0x17: {  	s4 =	simm.s32 $0x1BF5;
	[smem:$0x3FA4] =	sst s0  }
0x18: {  	s0 =	sld [smem:$0x3F87];
	_ =	swait.ge [sflag:s4], $0x0  }
0x19: {  	s7 =	sld [smem:$0x3F88]  }
0x1a: {  	s8 =	sadd.s32 $0xFFFFE003, lr  }
0x1b: {  	s9 =	sadd.s32 $0xFFFFFEF7, lr;
	s5 =	simm.s32 $0xFFFFFFFF;
	p2 =	slt.u32 s8, $0xFFFFF086  }
0x1c: {  	p1 =	slt.u32 s9, $0xF7A;
	s5 =	simm.s32 @!p2 $0x0  }
0x1d: {  	s5 =	simm.s32 @p1 $0x1;
	p0 =	seq.s32 s7, s2  }
0x1e: {  	s7 =	smul.u32 @!p0 $0xF7A, s2;
	p2 =	seq.s32 @!p0 s5, $0x0  }
0x1f: {  	s9 =	smul.u32 $0xF7A, s1;
	s8 =	simm.s32 @!p0 $0x1BF5;
	p2 =	por !p2, p0  }
0x20: {  	[sflag:s8] =	ssyncset.s32 @!p0 $0xFFFFF086;
	s6 =	sadd.s32 @!p0 s3, s7;
	s7 =	simm.s32 @!p0 $0x108  }
0x21: {  	s3 =	sadd.s32 s3, s9;
	s6 =	sadd.s32 @!p0 $0x88, s6;
	s7 =	simm.s32 @p2 $0x1082  }
0x22: {  	[simem:s7], [sflag:s8] =	dma.local @!p0 [hbm:s6], $0xF7A  }
0x23: {  	s9 =	sor.u32 $0xD0000000, s2;
	s6 =	simm.s32 $0x108;
	_ =	swait.ge @!p0 [sflag:s8], $0x0  }
0x24: {  	s3 =	sadd.s32 $0x88, s3;
	s6 =	simm.s32 @!p1 $0x1082;
	[sflag:s4] =	ssyncset.s32 $0xFFFFF086  }
0x25: {  	[simem:s6], [sflag:s4] =	dma.local [hbm:s3], $0xF7A  }
0x26: {  	[smem:$0x3F88] =	sst s1;
	(tag) =	ssettag s2;
	_ =	strace s9  }
0x27: {  	s1 =	sld [smem:$0x3F98]  }
0x28: {  	s2 =	sld [smem:$0x3F99]  }
0x29: {  	s4 =	sld [smem:$0x3F9B]  }
0x2a: {  	p0 =	seq.s32 s5, $0x0;
	s5 =	sld [smem:$0x3F9C]  }
0x2b: {  	s6 =	sld [smem:$0x3F9D]  }
0x2c: {  	s7 =	sld [smem:$0x3F9E]  }
0x2d: {  	s3 =	simm.s32 $0x108;
	s8 =	sld [smem:$0x3F9F]  }
0x2e: {  	s3 =	simm.s32 @!p0 $0x1082;
	s9 =	sld [smem:$0x3FA0]  }
0x2f: {  	lr =	sadd.s32 s0, s3;
	s0 =	sld [smem:$0x3F97]  }
0x30: {  	s3 =	sld [smem:$0x3F9A]  }
0x31: {  	[smem:$0x3FA3] =	sst s10  }
0x32: {  	s10 =	sld [smem:$0x3FA1];
	_ =	sdelay $0x3  }
0x33: {  	p0 =	seq.s32 s10, $0x1;
	s10 =	sld [smem:$0x3FA3];
	_ =	sdelay $0x3  }
0x34: {  	[smem:$0x3FA3] =	sst s10  }
0x35: {  	s10 =	sld [smem:$0x3FA2];
	_ =	sdelay $0x3  }
0x36: {  	p1 =	seq.s32 s10, $0x1;
	s10 =	sld [smem:$0x3FA3];
	_ =	sdelay $0x3  }
0x37: {  	[smem:$0x3FA3] =	sst s10  }
0x38: {  	s10 =	sld [smem:$0x3FA4]  }
0x39: {  	_ = 	snop;
	(pc) =	sbr.ind lr, $3  }
0x3a: {  	_ = 	snop  }
0x3b: {  	_ = 	snop  }
0x3c: {  	p2 =	seq.s32 s10, $0x1;
	s10 =	sld [smem:$0x3FA3]  }
0x3d: {  	_ =	shalt  }
0x3e: {  	_ =	shalt  }
0x3f: {  	_ =	shalt  }
0x40: {  	_ =	shalt  }
0x41: {  	_ =	shalt  }
0x42: {  	_ =	shalt  }
0x43: {  	_ =	shalt  }
0x44: {  	_ =	shalt  }
0x45: {  	_ =	shalt  }
0x46: {  	_ =	shalt  }
0x47: {  	_ =	shalt  }
0x48: {  	_ =	shalt  }
0x49: {  	_ =	shalt  }
0x4a: {  	_ =	shalt  }
0x4b: {  	_ =	shalt  }
0x4c: {  	_ =	shalt  }
0x4d: {  	_ =	shalt  }
0x4e: {  	_ =	shalt  }
0x4f: {  	_ =	shalt  }
0x50: {  	_ =	shalt  }
0x51: {  	_ =	shalt  }
0x52: {  	_ =	shalt  }
0x53: {  	_ =	shalt  }
0x54: {  	_ =	shalt  }
0x55: {  	_ =	shalt  }
0x56: {  	_ =	shalt  }
0x57: {  	_ =	shalt  }
0x58: {  	_ =	shalt  }
0x59: {  	_ =	shalt  }
0x5a: {  	_ =	shalt  }
0x5b: {  	_ =	shalt  }
0x5c: {  	_ =	shalt  }
0x5d: {  	_ =	shalt  }
0x5e: {  	_ =	shalt  }
0x5f: {  	_ =	shalt  }
0x60: {  	_ =	shalt  }
0x61: {  	_ =	shalt  }
0x62: {  	_ =	shalt  }
0x63: {  	_ =	shalt  }
0x64: {  	_ =	shalt  }
0x65: {  	_ =	shalt  }
0x66: {  	_ =	shalt  }
0x67: {  	_ =	shalt  }
0x68: {  	_ =	shalt  }
0x69: {  	_ =	shalt  }
0x6a: {  	_ =	shalt  }
0x6b: {  	_ =	shalt  }
0x6c: {  	_ =	shalt  }
0x6d: {  	_ =	shalt  }
0x6e: {  	_ =	shalt  }
0x6f: {  	_ =	shalt  }
0x70: {  	_ =	shalt  }
0x71: {  	_ =	shalt  }
0x72: {  	_ =	shalt  }
0x73: {  	_ =	shalt  }
0x74: {  	_ =	shalt  }
0x75: {  	_ =	shalt  }
0x76: {  	_ =	shalt  }
0x77: {  	_ =	shalt  }
0x78: {  	_ =	shalt  }
0x79: {  	_ =	shalt  }
0x7a: {  	_ =	shalt  }
0x7b: {  	_ =	shalt  }
0x7c: {  	_ =	shalt  }
0x7d: {  	_ =	shalt  }
0x7e: {  	_ =	shalt  }
0x7f: {  	_ =	shalt  }
0x80: {  	_ =	shalt  }
0x81: {  	_ =	shalt  }
0x82: {  	_ =	shalt  }
0x83: {  	_ =	shalt  }
0x84: {  	_ =	shalt  }
0x85: {  	_ =	shalt  }
0x86: {  	_ =	shalt  }
0x87: {  	_ =	shalt  }
.Lfunc_end0:
.L_simem_size_0:
called_computation.1_lowered:
.L_overlay_start_0:
0x88: {  	s2 =	sld [smem:$0x3FD9]  }
0x89: {  	s3 =	sld [smem:$0x3FFE];
	_ =	sdelay $0x1  }
0x8a: {  	s1 =	srdreg.scid  }
0x8b: {  	s0 =	sand.u32 $0x1, s1  }
0x8c: {  	s16 =	sshll.u32 s0, $0xA;
	s2 =	sadd.s32 s3, s2  }
0x8d: {  	s2 =	sadd.s32 s2, s16  }
0x8e: {  	[smem:$0x3FAF] =	sst s2  }
0x8f: {  	_ = 	snop  }
0x90: {  	(tm) =	ssettm $0x1  }
0x91: {  	s17 =	sld [smem:$0x3FFB];
	_ =	sdelay $0x3  }
0x92: {  	_ =	strace s17  }
0x93: {  	s2 =	sld [smem:$0x3FFC];
	_ =	sdelay $0x3  }
0x94: {  	_ =	strace s2  }
0x95: {  	s2 =	sld [smem:$0x3FFD];
	_ =	sdelay $0x3  }
0x96: {  	_ =	strace s2  }
0x97: {  	_ =	strace $0x8FFFFFFF  }
0x98: {  	s18 =	sld [smem:$0x3FDB];
	_ =	sdelay $0x1  }
0x99: {  	s19 =	simm.s32 $_scs_section_size  }
0x9a: {  	s4 =	simm.s32 $_size__tile_overlayer_lowered;
	s5 =	simm.s32 $_tile_overlayer_lowered  }
0x9b: {  	s22 =	simm.s32 $0x1BFF;
	s21 =	sshll.u32 s5, $0x1;
	s2 =	sadd.s32 s19, s18  }
0x9c: {  	s6 =	simm.s32 $0x0;
	s20 =	sshll.u32 s4, $0x1;
	s4 =	sadd.s32 s21, s2  }
0x9d: {  	[timem:s6], [sflag:s22] =	dma.local [hbm:s4], s20  }
0x9e: {  	_ =	swait.ge [sflag:s22], s20  }
0x9f: {  	s3 =	ssub.s32 $0x0, s20;
	[sflag:s22] =	ssyncset.done $0x0  }
0xa0: {  	[sflag:s22] =	ssyncadd.s32 s3;
	_ =	sdelay $0x1  }
0xa1: {  	s23 =	simm.s32 $0x1B8B  }
0xa2: {  	_ =	swait.ge [sflag:s23], $0x1  }
0xa3: {  	[sflag:s23] =	ssyncset.done $0x0  }
0xa4: {  	s25 =	simm.s32 $0x1B8E;
	s24 =	sld [smem:$0x3FFE];
	[sflag:s23] =	ssyncadd.s32 $0xFFFFFFFF  }
0xa5: {  	s26 =	simm.s32 $execute0_lowered;
	[smem:$0x3FD2] =	sst s25  }
0xa6: {  	s4 =	sshll.u32 s26, $0x1;
	_ =	strace $0x80000049;
	[dreg:$0x1] =	wrdreg $0xFFFFFFFF  }
0xa7: {  	s28 =	simm.s32 $_size_execute0_lowered;
	s2 =	sadd.s32 s2, s4;
	[dreg:$0x0] =	wrdreg $0x0  }
0xa8: {  	s4 =	sshll.u32 s28, $0x1;
	[dreg:$0x2] =	wrdreg s2  }
0xa9: {  	[dreg:$0x3] =	wrdreg s4  }
0xaa: {  	[dreg:$0x4] =	wrdreg $0xC0  }
0xab: {  	_ =	task [dreg:s6], $0x5FFFF  }
0xac: {  	[dreg:$0x1] =	wrdreg $0xFFFFFFFF  }
0xad: {  	[dreg:$0x0] =	wrdreg $0x60  }
0xae: {  	[dreg:$0x2] =	wrdreg s24  }
0xaf: {  	[dreg:$0x3] =	wrdreg $0x15F900  }
0xb0: {  	[dreg:$0x4] =	wrdreg $0x9  }
0xb1: {  	_ =	task.clear_ibuf [dreg:s6], $0x5FFFF;
	_ =	strace $0x90000049  }
0xb2: {  	s29 =	simm.s32 $0x9;
	_ =	strace $0x8000004B  }
0xb3: {  	_ =	swait.ge [sflag:s29], $0x1  }
0xb4: {  	[sflag:s29] =	ssyncadd.s32 $0xFFFFFFFF  }
0xb5: {  	_ =	strace $0x9000004B  }
0xb6: {  	_ =	sfence  }
0xb7: {  	s30 =	sld [smem:$0x0];
	_ =	sdelay $0x2  }
0xb8: {  	s31 =	sshll.u32 s1, $0xD;
	s1 =	sshrl.u32 s1, $0x2  }
0xb9: {  	s3 =	sand.u32 $0x4000, s31;
	s1 =	sadd.s32 s1, s30  }
0xba: {  	s0 =	sor.u32 s3, s0;
	s1 =	sshll.u32 s1, $0x11  }
0xbb: {  	s0 =	sor.u32 s1, s0  }
0xbc: {  	s0 =	sadd.s32 $0x8F2B, s0  }
0xbd: {  	[sflag:s0] =	ssyncadd.remote.s32 $0x1  }
0xbe: {  	_ =	sfence.sel $0xFFFF  }
0xbf: {  	[dreg:$0x0] =	wrdreg $0xFFFFFFFF;
	(pc) =	sbr.abs _section_cstart, $3  }
0xc0: {  	[dreg:$0x1] =	wrdreg $0xFFFFFFFF  }
0xc1: {  	_ =	task.clear_ibuf [dreg:s6], $0x2FFFF;
	_ =	strace $0x9FFFFFFF  }
0xc2: {  	(tm) =	ssettm $0x7FFFFFFF  }
0xc3: {  	_ =	shalt  }
tec
execute0_lowered:
.L_overlay_start_1:
0x0: {  	(tag) =	ssettag $0x1  }
0x1: {  	s0 =	srdreg.scid;
	s4 =	rddreg [dreg:$0x0]  }
0x2: {  	s7 =	stileid.u32;
	s1 =	rddreg [dreg:$0x1]  }
0x3: {  	s2 =	simm.s32 $0x0;
	s3 =	sand.u32 $0x1, s0;
	s29 =	sshll.u32 s7, $0x1  }
0x4: {  	s0 =	sor.u32 s3, s29;
	s8 =	smul.u32 $0x13880, s3;
	s3 =	ssub.s32 $0x2, s3  }
0x5: {  	p1 =	por $0x0, $0x0;
	[smem:$0x7FF] =	sst s2;
	s11 =	sshrl.u32 s3, $0x1  }
0x6: {  	s9 =	smul.u32 $0x1388, s7;
	s5 =	sadd.s32 $0x32C00, s4;
	s11 =	ssub.s32 s3, s11  }
0x7: {  	p0 =	sne.s32 s7, $0x0;
	s7 =	sshll.u32 s7, $0x6;
	s31 =	smax.u32 s11, $0x1  }
0x8: {  	s7 =	sor.u32 $0x1C01, s7;
	s6 =	smul.u32 $0x2710, s0;
	s14 =	sadd.s32 $0xFFFFFFFF, s31  }
0x9: {  	s0 =	rddreg [dreg:$0x2];
	_ =	strace $0x8000004A;
	p2 =	sne.s32 s14, $0x0  }
.Ltmp0:
0xa: {  	s8 =	sadd.s32 s9, s8;
	s9 =	sadd.s32 s9, s1;
	(pc) =	sbr.rel @!p2 .LBB2_3-.Ltmp0, $4  }
0xb: {  	s10 =	sadd.s32 s6, s4;
	s8 =	sshrl.u32 s8, $0x3;
	s6 =	sshrl.u32 s6, $0x3  }
0xc: {  	s11 =	sshrl.u32 @!p0 s1, $0x3;
	s9 =	sshrl.u32 s9, $0x3;
	s12 =	sadd.s32 s8, s4  }
0xd: {  	s30 =	sadd.s32 s4, s6;
	s6 =	sadd.s32 $0x48E00, s10;
	s4 =	simm.s32 $0x1  }
0xe: {  	s10 =	simm.s32 $0x2710;
	s8 =	sadd.s32 $0x3F040, s30;
	s3 =	sadd.s32 $0x97000, s12  }
0xf: {  	s12 =	simm.s32 @!p0 $0x1C01;
	s13 =	simm.s32 @!p0 $0x1  }
0x10: {  	[spmem:s11], [sflag:s12] =	dma.local @!p0 [hbm:s5], $0x2710  }
0x11: {  	_ =	swait.ge @!p0 [sflag:s13], $0x2710  }
0x12: {  	[sflag:s13] =	ssyncset.done @!p0 $0x0  }
0x13: {  	[sflag:s13] =	ssyncadd.s32 @!p0 $0xFFFFD8F0  }
0x14: {  	[bflag:$0x0] =	sbarrier.arrive $0xFFFF  }
0x15: {  	[tilespmem:s2], [sflag:$0x1] =	stream.linear.gather [hbm4b:s8+s2], $0x2710, $0x38;
	[tilespmem:$0x17318] =	vst v63  }
0x16: {  	_ =	swait.ge [sflag:s4], $0x2710  }
0x17: {  	[sflag:s4] =	ssyncset.done $0x0  }
0x18: {  	[sflag:s4] =	ssyncadd.s32 $0xFFFFD8F0  }
0x19: {  	[tilespmem:s10], [sflag:$0x1] =	stream.linear.gather [hbm4b:s6+s2], $0x13880, $0x38;
	[tilespmem:$0x17318] =	vst v63  }
0x1a: {  	_ =	swait.ge [sflag:s4], $0x13880  }
0x1b: {  	[sflag:s4] =	ssyncset.done $0x0  }
0x1c: {  	[sflag:s4] =	ssyncadd.s32 $0xFFFEC780  }
0x1d: {  	[spmem:s1] =	stream.indirect.scatter.add.f32 [tilespmem:s10], [sflag:$0x1], $0x8, s2, s10, $0xb8;
	[tilespmem:$0x17318] =	vst v63  }
0x1e: {  	s14 =	sadd.s32 $0xFFFFFFFF, s14;
	_ =	swait.ge [sflag:s4], $0x13880  }
0x1f: {  	p2 =	sne.s32 s14, $0x0;
	[sflag:s4] =	ssyncset.done $0x0  }
.Ltmp1:
0x20: {  	[sflag:s4] =	ssyncadd.s32 $0xFFFEC780;
	(pc) =	sbr.rel @!p2 .LBB2_3-.Ltmp1, $4  }
0x21: {  	[bflag:$0x0] =	sbarrier.arrive $0xFFFF  }
0x22: {  	[hbm:s3], [sflag:s7] =	dma.local [spmem:s9], $0x271  }
0x23: {  	_ =	swait.ge [sflag:s4], $0x271  }
0x24: {  	p1 =	por $0x1, $0x1;
	[sflag:s4] =	ssyncset.done $0x0  }
.LBB2_2:
0x25: {  	[sflag:s4] =	ssyncadd.s32 $0xFFFFFD8F  }
0x26: {  	[spmem:s11], [sflag:s12] =	dma.local @!p0 [hbm:s5], $0x2710  }
0x27: {  	s14 =	sadd.s32 $0xFFFFFFFF, s14;
	_ =	swait.ge @!p0 [sflag:s13], $0x2710  }
0x28: {  	p2 =	sne.s32 s14, $0x0;
	[sflag:s13] =	ssyncset.done @!p0 $0x0  }
0x29: {  	[sflag:s13] =	ssyncadd.s32 @!p0 $0xFFFFD8F0  }
0x2a: {  	[bflag:$0x0] =	sbarrier.arrive $0xFFFF  }
0x2b: {  	[tilespmem:s2], [sflag:$0x1] =	stream.linear.gather [hbm4b:s8+s2], $0x2710, $0x38;
	[tilespmem:$0x17318] =	vst v63  }
0x2c: {  	_ =	swait.ge [sflag:s4], $0x2710  }
0x2d: {  	[sflag:s4] =	ssyncset.done $0x0  }
0x2e: {  	[sflag:s4] =	ssyncadd.s32 $0xFFFFD8F0  }
0x2f: {  	[tilespmem:s10], [sflag:$0x1] =	stream.linear.gather [hbm4b:s6+s2], $0x13880, $0x38;
	[tilespmem:$0x17318] =	vst v63  }
0x30: {  	_ =	swait.ge [sflag:s4], $0x13880  }
0x31: {  	[sflag:s4] =	ssyncset.done $0x0  }
0x32: {  	[sflag:s4] =	ssyncadd.s32 $0xFFFEC780  }
0x33: {  	[spmem:s1] =	stream.indirect.scatter.add.f32 [tilespmem:s10], [sflag:$0x1], $0x8, s2, s10, $0xb8;
	[tilespmem:$0x17318] =	vst v63  }
0x34: {  	_ =	swait.ge [sflag:s4], $0x13880  }
0x35: {  	[sflag:s4] =	ssyncset.done $0x0  }
.Ltmp2:
0x36: {  	[sflag:s4] =	ssyncadd.s32 $0xFFFEC780;
	(pc) =	sbr.rel @p2 .LBB2_2-.Ltmp2, $4  }
0x37: {  	[bflag:$0x0] =	sbarrier.arrive $0xFFFF  }
0x38: {  	[hbm:s3], [sflag:s7] =	dma.local [spmem:s9], $0x271  }
0x39: {  	_ =	swait.ge [sflag:s4], $0x271  }
0x3a: {  	[sflag:s4] =	ssyncset.done $0x0  }
.LBB2_3:
0x3b: {  	s12 =	simm.s32 @!p0 $0x1C01;
	s13 =	simm.s32 @!p0 $0x1;
	[sflag:s4] =	ssyncadd.s32 @p1 $0xFFFFFD8F  }
0x3c: {  	[spmem:s11], [sflag:s12] =	dma.local @!p0 [hbm:s5], $0x2710  }
0x3d: {  	_ =	swait.ge @!p0 [sflag:s13], $0x2710  }
0x3e: {  	[sflag:s13] =	ssyncset.done @!p0 $0x0  }
0x3f: {  	[sflag:s13] =	ssyncadd.s32 @!p0 $0xFFFFD8F0  }
0x40: {  	[bflag:$0x0] =	sbarrier.arrive $0xFFFF  }
0x41: {  	[tilespmem:s2], [sflag:$0x1] =	stream.linear.gather [hbm4b:s8+s2], $0x2710, $0x38;
	[tilespmem:$0x17318] =	vst v63  }
0x42: {  	_ =	swait.ge [sflag:s4], $0x2710  }
0x43: {  	[sflag:s4] =	ssyncset.done $0x0  }
0x44: {  	[sflag:s4] =	ssyncadd.s32 $0xFFFFD8F0  }
0x45: {  	[tilespmem:s10], [sflag:$0x1] =	stream.linear.gather [hbm4b:s6+s2], $0x13880, $0x38;
	[tilespmem:$0x17318] =	vst v63  }
0x46: {  	_ =	swait.ge [sflag:s4], $0x13880  }
0x47: {  	[sflag:s4] =	ssyncset.done $0x0  }
0x48: {  	[sflag:s4] =	ssyncadd.s32 $0xFFFEC780  }
0x49: {  	[spmem:s1] =	stream.indirect.scatter.add.f32 [tilespmem:s10], [sflag:$0x1], $0x8, s2, s10, $0xb8;
	[tilespmem:$0x17318] =	vst v63  }
0x4a: {  	_ =	swait.ge [sflag:s4], $0x13880  }
0x4b: {  	[sflag:s4] =	ssyncset.done $0x0  }
0x4c: {  	[sflag:s4] =	ssyncadd.s32 $0xFFFEC780  }
0x4d: {  	[bflag:$0x0] =	sbarrier.arrive $0xFFFF  }
0x4e: {  	[hbm:s3], [sflag:s7] =	dma.local [spmem:s9], $0x271  }
0x4f: {  	_ =	swait.ge [sflag:s4], $0x271  }
0x50: {  	[sflag:s4] =	ssyncset.done $0x0  }
0x51: {  	[sflag:s4] =	ssyncadd.s32 $0xFFFFFD8F  }
0x52: {  	_ =	sfence.sel $0x180000  }
0x53: {  	[bflag:$0x0] =	sbarrier.arrive $0xFFFF  }
0x54: {  	_ =	strace $0x9000004A  }
0x55: {  	s0 =	sadd.s32 @!p0 $0x100000, s0;
	[bflag:$0x2] =	sbarrier.arrive $0xFFFF  }
0x56: {  	[sflag:s0] =	ssyncadd.tile.s32 @!p0 $0x1;
	_ =	shalt  }
.Lfunc_end2:
_tile_overlayer_lowered:
.L_overlay_start_2:
0x57: {  	(tag) =	ssettag $0x2  }
0x58: {  	s0 =	rddreg [dreg:$0x0];
	s2 =	stileid.u32  }
0x59: {  	s1 =	rddreg [dreg:$0x1];
	p0 =	sne.s32 s2, $0x0  }
0x5a: {  	s3 =	rddreg [dreg:$0x2];
	[bflag:$0x3] =	sbarrier.arrive $0xFFFF;
	s2 =	simm.s32 @!p0 $0x1C01  }
0x5b: {  	[timem:s3], [sflag:s2] =	dma.local @!p0 [hbm:s0], s1  }
0x5c: {  	s0 =	simm.s32 @!p0 $0x1  }
0x5d: {  	_ =	swait.ge @!p0 [sflag:s0], s1  }
0x5e: {  	s1 =	ssub.s32 @!p0 $0x0, s1;
	[sflag:s0] =	ssyncset.done @!p0 $0x0  }
0x5f: {  	[sflag:s0] =	ssyncadd.s32 @!p0 s1  }
0x60: {  	[bflag:$0x3] =	sbarrier.arrive $0xFFFF  }
0x61: {  	_ =	shalt  }

// kernel: kernel.21.cloned.1.call-start
scs
__scs_entry_jumppad:
0x0: {  	(pc) =	sbr.rel $0x88, $3  }
0x1: {  	(tag) =	ssettag $0x0;
	lr =	simm.s32 $0x1  }
0x2: {  	[smem:$0x3F88] =	sst lr;
	_ =	strace $0xD0000000  }
0x3: {  	_ = 	snop  }
0x4: {  	_ = 	snop  }
0x5: {  	_ = 	snop  }
0x6: {  	_ = 	snop  }
0x7: {  	_ = 	snop  }
__scs_overlays_trampoline_lowered:
0x8: {  	[smem:$0x3F97] =	sst s0  }
0x9: {  	[smem:$0x3F98] =	sst s1  }
0xa: {  	[smem:$0x3F99] =	sst s2  }
0xb: {  	[smem:$0x3F9A] =	sst s3  }
0xc: {  	[smem:$0x3F9B] =	sst s4  }
0xd: {  	[smem:$0x3F9C] =	sst s5  }
0xe: {  	[smem:$0x3F9D] =	sst s6  }
0xf: {  	[smem:$0x3F9E] =	sst s7  }
0x10: {  	[smem:$0x3F9F] =	sst s8  }
0x11: {  	[smem:$0x3FA0] =	sst s9;
	s0 =	simm.s32 @!p0 $0x0  }
0x12: {  	s1 =	sld [smem:$0x3F86];
	s0 =	simm.s32 @p0 $0x1  }
0x13: {  	[smem:$0x3FA1] =	sst s0;
	s0 =	simm.s32 @!p1 $0x0  }
0x14: {  	s2 =	sld [smem:$0x3F85];
	s0 =	simm.s32 @p1 $0x1  }
0x15: {  	[smem:$0x3FA2] =	sst s0;
	s0 =	simm.s32 @!p2 $0x0  }
0x16: {  	s3 =	sld [smem:$0x3FDB];
	s0 =	simm.s32 @p2 $0x1  }
0x17: {  	s4 =	simm.s32 $0x1BF5;
	[smem:$0x3FA4] =	sst s0  }
0x18: {  	s0 =	sld [smem:$0x3F87];
	_ =	swait.ge [sflag:s4], $0x0  }
0x19: {  	s7 =	sld [smem:$0x3F88]  }
0x1a: {  	s8 =	sadd.s32 $0xFFFFE003, lr  }
0x1b: {  	s9 =	sadd.s32 $0xFFFFFEF7, lr;
	s5 =	simm.s32 $0xFFFFFFFF;
	p2 =	slt.u32 s8, $0xFFFFF086  }
0x1c: {  	p1 =	slt.u32 s9, $0xF7A;
	s5 =	simm.s32 @!p2 $0x0  }
0x1d: {  	s5 =	simm.s32 @p1 $0x1;
	p0 =	seq.s32 s7, s2  }
0x1e: {  	s7 =	smul.u32 @!p0 $0xF7A, s2;
	p2 =	seq.s32 @!p0 s5, $0x0  }
0x1f: {  	s9 =	smul.u32 $0xF7A, s1;
	s8 =	simm.s32 @!p0 $0x1BF5;
	p2 =	por !p2, p0  }
0x20: {  	[sflag:s8] =	ssyncset.s32 @!p0 $0xFFFFF086;
	s6 =	sadd.s32 @!p0 s3, s7;
	s7 =	simm.s32 @!p0 $0x108  }
0x21: {  	s3 =	sadd.s32 s3, s9;
	s6 =	sadd.s32 @!p0 $0x88, s6;
	s7 =	simm.s32 @p2 $0x1082  }
0x22: {  	[simem:s7], [sflag:s8] =	dma.local @!p0 [hbm:s6], $0xF7A  }
0x23: {  	s9 =	sor.u32 $0xD0000000, s2;
	s6 =	simm.s32 $0x108;
	_ =	swait.ge @!p0 [sflag:s8], $0x0  }
0x24: {  	s3 =	sadd.s32 $0x88, s3;
	s6 =	simm.s32 @!p1 $0x1082;
	[sflag:s4] =	ssyncset.s32 $0xFFFFF086  }
0x25: {  	[simem:s6], [sflag:s4] =	dma.local [hbm:s3], $0xF7A  }
0x26: {  	[smem:$0x3F88] =	sst s1;
	(tag) =	ssettag s2;
	_ =	strace s9  }
0x27: {  	s1 =	sld [smem:$0x3F98]  }
0x28: {  	s2 =	sld [smem:$0x3F99]  }
0x29: {  	s4 =	sld [smem:$0x3F9B]  }
0x2a: {  	p0 =	seq.s32 s5, $0x0;
	s5 =	sld [smem:$0x3F9C]  }
0x2b: {  	s6 =	sld [smem:$0x3F9D]  }
0x2c: {  	s7 =	sld [smem:$0x3F9E]  }
0x2d: {  	s3 =	simm.s32 $0x108;
	s8 =	sld [smem:$0x3F9F]  }
0x2e: {  	s3 =	simm.s32 @!p0 $0x1082;
	s9 =	sld [smem:$0x3FA0]  }
0x2f: {  	lr =	sadd.s32 s0, s3;
	s0 =	sld [smem:$0x3F97]  }
0x30: {  	s3 =	sld [smem:$0x3F9A]  }
0x31: {  	[smem:$0x3FA3] =	sst s10  }
0x32: {  	s10 =	sld [smem:$0x3FA1];
	_ =	sdelay $0x3  }
0x33: {  	p0 =	seq.s32 s10, $0x1;
	s10 =	sld [smem:$0x3FA3];
	_ =	sdelay $0x3  }
0x34: {  	[smem:$0x3FA3] =	sst s10  }
0x35: {  	s10 =	sld [smem:$0x3FA2];
	_ =	sdelay $0x3  }
0x36: {  	p1 =	seq.s32 s10, $0x1;
	s10 =	sld [smem:$0x3FA3];
	_ =	sdelay $0x3  }
0x37: {  	[smem:$0x3FA3] =	sst s10  }
0x38: {  	s10 =	sld [smem:$0x3FA4]  }
0x39: {  	_ = 	snop;
	(pc) =	sbr.ind lr, $3  }
0x3a: {  	_ = 	snop  }
0x3b: {  	_ = 	snop  }
0x3c: {  	p2 =	seq.s32 s10, $0x1;
	s10 =	sld [smem:$0x3FA3]  }
0x3d: {  	_ =	shalt  }
0x3e: {  	_ =	shalt  }
0x3f: {  	_ =	shalt  }
0x40: {  	_ =	shalt  }
0x41: {  	_ =	shalt  }
0x42: {  	_ =	shalt  }
0x43: {  	_ =	shalt  }
0x44: {  	_ =	shalt  }
0x45: {  	_ =	shalt  }
0x46: {  	_ =	shalt  }
0x47: {  	_ =	shalt  }
0x48: {  	_ =	shalt  }
0x49: {  	_ =	shalt  }
0x4a: {  	_ =	shalt  }
0x4b: {  	_ =	shalt  }
0x4c: {  	_ =	shalt  }
0x4d: {  	_ =	shalt  }
0x4e: {  	_ =	shalt  }
0x4f: {  	_ =	shalt  }
0x50: {  	_ =	shalt  }
0x51: {  	_ =	shalt  }
0x52: {  	_ =	shalt  }
0x53: {  	_ =	shalt  }
0x54: {  	_ =	shalt  }
0x55: {  	_ =	shalt  }
0x56: {  	_ =	shalt  }
0x57: {  	_ =	shalt  }
0x58: {  	_ =	shalt  }
0x59: {  	_ =	shalt  }
0x5a: {  	_ =	shalt  }
0x5b: {  	_ =	shalt  }
0x5c: {  	_ =	shalt  }
0x5d: {  	_ =	shalt  }
0x5e: {  	_ =	shalt  }
0x5f: {  	_ =	shalt  }
0x60: {  	_ =	shalt  }
0x61: {  	_ =	shalt  }
0x62: {  	_ =	shalt  }
0x63: {  	_ =	shalt  }
0x64: {  	_ =	shalt  }
0x65: {  	_ =	shalt  }
0x66: {  	_ =	shalt  }
0x67: {  	_ =	shalt  }
0x68: {  	_ =	shalt  }
0x69: {  	_ =	shalt  }
0x6a: {  	_ =	shalt  }
0x6b: {  	_ =	shalt  }
0x6c: {  	_ =	shalt  }
0x6d: {  	_ =	shalt  }
0x6e: {  	_ =	shalt  }
0x6f: {  	_ =	shalt  }
0x70: {  	_ =	shalt  }
0x71: {  	_ =	shalt  }
0x72: {  	_ =	shalt  }
0x73: {  	_ =	shalt  }
0x74: {  	_ =	shalt  }
0x75: {  	_ =	shalt  }
0x76: {  	_ =	shalt  }
0x77: {  	_ =	shalt  }
0x78: {  	_ =	shalt  }
0x79: {  	_ =	shalt  }
0x7a: {  	_ =	shalt  }
0x7b: {  	_ =	shalt  }
0x7c: {  	_ =	shalt  }
0x7d: {  	_ =	shalt  }
0x7e: {  	_ =	shalt  }
0x7f: {  	_ =	shalt  }
0x80: {  	_ =	shalt  }
0x81: {  	_ =	shalt  }
0x82: {  	_ =	shalt  }
0x83: {  	_ =	shalt  }
0x84: {  	_ =	shalt  }
0x85: {  	_ =	shalt  }
0x86: {  	_ =	shalt  }
0x87: {  	_ =	shalt  }
.Lfunc_end0:
.L_simem_size_0:
called_computation.2_lowered:
.L_overlay_start_0:
0x88: {  	s2 =	sld [smem:$0x3FD9]  }
0x89: {  	s3 =	sld [smem:$0x3FFE];
	_ =	sdelay $0x1  }
0x8a: {  	s1 =	srdreg.scid  }
0x8b: {  	s0 =	sand.u32 $0x1, s1  }
0x8c: {  	s16 =	sshll.u32 s0, $0xA;
	s2 =	sadd.s32 s3, s2  }
0x8d: {  	s2 =	sadd.s32 s2, s16  }
0x8e: {  	[smem:$0x3FAF] =	sst s2  }
0x8f: {  	_ = 	snop  }
0x90: {  	(tm) =	ssettm $0x1  }
0x91: {  	s17 =	sld [smem:$0x3FFB];
	_ =	sdelay $0x3  }
0x92: {  	_ =	strace s17  }
0x93: {  	s2 =	sld [smem:$0x3FFC];
	_ =	sdelay $0x3  }
0x94: {  	_ =	strace s2  }
0x95: {  	s2 =	sld [smem:$0x3FFD];
	_ =	sdelay $0x3  }
0x96: {  	_ =	strace s2  }
0x97: {  	_ =	strace $0x8FFFFFFF  }
0x98: {  	s18 =	sld [smem:$0x3FDB];
	_ =	sdelay $0x1  }
0x99: {  	s19 =	simm.s32 $_scs_section_size  }
0x9a: {  	s4 =	simm.s32 $_size__tile_overlayer_lowered;
	s5 =	simm.s32 $_tile_overlayer_lowered  }
0x9b: {  	s22 =	simm.s32 $0x1BFF;
	s21 =	sshll.u32 s5, $0x1;
	s2 =	sadd.s32 s19, s18  }
0x9c: {  	s6 =	simm.s32 $0x0;
	s20 =	sshll.u32 s4, $0x1;
	s4 =	sadd.s32 s21, s2  }
0x9d: {  	[timem:s6], [sflag:s22] =	dma.local [hbm:s4], s20  }
0x9e: {  	_ =	swait.ge [sflag:s22], s20  }
0x9f: {  	s3 =	ssub.s32 $0x0, s20;
	[sflag:s22] =	ssyncset.done $0x0  }
0xa0: {  	[sflag:s22] =	ssyncadd.s32 s3;
	_ =	sdelay $0x1  }
0xa1: {  	s23 =	simm.s32 $0x1B8B  }
0xa2: {  	_ =	swait.ge [sflag:s23], $0x1  }
0xa3: {  	[sflag:s23] =	ssyncset.done $0x0  }
0xa4: {  	s25 =	simm.s32 $0x1B8E;
	s24 =	sld [smem:$0x3FFE];
	[sflag:s23] =	ssyncadd.s32 $0xFFFFFFFF  }
0xa5: {  	s26 =	simm.s32 $execute0_lowered;
	[smem:$0x3FD2] =	sst s25  }
0xa6: {  	s4 =	sshll.u32 s26, $0x1;
	_ =	strace $0x8000004C;
	[dreg:$0x1] =	wrdreg $0xFFFFFFFF  }
0xa7: {  	s28 =	simm.s32 $_size_execute0_lowered;
	s2 =	sadd.s32 s2, s4;
	[dreg:$0x0] =	wrdreg $0x0  }
0xa8: {  	s4 =	sshll.u32 s28, $0x1;
	[dreg:$0x2] =	wrdreg s2  }
0xa9: {  	[dreg:$0x3] =	wrdreg s4  }
0xaa: {  	[dreg:$0x4] =	wrdreg $0xC0  }
0xab: {  	_ =	task [dreg:s6], $0x5FFFF  }
0xac: {  	[dreg:$0x1] =	wrdreg $0xFFFFFFFF  }
0xad: {  	[dreg:$0x0] =	wrdreg $0x60  }
0xae: {  	[dreg:$0x2] =	wrdreg s24  }
0xaf: {  	[dreg:$0x3] =	wrdreg $0x9  }
0xb0: {  	_ =	task.clear_ibuf [dreg:s6], $0x4FFFF;
	_ =	strace $0x9000004C  }
0xb1: {  	s29 =	simm.s32 $0x9;
	_ =	strace $0x8000004E  }
0xb2: {  	_ =	swait.ge [sflag:s29], $0x1  }
0xb3: {  	[sflag:s29] =	ssyncadd.s32 $0xFFFFFFFF  }
0xb4: {  	_ =	strace $0x9000004E  }
0xb5: {  	_ =	sfence  }
0xb6: {  	s30 =	sld [smem:$0x0];
	_ =	sdelay $0x2  }
0xb7: {  	s31 =	sshll.u32 s1, $0xD;
	s1 =	sshrl.u32 s1, $0x2  }
0xb8: {  	s3 =	sand.u32 $0x4000, s31;
	s1 =	sadd.s32 s1, s30  }
0xb9: {  	s0 =	sor.u32 s3, s0;
	s1 =	sshll.u32 s1, $0x11  }
0xba: {  	s0 =	sor.u32 s1, s0  }
0xbb: {  	s0 =	sadd.s32 $0x8F2B, s0  }
0xbc: {  	[sflag:s0] =	ssyncadd.remote.s32 $0x1  }
0xbd: {  	_ =	sfence.sel $0xFFFF  }
0xbe: {  	[dreg:$0x0] =	wrdreg $0xFFFFFFFF;
	(pc) =	sbr.abs _section_cstart, $3  }
0xbf: {  	[dreg:$0x1] =	wrdreg $0xFFFFFFFF  }
0xc0: {  	_ =	task.clear_ibuf [dreg:s6], $0x2FFFF;
	_ =	strace $0x9FFFFFFF  }
0xc1: {  	(tm) =	ssettm $0x7FFFFFFF  }
tec
execute0_lowered:
.L_overlay_start_1:
0x0: {  	(tag) =	ssettag $0x1  }
0x1: {  	s1 =	srdreg.scid;
	s0 =	stileid.u32  }
0x2: {  	s17 =	sand.u32 $0x1, s1;
	s29 =	sshll.u32 s0, $0x1  }
0x3: {  	s1 =	sor.u32 s17, s29  }
0x4: {  	s18 =	smul.u32 $0x2710, s1  }
0x5: {  	s16 =	rddreg [dreg:$0x0]  }
0x6: {  	s2 =	simm.s32 $0x0;
	s15 =	sadd.s32 $0x35400, s16;
	s3 =	sshrl.u32 s18, $0x3  }
0x7: {  	s4 =	simm.s32 $0x3;
	[smem:$0x7FF] =	sst s2;
	s3 =	sadd.s32 s15, s3  }
0x8: {  	s1 =	rddreg [dreg:$0x1];
	_ =	strace $0x8000004D;
	s5 =	sadd.s32 $0x9C40, s3  }
0x9: {  	[tilespmem:s2], [sflag:$0x3] =	stream.linear.gather [hbm4b:s5+s2], $0x1388, $0x38;
	[tilespmem:$0x15F90] =	vst v63  }
0xa: {  	s8 =	simm.s32 $0x2710;
	_ =	swait.ge [sflag:s4], $0x1388  }
0xb: {  	s6 =	sadd.s32 $0x133600, s16;
	s7 =	sadd.s32 $0x4F588, s18;
	[sflag:s4] =	ssyncset.done $0x0  }
0xc: {  	s9 =	sshrl.u32 s7, $0x3;
	s7 =	simm.s32 $0x1388;
	[sflag:s4] =	ssyncadd.s32 $0xFFFFEC78  }
0xd: {  	[tilespmem:s8], [sflag:$0x1] =	stream.indirect.gather [hbm4b:s6+s7], $0x8, s2, s7, $0xb8;
	[tilespmem:$0x15F90] =	vst v63  }
0xe: {  	s9 =	sadd.s32 s15, s9  }
0xf: {  	[tilespmem:s7], [sflag:$0x3] =	stream.linear.gather [hbm4b:s9+s2], $0x1388, $0x38;
	[tilespmem:$0x15F90] =	vst v63  }
0x10: {  	_ =	swait.ge [sflag:s4], $0x1388  }
0x11: {  	[sflag:s4] =	ssyncset.done $0x0  }
0x12: {  	s10 =	simm.s32 $0xC350;
	s11 =	simm.s32 $0x1;
	[sflag:s4] =	ssyncadd.s32 $0xFFFFEC78  }
0x13: {  	[tilespmem:s10], [sflag:$0x2] =	stream.indirect.gather [hbm4b:s6+s7], $0x8, s7, s7, $0xb8;
	[tilespmem:$0x15F90] =	vst v63  }
0x14: {  	_ =	swait.ge [sflag:s11], $0x9C40  }
0x15: {  	s14 =	sadd.s32 $0x48E00, s16;
	[sflag:s11] =	ssyncset.done $0x0  }
0x16: {  	s12 =	sadd.s32 s14, s18;
	[sflag:s11] =	ssyncadd.s32 $0xFFFF63C0  }
0x17: {  	[hbm4b:s12+s2] =	stream.linear.scatter [tilespmem:s8], [sflag:$0x3], $0x9C40, $0x38;
	[tilespmem:$0x15F90] =	vst v63  }
0x18: {  	_ =	swait.ge [sflag:s4], $0x9C40  }
0x19: {  	[sflag:s4] =	ssyncset.done $0x0  }
0x1a: {  	[sflag:s4] =	ssyncadd.s32 $0xFFFF63C0  }
0x1b: {  	[tilespmem:s2], [sflag:$0x3] =	stream.linear.gather [hbm4b:s3+s2], $0x1388, $0x38;
	[tilespmem:$0x15F90] =	vst v63  }
0x1c: {  	_ =	swait.ge [sflag:s4], $0x1388  }
0x1d: {  	[sflag:s4] =	ssyncset.done $0x0  }
0x1e: {  	s13 =	simm.s32 $0x2;
	[sflag:s4] =	ssyncadd.s32 $0xFFFFEC78  }
0x1f: {  	[tilespmem:s8], [sflag:$0x1] =	stream.indirect.gather [hbm4b:s6+s7], $0x8, s2, s7, $0xb8;
	[tilespmem:$0x15F90] =	vst v63  }
0x20: {  	_ =	swait.ge [sflag:s13], $0x9C40  }
0x21: {  	s19 =	sadd.s32 $0x1388, s18;
	[sflag:s13] =	ssyncset.done $0x0  }
0x22: {  	s14 =	sadd.s32 s14, s19;
	[sflag:s13] =	ssyncadd.s32 $0xFFFF63C0  }
0x23: {  	[hbm4b:s14+s2] =	stream.linear.scatter [tilespmem:s10], [sflag:$0x3], $0x9C40, $0x38;
	[tilespmem:$0x15F90] =	vst v63  }
0x24: {  	_ =	swait.ge [sflag:s4], $0x9C40  }
0x25: {  	s20 =	sshrl.u32 s19, $0x3;
	[sflag:s4] =	ssyncset.done $0x0  }
0x26: {  	s15 =	sadd.s32 s15, s20;
	[sflag:s4] =	ssyncadd.s32 $0xFFFF63C0  }
0x27: {  	[tilespmem:s7], [sflag:$0x3] =	stream.linear.gather [hbm4b:s15+s2], $0x1388, $0x38;
	[tilespmem:$0x15F90] =	vst v63  }
0x28: {  	_ =	swait.ge [sflag:s4], $0x1388  }
0x29: {  	[sflag:s4] =	ssyncset.done $0x0  }
0x2a: {  	[sflag:s4] =	ssyncadd.s32 $0xFFFFEC78  }
0x2b: {  	[tilespmem:s10], [sflag:$0x2] =	stream.indirect.gather [hbm4b:s6+s7], $0x8, s7, s7, $0xb8;
	[tilespmem:$0x15F90] =	vst v63  }
0x2c: {  	_ =	swait.ge [sflag:s11], $0x9C40  }
0x2d: {  	s30 =	sadd.s32 $0x97000, s16;
	[sflag:s11] =	ssyncset.done $0x0  }
0x2e: {  	s17 =	ssub.s32 $0x2, s17;
	s16 =	sadd.s32 s30, s18;
	[sflag:s11] =	ssyncadd.s32 $0xFFFF63C0  }
0x2f: {  	[hbm4b:s16+s2] =	stream.linear.scatter [tilespmem:s8], [sflag:$0x3], $0x9C40, $0x38;
	[tilespmem:$0x15F90] =	vst v63  }
0x30: {  	s31 =	sshrl.u32 s17, $0x1;
	_ =	swait.ge [sflag:s4], $0x9C40  }
0x31: {  	s18 =	ssub.s32 s17, s31;
	[sflag:s4] =	ssyncset.done $0x0  }
0x32: {  	s18 =	smax.u32 s18, $0x1;
	[sflag:s4] =	ssyncadd.s32 $0xFFFF63C0  }
0x33: {  	p0 =	sne.s32 s18, $0x1;
	_ =	swait.ge [sflag:s13], $0x9C40  }
.Ltmp0:
0x34: {  	[sflag:s13] =	ssyncset.done $0x0;
	(pc) =	sbr.rel @!p0 .LBB2_2-.Ltmp0, $4  }
0x35: {  	s17 =	sadd.s32 s30, s19;
	[sflag:s13] =	ssyncadd.s32 $0xFFFF63C0  }
0x36: {  	[hbm4b:s17+s2] =	stream.linear.scatter [tilespmem:s10], [sflag:$0x3], $0x9C40, $0x38;
	[tilespmem:$0x15F90] =	vst v63  }
0x37: {  	_ =	swait.ge [sflag:s4], $0x9C40  }
0x38: {  	s18 =	sadd.s32 $0xFFFFFFFF, s18;
	[sflag:s4] =	ssyncset.done $0x0  }
.LBB2_1:
0x39: {  	p0 =	sne.s32 s18, $0x1;
	s18 =	sadd.s32 $0xFFFFFFFF, s18;
	[sflag:s4] =	ssyncadd.s32 $0xFFFF63C0  }
0x3a: {  	[tilespmem:s2], [sflag:$0x3] =	stream.linear.gather [hbm4b:s5+s2], $0x1388, $0x38;
	[tilespmem:$0x15F90] =	vst v63  }
0x3b: {  	_ =	swait.ge [sflag:s4], $0x1388  }
0x3c: {  	[sflag:s4] =	ssyncset.done $0x0  }
0x3d: {  	[sflag:s4] =	ssyncadd.s32 $0xFFFFEC78  }
0x3e: {  	[tilespmem:s8], [sflag:$0x1] =	stream.indirect.gather [hbm4b:s6+s7], $0x8, s2, s7, $0xb8;
	[tilespmem:$0x15F90] =	vst v63  }
0x3f: {  	_ = 	snop  }
0x40: {  	[tilespmem:s7], [sflag:$0x3] =	stream.linear.gather [hbm4b:s9+s2], $0x1388, $0x38;
	[tilespmem:$0x15F90] =	vst v63  }
0x41: {  	_ =	swait.ge [sflag:s4], $0x1388  }
0x42: {  	[sflag:s4] =	ssyncset.done $0x0  }
0x43: {  	[sflag:s4] =	ssyncadd.s32 $0xFFFFEC78  }
0x44: {  	[tilespmem:s10], [sflag:$0x2] =	stream.indirect.gather [hbm4b:s6+s7], $0x8, s7, s7, $0xb8;
	[tilespmem:$0x15F90] =	vst v63  }
0x45: {  	_ =	swait.ge [sflag:s11], $0x9C40  }
0x46: {  	[sflag:s11] =	ssyncset.done $0x0  }
0x47: {  	[sflag:s11] =	ssyncadd.s32 $0xFFFF63C0  }
0x48: {  	[hbm4b:s12+s2] =	stream.linear.scatter [tilespmem:s8], [sflag:$0x3], $0x9C40, $0x38;
	[tilespmem:$0x15F90] =	vst v63  }
0x49: {  	_ =	swait.ge [sflag:s4], $0x9C40  }
0x4a: {  	[sflag:s4] =	ssyncset.done $0x0  }
0x4b: {  	[sflag:s4] =	ssyncadd.s32 $0xFFFF63C0  }
0x4c: {  	[tilespmem:s2], [sflag:$0x3] =	stream.linear.gather [hbm4b:s3+s2], $0x1388, $0x38;
	[tilespmem:$0x15F90] =	vst v63  }
0x4d: {  	_ =	swait.ge [sflag:s4], $0x1388  }
0x4e: {  	[sflag:s4] =	ssyncset.done $0x0  }
0x4f: {  	[sflag:s4] =	ssyncadd.s32 $0xFFFFEC78  }
0x50: {  	[tilespmem:s8], [sflag:$0x1] =	stream.indirect.gather [hbm4b:s6+s7], $0x8, s2, s7, $0xb8;
	[tilespmem:$0x15F90] =	vst v63  }
0x51: {  	_ =	swait.ge [sflag:s13], $0x9C40  }
0x52: {  	[sflag:s13] =	ssyncset.done $0x0  }
0x53: {  	[sflag:s13] =	ssyncadd.s32 $0xFFFF63C0  }
0x54: {  	[hbm4b:s14+s2] =	stream.linear.scatter [tilespmem:s10], [sflag:$0x3], $0x9C40, $0x38;
	[tilespmem:$0x15F90] =	vst v63  }
0x55: {  	_ =	swait.ge [sflag:s4], $0x9C40  }
0x56: {  	[sflag:s4] =	ssyncset.done $0x0  }
0x57: {  	[sflag:s4] =	ssyncadd.s32 $0xFFFF63C0  }
0x58: {  	[tilespmem:s7], [sflag:$0x3] =	stream.linear.gather [hbm4b:s15+s2], $0x1388, $0x38;
	[tilespmem:$0x15F90] =	vst v63  }
0x59: {  	_ =	swait.ge [sflag:s4], $0x1388  }
0x5a: {  	[sflag:s4] =	ssyncset.done $0x0  }
0x5b: {  	[sflag:s4] =	ssyncadd.s32 $0xFFFFEC78  }
0x5c: {  	[tilespmem:s10], [sflag:$0x2] =	stream.indirect.gather [hbm4b:s6+s7], $0x8, s7, s7, $0xb8;
	[tilespmem:$0x15F90] =	vst v63  }
0x5d: {  	_ =	swait.ge [sflag:s11], $0x9C40  }
0x5e: {  	[sflag:s11] =	ssyncset.done $0x0  }
0x5f: {  	[sflag:s11] =	ssyncadd.s32 $0xFFFF63C0  }
0x60: {  	[hbm4b:s16+s2] =	stream.linear.scatter [tilespmem:s8], [sflag:$0x3], $0x9C40, $0x38;
	[tilespmem:$0x15F90] =	vst v63  }
0x61: {  	_ =	swait.ge [sflag:s4], $0x9C40  }
0x62: {  	[sflag:s4] =	ssyncset.done $0x0  }
0x63: {  	[sflag:s4] =	ssyncadd.s32 $0xFFFF63C0  }
0x64: {  	_ =	swait.ge [sflag:s13], $0x9C40  }
.Ltmp1:
0x65: {  	[sflag:s13] =	ssyncset.done $0x0;
	(pc) =	sbr.rel @p0 .LBB2_1-.Ltmp1, $4  }
0x66: {  	[sflag:s13] =	ssyncadd.s32 $0xFFFF63C0  }
0x67: {  	[hbm4b:s17+s2] =	stream.linear.scatter [tilespmem:s10], [sflag:$0x3], $0x9C40, $0x38;
	[tilespmem:$0x15F90] =	vst v63  }
0x68: {  	_ =	swait.ge [sflag:s4], $0x9C40  }
0x69: {  	[sflag:s4] =	ssyncset.done $0x0  }
.LBB2_2:
0x6a: {  	[sflag:s4] =	ssyncadd.s32 $0xFFFF63C0  }
0x6b: {  	_ =	sfence.sel $0x180000  }
0x6c: {  	[bflag:$0x0] =	sbarrier.arrive $0xFFFF  }
0x6d: {  	p0 =	sne.s32 s0, $0x0;
	_ =	strace $0x9000004D  }
0x6e: {  	s0 =	sadd.s32 @!p0 $0x100000, s1;
	[bflag:$0x2] =	sbarrier.arrive $0xFFFF  }
0x6f: {  	[sflag:s0] =	ssyncadd.tile.s32 @!p0 $0x1;
	_ =	shalt  }
.Lfunc_end2:
_tile_overlayer_lowered:
.L_overlay_start_2:
0x70: {  	(tag) =	ssettag $0x2  }
0x71: {  	s0 =	rddreg [dreg:$0x0];
	s2 =	stileid.u32  }
0x72: {  	s1 =	rddreg [dreg:$0x1];
	p0 =	sne.s32 s2, $0x0  }
0x73: {  	s3 =	rddreg [dreg:$0x2];
	[bflag:$0x3] =	sbarrier.arrive $0xFFFF;
	s2 =	simm.s32 @!p0 $0x1C03  }
0x74: {  	[timem:s3], [sflag:s2] =	dma.local @!p0 [hbm:s0], s1  }
0x75: {  	s0 =	simm.s32 @!p0 $0x3  }
0x76: {  	_ =	swait.ge @!p0 [sflag:s0], s1  }
0x77: {  	s1 =	ssub.s32 @!p0 $0x0, s1;
	[sflag:s0] =	ssyncset.done @!p0 $0x0  }
0x78: {  	[sflag:s0] =	ssyncadd.s32 @!p0 s1  }
0x79: {  	[bflag:$0x3] =	sbarrier.arrive $0xFFFF  }
0x7a: {  	_ =	shalt  }

// kernel: kernel.24.cloned.1.call-start
scs
__scs_entry_jumppad:
0x0: {  	(pc) =	sbr.rel $0x88, $3  }
0x1: {  	(tag) =	ssettag $0x0;
	lr =	simm.s32 $0x1  }
0x2: {  	[smem:$0x3F88] =	sst lr;
	_ =	strace $0xD0000000  }
0x3: {  	_ = 	snop  }
0x4: {  	_ = 	snop  }
0x5: {  	_ = 	snop  }
0x6: {  	_ = 	snop  }
0x7: {  	_ = 	snop  }
__scs_overlays_trampoline_lowered:
0x8: {  	[smem:$0x3F97] =	sst s0  }
0x9: {  	[smem:$0x3F98] =	sst s1  }
0xa: {  	[smem:$0x3F99] =	sst s2  }
0xb: {  	[smem:$0x3F9A] =	sst s3  }
0xc: {  	[smem:$0x3F9B] =	sst s4  }
0xd: {  	[smem:$0x3F9C] =	sst s5  }
0xe: {  	[smem:$0x3F9D] =	sst s6  }
0xf: {  	[smem:$0x3F9E] =	sst s7  }
0x10: {  	[smem:$0x3F9F] =	sst s8  }
0x11: {  	[smem:$0x3FA0] =	sst s9;
	s0 =	simm.s32 @!p0 $0x0  }
0x12: {  	s1 =	sld [smem:$0x3F86];
	s0 =	simm.s32 @p0 $0x1  }
0x13: {  	[smem:$0x3FA1] =	sst s0;
	s0 =	simm.s32 @!p1 $0x0  }
0x14: {  	s2 =	sld [smem:$0x3F85];
	s0 =	simm.s32 @p1 $0x1  }
0x15: {  	[smem:$0x3FA2] =	sst s0;
	s0 =	simm.s32 @!p2 $0x0  }
0x16: {  	s3 =	sld [smem:$0x3FDB];
	s0 =	simm.s32 @p2 $0x1  }
0x17: {  	s4 =	simm.s32 $0x1BF5;
	[smem:$0x3FA4] =	sst s0  }
0x18: {  	s0 =	sld [smem:$0x3F87];
	_ =	swait.ge [sflag:s4], $0x0  }
0x19: {  	s7 =	sld [smem:$0x3F88]  }
0x1a: {  	s8 =	sadd.s32 $0xFFFFE003, lr  }
0x1b: {  	s9 =	sadd.s32 $0xFFFFFEF7, lr;
	s5 =	simm.s32 $0xFFFFFFFF;
	p2 =	slt.u32 s8, $0xFFFFF086  }
0x1c: {  	p1 =	slt.u32 s9, $0xF7A;
	s5 =	simm.s32 @!p2 $0x0  }
0x1d: {  	s5 =	simm.s32 @p1 $0x1;
	p0 =	seq.s32 s7, s2  }
0x1e: {  	s7 =	smul.u32 @!p0 $0xF7A, s2;
	p2 =	seq.s32 @!p0 s5, $0x0  }
0x1f: {  	s9 =	smul.u32 $0xF7A, s1;
	s8 =	simm.s32 @!p0 $0x1BF5;
	p2 =	por !p2, p0  }
0x20: {  	[sflag:s8] =	ssyncset.s32 @!p0 $0xFFFFF086;
	s6 =	sadd.s32 @!p0 s3, s7;
	s7 =	simm.s32 @!p0 $0x108  }
0x21: {  	s3 =	sadd.s32 s3, s9;
	s6 =	sadd.s32 @!p0 $0x88, s6;
	s7 =	simm.s32 @p2 $0x1082  }
0x22: {  	[simem:s7], [sflag:s8] =	dma.local @!p0 [hbm:s6], $0xF7A  }
0x23: {  	s9 =	sor.u32 $0xD0000000, s2;
	s6 =	simm.s32 $0x108;
	_ =	swait.ge @!p0 [sflag:s8], $0x0  }
0x24: {  	s3 =	sadd.s32 $0x88, s3;
	s6 =	simm.s32 @!p1 $0x1082;
	[sflag:s4] =	ssyncset.s32 $0xFFFFF086  }
0x25: {  	[simem:s6], [sflag:s4] =	dma.local [hbm:s3], $0xF7A  }
0x26: {  	[smem:$0x3F88] =	sst s1;
	(tag) =	ssettag s2;
	_ =	strace s9  }
0x27: {  	s1 =	sld [smem:$0x3F98]  }
0x28: {  	s2 =	sld [smem:$0x3F99]  }
0x29: {  	s4 =	sld [smem:$0x3F9B]  }
0x2a: {  	p0 =	seq.s32 s5, $0x0;
	s5 =	sld [smem:$0x3F9C]  }
0x2b: {  	s6 =	sld [smem:$0x3F9D]  }
0x2c: {  	s7 =	sld [smem:$0x3F9E]  }
0x2d: {  	s3 =	simm.s32 $0x108;
	s8 =	sld [smem:$0x3F9F]  }
0x2e: {  	s3 =	simm.s32 @!p0 $0x1082;
	s9 =	sld [smem:$0x3FA0]  }
0x2f: {  	lr =	sadd.s32 s0, s3;
	s0 =	sld [smem:$0x3F97]  }
0x30: {  	s3 =	sld [smem:$0x3F9A]  }
0x31: {  	[smem:$0x3FA3] =	sst s10  }
0x32: {  	s10 =	sld [smem:$0x3FA1];
	_ =	sdelay $0x3  }
0x33: {  	p0 =	seq.s32 s10, $0x1;
	s10 =	sld [smem:$0x3FA3];
	_ =	sdelay $0x3  }
0x34: {  	[smem:$0x3FA3] =	sst s10  }
0x35: {  	s10 =	sld [smem:$0x3FA2];
	_ =	sdelay $0x3  }
0x36: {  	p1 =	seq.s32 s10, $0x1;
	s10 =	sld [smem:$0x3FA3];
	_ =	sdelay $0x3  }
0x37: {  	[smem:$0x3FA3] =	sst s10  }
0x38: {  	s10 =	sld [smem:$0x3FA4]  }
0x39: {  	_ = 	snop;
	(pc) =	sbr.ind lr, $3  }
0x3a: {  	_ = 	snop  }
0x3b: {  	_ = 	snop  }
0x3c: {  	p2 =	seq.s32 s10, $0x1;
	s10 =	sld [smem:$0x3FA3]  }
0x3d: {  	_ =	shalt  }
0x3e: {  	_ =	shalt  }
0x3f: {  	_ =	shalt  }
0x40: {  	_ =	shalt  }
0x41: {  	_ =	shalt  }
0x42: {  	_ =	shalt  }
0x43: {  	_ =	shalt  }
0x44: {  	_ =	shalt  }
0x45: {  	_ =	shalt  }
0x46: {  	_ =	shalt  }
0x47: {  	_ =	shalt  }
0x48: {  	_ =	shalt  }
0x49: {  	_ =	shalt  }
0x4a: {  	_ =	shalt  }
0x4b: {  	_ =	shalt  }
0x4c: {  	_ =	shalt  }
0x4d: {  	_ =	shalt  }
0x4e: {  	_ =	shalt  }
0x4f: {  	_ =	shalt  }
0x50: {  	_ =	shalt  }
0x51: {  	_ =	shalt  }
0x52: {  	_ =	shalt  }
0x53: {  	_ =	shalt  }
0x54: {  	_ =	shalt  }
0x55: {  	_ =	shalt  }
0x56: {  	_ =	shalt  }
0x57: {  	_ =	shalt  }
0x58: {  	_ =	shalt  }
0x59: {  	_ =	shalt  }
0x5a: {  	_ =	shalt  }
0x5b: {  	_ =	shalt  }
0x5c: {  	_ =	shalt  }
0x5d: {  	_ =	shalt  }
0x5e: {  	_ =	shalt  }
0x5f: {  	_ =	shalt  }
0x60: {  	_ =	shalt  }
0x61: {  	_ =	shalt  }
0x62: {  	_ =	shalt  }
0x63: {  	_ =	shalt  }
0x64: {  	_ =	shalt  }
0x65: {  	_ =	shalt  }
0x66: {  	_ =	shalt  }
0x67: {  	_ =	shalt  }
0x68: {  	_ =	shalt  }
0x69: {  	_ =	shalt  }
0x6a: {  	_ =	shalt  }
0x6b: {  	_ =	shalt  }
0x6c: {  	_ =	shalt  }
0x6d: {  	_ =	shalt  }
0x6e: {  	_ =	shalt  }
0x6f: {  	_ =	shalt  }
0x70: {  	_ =	shalt  }
0x71: {  	_ =	shalt  }
0x72: {  	_ =	shalt  }
0x73: {  	_ =	shalt  }
0x74: {  	_ =	shalt  }
0x75: {  	_ =	shalt  }
0x76: {  	_ =	shalt  }
0x77: {  	_ =	shalt  }
0x78: {  	_ =	shalt  }
0x79: {  	_ =	shalt  }
0x7a: {  	_ =	shalt  }
0x7b: {  	_ =	shalt  }
0x7c: {  	_ =	shalt  }
0x7d: {  	_ =	shalt  }
0x7e: {  	_ =	shalt  }
0x7f: {  	_ =	shalt  }
0x80: {  	_ =	shalt  }
0x81: {  	_ =	shalt  }
0x82: {  	_ =	shalt  }
0x83: {  	_ =	shalt  }
0x84: {  	_ =	shalt  }
0x85: {  	_ =	shalt  }
0x86: {  	_ =	shalt  }
0x87: {  	_ =	shalt  }
.Lfunc_end0:
.L_simem_size_0:
called_computation.3_lowered:
.L_overlay_start_0:
0x88: {  	s2 =	sld [smem:$0x3FD9]  }
0x89: {  	s3 =	sld [smem:$0x3FFE];
	_ =	sdelay $0x1  }
0x8a: {  	s1 =	srdreg.scid  }
0x8b: {  	s0 =	sand.u32 $0x1, s1  }
0x8c: {  	s17 =	sshll.u32 s0, $0xA;
	s2 =	sadd.s32 s3, s2  }
0x8d: {  	s2 =	sadd.s32 s2, s17  }
0x8e: {  	[smem:$0x3FAF] =	sst s2  }
0x8f: {  	_ = 	snop  }
0x90: {  	s2 =	sld [smem:$0x3FD0];
	(tm) =	ssettm $0x1  }
0x91: {  	s18 =	sld [smem:$0x3FFB];
	_ =	sdelay $0x3  }
0x92: {  	_ =	strace s18  }
0x93: {  	s3 =	sld [smem:$0x3FFC];
	_ =	sdelay $0x3  }
0x94: {  	_ =	strace s3  }
0x95: {  	s3 =	sld [smem:$0x3FFD];
	_ =	sdelay $0x3  }
0x96: {  	_ =	strace s3  }
0x97: {  	_ =	strace $0x8FFFFFFF  }
0x98: {  	s19 =	sld [smem:$0x3FDB];
	_ =	sdelay $0x1  }
0x99: {  	s4 =	simm.s32 $_scs_section_size  }
0x9a: {  	s5 =	simm.s32 $_size__tile_overlayer_lowered;
	s6 =	simm.s32 $_tile_overlayer_lowered  }
0x9b: {  	s22 =	simm.s32 $0x1BFF;
	s21 =	sshll.u32 s6, $0x1;
	s3 =	sadd.s32 s4, s19  }
0x9c: {  	s7 =	simm.s32 $0x0;
	s20 =	sshll.u32 s5, $0x1;
	s5 =	sadd.s32 s21, s3  }
0x9d: {  	[timem:s7], [sflag:s22] =	dma.local [hbm:s5], s20  }
0x9e: {  	_ =	swait.ge [sflag:s22], s20  }
0x9f: {  	s4 =	ssub.s32 $0x0, s20;
	[sflag:s22] =	ssyncset.done $0x0  }
0xa0: {  	[sflag:s22] =	ssyncadd.s32 s4;
	_ =	sdelay $0x1  }
0xa1: {  	s23 =	simm.s32 $0x1B8B  }
0xa2: {  	_ =	swait.ge [sflag:s23], $0x1  }
0xa3: {  	[sflag:s23] =	ssyncset.done $0x0  }
0xa4: {  	s25 =	simm.s32 $0x1B8E;
	s24 =	sld [smem:$0x3FFE];
	[sflag:s23] =	ssyncadd.s32 $0xFFFFFFFF  }
0xa5: {  	s26 =	simm.s32 $execute0_lowered;
	[smem:$0x3FD2] =	sst s25  }
0xa6: {  	s5 =	sshll.u32 s26, $0x1;
	_ =	strace $0x8000004F;
	[dreg:$0x1] =	wrdreg $0xFFFFFFFF  }
0xa7: {  	s28 =	simm.s32 $_size_execute0_lowered;
	s3 =	sadd.s32 s3, s5;
	[dreg:$0x0] =	wrdreg $0x0  }
0xa8: {  	s5 =	sshll.u32 s28, $0x1;
	[dreg:$0x2] =	wrdreg s3  }
0xa9: {  	[dreg:$0x3] =	wrdreg s5  }
0xaa: {  	[dreg:$0x4] =	wrdreg $0xC0  }
0xab: {  	_ =	task [dreg:s7], $0x5FFFF  }
0xac: {  	[dreg:$0x1] =	wrdreg $0xFFFFFFFF  }
0xad: {  	[dreg:$0x0] =	wrdreg $0x60  }
0xae: {  	[dreg:$0x2] =	wrdreg s24  }
0xaf: {  	[dreg:$0x3] =	wrdreg s2  }
0xb0: {  	[dreg:$0x4] =	wrdreg $0x15F900  }
0xb1: {  	[dreg:$0x5] =	wrdreg $0x9  }
0xb2: {  	_ =	task.clear_ibuf [dreg:s7], $0x6FFFF;
	_ =	strace $0x9000004F  }
0xb3: {  	s29 =	simm.s32 $0x9;
	_ =	strace $0x80000051  }
0xb4: {  	_ =	swait.ge [sflag:s29], $0x1  }
0xb5: {  	[sflag:s29] =	ssyncadd.s32 $0xFFFFFFFF  }
0xb6: {  	_ =	strace $0x90000051  }
0xb7: {  	_ =	sfence  }
0xb8: {  	s30 =	sld [smem:$0x0];
	_ =	sdelay $0x2  }
0xb9: {  	s31 =	sshll.u32 s1, $0xD;
	s1 =	sshrl.u32 s1, $0x2  }
0xba: {  	s3 =	sand.u32 $0x4000, s31;
	s1 =	sadd.s32 s1, s30  }
0xbb: {  	s0 =	sor.u32 s3, s0;
	s1 =	sshll.u32 s1, $0x11  }
0xbc: {  	s0 =	sor.u32 s1, s0  }
0xbd: {  	s0 =	sadd.s32 $0x8F2B, s0  }
0xbe: {  	[sflag:s0] =	ssyncadd.remote.s32 $0x1  }
0xbf: {  	_ =	sfence.sel $0xFFFF  }
0xc0: {  	[dreg:$0x0] =	wrdreg $0xFFFFFFFF;
	(pc) =	sbr.abs _section_cstart, $3  }
0xc1: {  	[dreg:$0x1] =	wrdreg $0xFFFFFFFF  }
0xc2: {  	_ =	task.clear_ibuf [dreg:s7], $0x2FFFF;
	_ =	strace $0x9FFFFFFF  }
0xc3: {  	(tm) =	ssettm $0x7FFFFFFF  }
tec
execute0_lowered:
.L_overlay_start_1:
0x0: {  	(tag) =	ssettag $0x1  }
0x1: {  	s3 =	rddreg [dreg:$0x0];
	s0 =	srdreg.scid  }
0x2: {  	s7 =	stileid.u32;
	s4 =	rddreg [dreg:$0x1]  }
0x3: {  	s1 =	rddreg [dreg:$0x2];
	s6 =	sand.u32 $0x1, s0;
	s29 =	sshll.u32 s7, $0x1  }
0x4: {  	s5 =	sor.u32 s6, s29;
	s9 =	smul.u32 $0x13880, s6;
	s6 =	ssub.s32 $0x2, s6  }
0x5: {  	s2 =	simm.s32 $0x0;
	s0 =	rddreg [dreg:$0x3];
	s12 =	sshrl.u32 s6, $0x1  }
0x6: {  	p1 =	por $0x0, $0x0;
	[smem:$0x7FF] =	sst s2;
	s12 =	ssub.s32 s6, s12  }
0x7: {  	s10 =	smul.u32 $0x1388, s7;
	p0 =	sne.s32 s7, $0x0;
	s31 =	smax.u32 s12, $0x1  }
0x8: {  	s7 =	sshll.u32 s7, $0x6;
	_ =	strace $0x80000050;
	s14 =	sadd.s32 $0xFFFFFFFF, s31  }
0x9: {  	s7 =	sor.u32 $0x1C01, s7;
	s8 =	smul.u32 $0x2710, s5;
	p2 =	sne.s32 s14, $0x0  }
.Ltmp0:
0xa: {  	s5 =	sadd.s32 $0x32C00, s3;
	s30 =	sadd.s32 s10, s1;
	(pc) =	sbr.rel @!p2 .LBB2_3-.Ltmp0, $4  }
0xb: {  	s9 =	sadd.s32 s10, s9;
	s11 =	sadd.s32 s8, s3;
	s8 =	sshrl.u32 s8, $0x3  }
0xc: {  	s10 =	simm.s32 $0x2710;
	s9 =	sshrl.u32 s9, $0x3;
	s3 =	sadd.s32 s3, s8  }
0xd: {  	s6 =	sadd.s32 $0x48E00, s11;
	s11 =	sshrl.u32 @!p0 s1, $0x3;
	s8 =	sadd.s32 $0x3F040, s3  }
0xe: {  	s3 =	sadd.s32 s4, s9;
	s4 =	simm.s32 $0x1;
	s9 =	sshrl.u32 s30, $0x3  }
0xf: {  	s12 =	simm.s32 @!p0 $0x1C01;
	s13 =	simm.s32 @!p0 $0x1  }
0x10: {  	[spmem:s11], [sflag:s12] =	dma.local @!p0 [hbm:s5], $0x2710  }
0x11: {  	_ =	swait.ge @!p0 [sflag:s13], $0x2710  }
0x12: {  	[sflag:s13] =	ssyncset.done @!p0 $0x0  }
0x13: {  	[sflag:s13] =	ssyncadd.s32 @!p0 $0xFFFFD8F0  }
0x14: {  	[bflag:$0x0] =	sbarrier.arrive $0xFFFF  }
0x15: {  	[tilespmem:s2], [sflag:$0x1] =	stream.linear.gather [hbm4b:s8+s2], $0x2710, $0x38;
	[tilespmem:$0x17318] =	vst v63  }
0x16: {  	_ =	swait.ge [sflag:s4], $0x2710  }
0x17: {  	[sflag:s4] =	ssyncset.done $0x0  }
0x18: {  	[sflag:s4] =	ssyncadd.s32 $0xFFFFD8F0  }
0x19: {  	[tilespmem:s10], [sflag:$0x1] =	stream.linear.gather [hbm4b:s6+s2], $0x13880, $0x38;
	[tilespmem:$0x17318] =	vst v63  }
0x1a: {  	_ =	swait.ge [sflag:s4], $0x13880  }
0x1b: {  	[sflag:s4] =	ssyncset.done $0x0  }
0x1c: {  	[sflag:s4] =	ssyncadd.s32 $0xFFFEC780  }
0x1d: {  	[spmem:s1] =	stream.indirect.scatter.add.f32 [tilespmem:s10], [sflag:$0x1], $0x8, s2, s10, $0xb8;
	[tilespmem:$0x17318] =	vst v63  }
0x1e: {  	s14 =	sadd.s32 $0xFFFFFFFF, s14;
	_ =	swait.ge [sflag:s4], $0x13880  }
0x1f: {  	p2 =	sne.s32 s14, $0x0;
	[sflag:s4] =	ssyncset.done $0x0  }
.Ltmp1:
0x20: {  	[sflag:s4] =	ssyncadd.s32 $0xFFFEC780;
	(pc) =	sbr.rel @!p2 .LBB2_3-.Ltmp1, $4  }
0x21: {  	[bflag:$0x0] =	sbarrier.arrive $0xFFFF  }
0x22: {  	[hbm:s3], [sflag:s7] =	dma.local [spmem:s9], $0x271  }
0x23: {  	_ =	swait.ge [sflag:s4], $0x271  }
0x24: {  	p1 =	por $0x1, $0x1;
	[sflag:s4] =	ssyncset.done $0x0  }
.LBB2_2:
0x25: {  	[sflag:s4] =	ssyncadd.s32 $0xFFFFFD8F  }
0x26: {  	[spmem:s11], [sflag:s12] =	dma.local @!p0 [hbm:s5], $0x2710  }
0x27: {  	s14 =	sadd.s32 $0xFFFFFFFF, s14;
	_ =	swait.ge @!p0 [sflag:s13], $0x2710  }
0x28: {  	p2 =	sne.s32 s14, $0x0;
	[sflag:s13] =	ssyncset.done @!p0 $0x0  }
0x29: {  	[sflag:s13] =	ssyncadd.s32 @!p0 $0xFFFFD8F0  }
0x2a: {  	[bflag:$0x0] =	sbarrier.arrive $0xFFFF  }
0x2b: {  	[tilespmem:s2], [sflag:$0x1] =	stream.linear.gather [hbm4b:s8+s2], $0x2710, $0x38;
	[tilespmem:$0x17318] =	vst v63  }
0x2c: {  	_ =	swait.ge [sflag:s4], $0x2710  }
0x2d: {  	[sflag:s4] =	ssyncset.done $0x0  }
0x2e: {  	[sflag:s4] =	ssyncadd.s32 $0xFFFFD8F0  }
0x2f: {  	[tilespmem:s10], [sflag:$0x1] =	stream.linear.gather [hbm4b:s6+s2], $0x13880, $0x38;
	[tilespmem:$0x17318] =	vst v63  }
0x30: {  	_ =	swait.ge [sflag:s4], $0x13880  }
0x31: {  	[sflag:s4] =	ssyncset.done $0x0  }
0x32: {  	[sflag:s4] =	ssyncadd.s32 $0xFFFEC780  }
0x33: {  	[spmem:s1] =	stream.indirect.scatter.add.f32 [tilespmem:s10], [sflag:$0x1], $0x8, s2, s10, $0xb8;
	[tilespmem:$0x17318] =	vst v63  }
0x34: {  	_ =	swait.ge [sflag:s4], $0x13880  }
0x35: {  	[sflag:s4] =	ssyncset.done $0x0  }
.Ltmp2:
0x36: {  	[sflag:s4] =	ssyncadd.s32 $0xFFFEC780;
	(pc) =	sbr.rel @p2 .LBB2_2-.Ltmp2, $4  }
0x37: {  	[bflag:$0x0] =	sbarrier.arrive $0xFFFF  }
0x38: {  	[hbm:s3], [sflag:s7] =	dma.local [spmem:s9], $0x271  }
0x39: {  	_ =	swait.ge [sflag:s4], $0x271  }
0x3a: {  	[sflag:s4] =	ssyncset.done $0x0  }
.LBB2_3:
0x3b: {  	s12 =	simm.s32 @!p0 $0x1C01;
	s13 =	simm.s32 @!p0 $0x1;
	[sflag:s4] =	ssyncadd.s32 @p1 $0xFFFFFD8F  }
0x3c: {  	[spmem:s11], [sflag:s12] =	dma.local @!p0 [hbm:s5], $0x2710  }
0x3d: {  	_ =	swait.ge @!p0 [sflag:s13], $0x2710  }
0x3e: {  	[sflag:s13] =	ssyncset.done @!p0 $0x0  }
0x3f: {  	[sflag:s13] =	ssyncadd.s32 @!p0 $0xFFFFD8F0  }
0x40: {  	[bflag:$0x0] =	sbarrier.arrive $0xFFFF  }
0x41: {  	[tilespmem:s2], [sflag:$0x1] =	stream.linear.gather [hbm4b:s8+s2], $0x2710, $0x38;
	[tilespmem:$0x17318] =	vst v63  }
0x42: {  	_ =	swait.ge [sflag:s4], $0x2710  }
0x43: {  	[sflag:s4] =	ssyncset.done $0x0  }
0x44: {  	[sflag:s4] =	ssyncadd.s32 $0xFFFFD8F0  }
0x45: {  	[tilespmem:s10], [sflag:$0x1] =	stream.linear.gather [hbm4b:s6+s2], $0x13880, $0x38;
	[tilespmem:$0x17318] =	vst v63  }
0x46: {  	_ =	swait.ge [sflag:s4], $0x13880  }
0x47: {  	[sflag:s4] =	ssyncset.done $0x0  }
0x48: {  	[sflag:s4] =	ssyncadd.s32 $0xFFFEC780  }
0x49: {  	[spmem:s1] =	stream.indirect.scatter.add.f32 [tilespmem:s10], [sflag:$0x1], $0x8, s2, s10, $0xb8;
	[tilespmem:$0x17318] =	vst v63  }
0x4a: {  	_ =	swait.ge [sflag:s4], $0x13880  }
0x4b: {  	[sflag:s4] =	ssyncset.done $0x0  }
0x4c: {  	[sflag:s4] =	ssyncadd.s32 $0xFFFEC780  }
0x4d: {  	[bflag:$0x0] =	sbarrier.arrive $0xFFFF  }
0x4e: {  	[hbm:s3], [sflag:s7] =	dma.local [spmem:s9], $0x271  }
0x4f: {  	_ =	swait.ge [sflag:s4], $0x271  }
0x50: {  	[sflag:s4] =	ssyncset.done $0x0  }
0x51: {  	[sflag:s4] =	ssyncadd.s32 $0xFFFFFD8F  }
0x52: {  	_ =	sfence.sel $0x180000  }
0x53: {  	[bflag:$0x0] =	sbarrier.arrive $0xFFFF  }
0x54: {  	_ =	strace $0x90000050  }
0x55: {  	s0 =	sadd.s32 @!p0 $0x100000, s0;
	[bflag:$0x2] =	sbarrier.arrive $0xFFFF  }
0x56: {  	[sflag:s0] =	ssyncadd.tile.s32 @!p0 $0x1;
	_ =	shalt  }
.Lfunc_end2:
_tile_overlayer_lowered:
.L_overlay_start_2:
0x57: {  	(tag) =	ssettag $0x2  }
0x58: {  	s0 =	rddreg [dreg:$0x0];
	s2 =	stileid.u32  }
0x59: {  	s1 =	rddreg [dreg:$0x1];
	p0 =	sne.s32 s2, $0x0  }
0x5a: {  	s3 =	rddreg [dreg:$0x2];
	[bflag:$0x3] =	sbarrier.arrive $0xFFFF;
	s2 =	simm.s32 @!p0 $0x1C01  }
0x5b: {  	[timem:s3], [sflag:s2] =	dma.local @!p0 [hbm:s0], s1  }
0x5c: {  	s0 =	simm.s32 @!p0 $0x1  }
0x5d: {  	_ =	swait.ge @!p0 [sflag:s0], s1  }
0x5e: {  	s1 =	ssub.s32 @!p0 $0x0, s1;
	[sflag:s0] =	ssyncset.done @!p0 $0x0  }
0x5f: {  	[sflag:s0] =	ssyncadd.s32 @!p0 s1  }
0x60: {  	[bflag:$0x3] =	sbarrier.arrive $0xFFFF  }
0x61: {  	_ =	shalt  }

// kernel: kernel.27.cloned.1.call-start
scs
__scs_entry_jumppad:
0x0: {  	(pc) =	sbr.rel $0x88, $3  }
0x1: {  	(tag) =	ssettag $0x0;
	lr =	simm.s32 $0x1  }
0x2: {  	[smem:$0x3F88] =	sst lr;
	_ =	strace $0xD0000000  }
0x3: {  	_ = 	snop  }
0x4: {  	_ = 	snop  }
0x5: {  	_ = 	snop  }
0x6: {  	_ = 	snop  }
0x7: {  	_ = 	snop  }
__scs_overlays_trampoline_lowered:
0x8: {  	[smem:$0x3F97] =	sst s0  }
0x9: {  	[smem:$0x3F98] =	sst s1  }
0xa: {  	[smem:$0x3F99] =	sst s2  }
0xb: {  	[smem:$0x3F9A] =	sst s3  }
0xc: {  	[smem:$0x3F9B] =	sst s4  }
0xd: {  	[smem:$0x3F9C] =	sst s5  }
0xe: {  	[smem:$0x3F9D] =	sst s6  }
0xf: {  	[smem:$0x3F9E] =	sst s7  }
0x10: {  	[smem:$0x3F9F] =	sst s8  }
0x11: {  	[smem:$0x3FA0] =	sst s9;
	s0 =	simm.s32 @!p0 $0x0  }
0x12: {  	s1 =	sld [smem:$0x3F86];
	s0 =	simm.s32 @p0 $0x1  }
0x13: {  	[smem:$0x3FA1] =	sst s0;
	s0 =	simm.s32 @!p1 $0x0  }
0x14: {  	s2 =	sld [smem:$0x3F85];
	s0 =	simm.s32 @p1 $0x1  }
0x15: {  	[smem:$0x3FA2] =	sst s0;
	s0 =	simm.s32 @!p2 $0x0  }
0x16: {  	s3 =	sld [smem:$0x3FDB];
	s0 =	simm.s32 @p2 $0x1  }
0x17: {  	s4 =	simm.s32 $0x1BF5;
	[smem:$0x3FA4] =	sst s0  }
0x18: {  	s0 =	sld [smem:$0x3F87];
	_ =	swait.ge [sflag:s4], $0x0  }
0x19: {  	s7 =	sld [smem:$0x3F88]  }
0x1a: {  	s8 =	sadd.s32 $0xFFFFE003, lr  }
0x1b: {  	s9 =	sadd.s32 $0xFFFFFEF7, lr;
	s5 =	simm.s32 $0xFFFFFFFF;
	p2 =	slt.u32 s8, $0xFFFFF086  }
0x1c: {  	p1 =	slt.u32 s9, $0xF7A;
	s5 =	simm.s32 @!p2 $0x0  }
0x1d: {  	s5 =	simm.s32 @p1 $0x1;
	p0 =	seq.s32 s7, s2  }
0x1e: {  	s7 =	smul.u32 @!p0 $0xF7A, s2;
	p2 =	seq.s32 @!p0 s5, $0x0  }
0x1f: {  	s9 =	smul.u32 $0xF7A, s1;
	s8 =	simm.s32 @!p0 $0x1BF5;
	p2 =	por !p2, p0  }
0x20: {  	[sflag:s8] =	ssyncset.s32 @!p0 $0xFFFFF086;
	s6 =	sadd.s32 @!p0 s3, s7;
	s7 =	simm.s32 @!p0 $0x108  }
0x21: {  	s3 =	sadd.s32 s3, s9;
	s6 =	sadd.s32 @!p0 $0x88, s6;
	s7 =	simm.s32 @p2 $0x1082  }
0x22: {  	[simem:s7], [sflag:s8] =	dma.local @!p0 [hbm:s6], $0xF7A  }
0x23: {  	s9 =	sor.u32 $0xD0000000, s2;
	s6 =	simm.s32 $0x108;
	_ =	swait.ge @!p0 [sflag:s8], $0x0  }
0x24: {  	s3 =	sadd.s32 $0x88, s3;
	s6 =	simm.s32 @!p1 $0x1082;
	[sflag:s4] =	ssyncset.s32 $0xFFFFF086  }
0x25: {  	[simem:s6], [sflag:s4] =	dma.local [hbm:s3], $0xF7A  }
0x26: {  	[smem:$0x3F88] =	sst s1;
	(tag) =	ssettag s2;
	_ =	strace s9  }
0x27: {  	s1 =	sld [smem:$0x3F98]  }
0x28: {  	s2 =	sld [smem:$0x3F99]  }
0x29: {  	s4 =	sld [smem:$0x3F9B]  }
0x2a: {  	p0 =	seq.s32 s5, $0x0;
	s5 =	sld [smem:$0x3F9C]  }
0x2b: {  	s6 =	sld [smem:$0x3F9D]  }
0x2c: {  	s7 =	sld [smem:$0x3F9E]  }
0x2d: {  	s3 =	simm.s32 $0x108;
	s8 =	sld [smem:$0x3F9F]  }
0x2e: {  	s3 =	simm.s32 @!p0 $0x1082;
	s9 =	sld [smem:$0x3FA0]  }
0x2f: {  	lr =	sadd.s32 s0, s3;
	s0 =	sld [smem:$0x3F97]  }
0x30: {  	s3 =	sld [smem:$0x3F9A]  }
0x31: {  	[smem:$0x3FA3] =	sst s10  }
0x32: {  	s10 =	sld [smem:$0x3FA1];
	_ =	sdelay $0x3  }
0x33: {  	p0 =	seq.s32 s10, $0x1;
	s10 =	sld [smem:$0x3FA3];
	_ =	sdelay $0x3  }
0x34: {  	[smem:$0x3FA3] =	sst s10  }
0x35: {  	s10 =	sld [smem:$0x3FA2];
	_ =	sdelay $0x3  }
0x36: {  	p1 =	seq.s32 s10, $0x1;
	s10 =	sld [smem:$0x3FA3];
	_ =	sdelay $0x3  }
0x37: {  	[smem:$0x3FA3] =	sst s10  }
0x38: {  	s10 =	sld [smem:$0x3FA4]  }
0x39: {  	_ = 	snop;
	(pc) =	sbr.ind lr, $3  }
0x3a: {  	_ = 	snop  }
0x3b: {  	_ = 	snop  }
0x3c: {  	p2 =	seq.s32 s10, $0x1;
	s10 =	sld [smem:$0x3FA3]  }
0x3d: {  	_ =	shalt  }
0x3e: {  	_ =	shalt  }
0x3f: {  	_ =	shalt  }
0x40: {  	_ =	shalt  }
0x41: {  	_ =	shalt  }
0x42: {  	_ =	shalt  }
0x43: {  	_ =	shalt  }
0x44: {  	_ =	shalt  }
0x45: {  	_ =	shalt  }
0x46: {  	_ =	shalt  }
0x47: {  	_ =	shalt  }
0x48: {  	_ =	shalt  }
0x49: {  	_ =	shalt  }
0x4a: {  	_ =	shalt  }
0x4b: {  	_ =	shalt  }
0x4c: {  	_ =	shalt  }
0x4d: {  	_ =	shalt  }
0x4e: {  	_ =	shalt  }
0x4f: {  	_ =	shalt  }
0x50: {  	_ =	shalt  }
0x51: {  	_ =	shalt  }
0x52: {  	_ =	shalt  }
0x53: {  	_ =	shalt  }
0x54: {  	_ =	shalt  }
0x55: {  	_ =	shalt  }
0x56: {  	_ =	shalt  }
0x57: {  	_ =	shalt  }
0x58: {  	_ =	shalt  }
0x59: {  	_ =	shalt  }
0x5a: {  	_ =	shalt  }
0x5b: {  	_ =	shalt  }
0x5c: {  	_ =	shalt  }
0x5d: {  	_ =	shalt  }
0x5e: {  	_ =	shalt  }
0x5f: {  	_ =	shalt  }
0x60: {  	_ =	shalt  }
0x61: {  	_ =	shalt  }
0x62: {  	_ =	shalt  }
0x63: {  	_ =	shalt  }
0x64: {  	_ =	shalt  }
0x65: {  	_ =	shalt  }
0x66: {  	_ =	shalt  }
0x67: {  	_ =	shalt  }
0x68: {  	_ =	shalt  }
0x69: {  	_ =	shalt  }
0x6a: {  	_ =	shalt  }
0x6b: {  	_ =	shalt  }
0x6c: {  	_ =	shalt  }
0x6d: {  	_ =	shalt  }
0x6e: {  	_ =	shalt  }
0x6f: {  	_ =	shalt  }
0x70: {  	_ =	shalt  }
0x71: {  	_ =	shalt  }
0x72: {  	_ =	shalt  }
0x73: {  	_ =	shalt  }
0x74: {  	_ =	shalt  }
0x75: {  	_ =	shalt  }
0x76: {  	_ =	shalt  }
0x77: {  	_ =	shalt  }
0x78: {  	_ =	shalt  }
0x79: {  	_ =	shalt  }
0x7a: {  	_ =	shalt  }
0x7b: {  	_ =	shalt  }
0x7c: {  	_ =	shalt  }
0x7d: {  	_ =	shalt  }
0x7e: {  	_ =	shalt  }
0x7f: {  	_ =	shalt  }
0x80: {  	_ =	shalt  }
0x81: {  	_ =	shalt  }
0x82: {  	_ =	shalt  }
0x83: {  	_ =	shalt  }
0x84: {  	_ =	shalt  }
0x85: {  	_ =	shalt  }
0x86: {  	_ =	shalt  }
0x87: {  	_ =	shalt  }
.Lfunc_end0:
.L_simem_size_0:
called_computation.4_lowered:
.L_overlay_start_0:
0x88: {  	s2 =	sld [smem:$0x3FD9]  }
0x89: {  	s3 =	sld [smem:$0x3FFE];
	_ =	sdelay $0x1  }
0x8a: {  	s1 =	srdreg.scid  }
0x8b: {  	s0 =	sand.u32 $0x1, s1  }
0x8c: {  	s17 =	sshll.u32 s0, $0xA;
	s2 =	sadd.s32 s3, s2  }
0x8d: {  	s2 =	sadd.s32 s2, s17  }
0x8e: {  	[smem:$0x3FAF] =	sst s2  }
0x8f: {  	_ = 	snop  }
0x90: {  	s2 =	sld [smem:$0x3FD0];
	(tm) =	ssettm $0x1  }
0x91: {  	s18 =	sld [smem:$0x3FFB];
	_ =	sdelay $0x3  }
0x92: {  	_ =	strace s18  }
0x93: {  	s3 =	sld [smem:$0x3FFC];
	_ =	sdelay $0x3  }
0x94: {  	_ =	strace s3  }
0x95: {  	s3 =	sld [smem:$0x3FFD];
	_ =	sdelay $0x3  }
0x96: {  	_ =	strace s3  }
0x97: {  	_ =	strace $0x8FFFFFFF  }
0x98: {  	s19 =	sld [smem:$0x3FDB];
	_ =	sdelay $0x1  }
0x99: {  	s4 =	simm.s32 $_scs_section_size  }
0x9a: {  	s5 =	simm.s32 $_size__tile_overlayer_lowered;
	s6 =	simm.s32 $_tile_overlayer_lowered  }
0x9b: {  	s22 =	simm.s32 $0x1BFF;
	s21 =	sshll.u32 s6, $0x1;
	s3 =	sadd.s32 s4, s19  }
0x9c: {  	s7 =	simm.s32 $0x0;
	s20 =	sshll.u32 s5, $0x1;
	s5 =	sadd.s32 s21, s3  }
0x9d: {  	[timem:s7], [sflag:s22] =	dma.local [hbm:s5], s20  }
0x9e: {  	_ =	swait.ge [sflag:s22], s20  }
0x9f: {  	s4 =	ssub.s32 $0x0, s20;
	[sflag:s22] =	ssyncset.done $0x0  }
0xa0: {  	[sflag:s22] =	ssyncadd.s32 s4;
	_ =	sdelay $0x1  }
0xa1: {  	s23 =	simm.s32 $0x1B8B  }
0xa2: {  	_ =	swait.ge [sflag:s23], $0x1  }
0xa3: {  	[sflag:s23] =	ssyncset.done $0x0  }
0xa4: {  	s25 =	simm.s32 $0x1B8E;
	s24 =	sld [smem:$0x3FFE];
	[sflag:s23] =	ssyncadd.s32 $0xFFFFFFFF  }
0xa5: {  	s26 =	simm.s32 $execute0_lowered;
	[smem:$0x3FD2] =	sst s25  }
0xa6: {  	s5 =	sshll.u32 s26, $0x1;
	_ =	strace $0x80000052;
	[dreg:$0x1] =	wrdreg $0xFFFFFFFF  }
0xa7: {  	s28 =	simm.s32 $_size_execute0_lowered;
	s3 =	sadd.s32 s3, s5;
	[dreg:$0x0] =	wrdreg $0x0  }
0xa8: {  	s5 =	sshll.u32 s28, $0x1;
	[dreg:$0x2] =	wrdreg s3  }
0xa9: {  	[dreg:$0x3] =	wrdreg s5  }
0xaa: {  	[dreg:$0x4] =	wrdreg $0xC0  }
0xab: {  	_ =	task [dreg:s7], $0x5FFFF  }
0xac: {  	[dreg:$0x1] =	wrdreg $0xFFFFFFFF  }
0xad: {  	[dreg:$0x0] =	wrdreg $0x60  }
0xae: {  	[dreg:$0x2] =	wrdreg s2  }
0xaf: {  	[dreg:$0x3] =	wrdreg s24  }
0xb0: {  	[dreg:$0x4] =	wrdreg $0x9  }
0xb1: {  	_ =	task.clear_ibuf [dreg:s7], $0x5FFFF;
	_ =	strace $0x90000052  }
0xb2: {  	s29 =	simm.s32 $0x9;
	_ =	strace $0x80000054  }
0xb3: {  	_ =	swait.ge [sflag:s29], $0x1  }
0xb4: {  	[sflag:s29] =	ssyncadd.s32 $0xFFFFFFFF  }
0xb5: {  	_ =	strace $0x90000054  }
0xb6: {  	_ =	sfence  }
0xb7: {  	s30 =	sld [smem:$0x0];
	_ =	sdelay $0x2  }
0xb8: {  	s31 =	sshll.u32 s1, $0xD;
	s1 =	sshrl.u32 s1, $0x2  }
0xb9: {  	s3 =	sand.u32 $0x4000, s31;
	s1 =	sadd.s32 s1, s30  }
0xba: {  	s0 =	sor.u32 s3, s0;
	s1 =	sshll.u32 s1, $0x11  }
0xbb: {  	s0 =	sor.u32 s1, s0  }
0xbc: {  	s0 =	sadd.s32 $0x8F2B, s0  }
0xbd: {  	[sflag:s0] =	ssyncadd.remote.s32 $0x1  }
0xbe: {  	_ =	sfence.sel $0xFFFF  }
0xbf: {  	[dreg:$0x0] =	wrdreg $0xFFFFFFFF;
	(pc) =	sbr.abs _section_cstart, $3  }
0xc0: {  	[dreg:$0x1] =	wrdreg $0xFFFFFFFF  }
0xc1: {  	_ =	task.clear_ibuf [dreg:s7], $0x2FFFF;
	_ =	strace $0x9FFFFFFF  }
0xc2: {  	(tm) =	ssettm $0x7FFFFFFF  }
0xc3: {  	_ =	shalt  }
tec
execute0_lowered:
.L_overlay_start_1:
0x0: {  	(tag) =	ssettag $0x1  }
0x1: {  	s1 =	srdreg.scid;
	s0 =	stileid.u32  }
0x2: {  	s17 =	sand.u32 $0x1, s1;
	s29 =	sshll.u32 s0, $0x1  }
0x3: {  	s1 =	sor.u32 s17, s29  }
0x4: {  	s2 =	rddreg [dreg:$0x0];
	s18 =	smul.u32 $0x2710, s1  }
0x5: {  	s16 =	rddreg [dreg:$0x1]  }
0x6: {  	s3 =	simm.s32 $0x0;
	s15 =	sadd.s32 $0x35400, s16;
	s4 =	sshrl.u32 s18, $0x3  }
0x7: {  	s5 =	simm.s32 $0x3;
	[smem:$0x7FF] =	sst s3;
	s4 =	sadd.s32 s15, s4  }
0x8: {  	s1 =	rddreg [dreg:$0x2];
	_ =	strace $0x80000053;
	s6 =	sadd.s32 $0x9C40, s4  }
0x9: {  	[tilespmem:s3], [sflag:$0x3] =	stream.linear.gather [hbm4b:s6+s3], $0x1388, $0x38;
	[tilespmem:$0x15F90] =	vst v63  }
0xa: {  	_ =	swait.ge [sflag:s5], $0x1388  }
0xb: {  	s8 =	simm.s32 $0x2710;
	s7 =	sadd.s32 $0x4F588, s18;
	[sflag:s5] =	ssyncset.done $0x0  }
0xc: {  	s9 =	sshrl.u32 s7, $0x3;
	s7 =	simm.s32 $0x1388;
	[sflag:s5] =	ssyncadd.s32 $0xFFFFEC78  }
0xd: {  	[tilespmem:s8], [sflag:$0x1] =	stream.indirect.gather [hbm4b:s2+s7], $0x8, s3, s7, $0xb8;
	[tilespmem:$0x15F90] =	vst v63  }
0xe: {  	s9 =	sadd.s32 s15, s9  }
0xf: {  	[tilespmem:s7], [sflag:$0x3] =	stream.linear.gather [hbm4b:s9+s3], $0x1388, $0x38;
	[tilespmem:$0x15F90] =	vst v63  }
0x10: {  	_ =	swait.ge [sflag:s5], $0x1388  }
0x11: {  	[sflag:s5] =	ssyncset.done $0x0  }
0x12: {  	s10 =	simm.s32 $0xC350;
	s11 =	simm.s32 $0x1;
	[sflag:s5] =	ssyncadd.s32 $0xFFFFEC78  }
0x13: {  	[tilespmem:s10], [sflag:$0x2] =	stream.indirect.gather [hbm4b:s2+s7], $0x8, s7, s7, $0xb8;
	[tilespmem:$0x15F90] =	vst v63  }
0x14: {  	_ =	swait.ge [sflag:s11], $0x9C40  }
0x15: {  	s14 =	sadd.s32 $0x48E00, s16;
	[sflag:s11] =	ssyncset.done $0x0  }
0x16: {  	s12 =	sadd.s32 s14, s18;
	[sflag:s11] =	ssyncadd.s32 $0xFFFF63C0  }
0x17: {  	[hbm4b:s12+s3] =	stream.linear.scatter [tilespmem:s8], [sflag:$0x3], $0x9C40, $0x38;
	[tilespmem:$0x15F90] =	vst v63  }
0x18: {  	_ =	swait.ge [sflag:s5], $0x9C40  }
0x19: {  	[sflag:s5] =	ssyncset.done $0x0  }
0x1a: {  	[sflag:s5] =	ssyncadd.s32 $0xFFFF63C0  }
0x1b: {  	[tilespmem:s3], [sflag:$0x3] =	stream.linear.gather [hbm4b:s4+s3], $0x1388, $0x38;
	[tilespmem:$0x15F90] =	vst v63  }
0x1c: {  	_ =	swait.ge [sflag:s5], $0x1388  }
0x1d: {  	[sflag:s5] =	ssyncset.done $0x0  }
0x1e: {  	s13 =	simm.s32 $0x2;
	[sflag:s5] =	ssyncadd.s32 $0xFFFFEC78  }
0x1f: {  	[tilespmem:s8], [sflag:$0x1] =	stream.indirect.gather [hbm4b:s2+s7], $0x8, s3, s7, $0xb8;
	[tilespmem:$0x15F90] =	vst v63  }
0x20: {  	_ =	swait.ge [sflag:s13], $0x9C40  }
0x21: {  	s19 =	sadd.s32 $0x1388, s18;
	[sflag:s13] =	ssyncset.done $0x0  }
0x22: {  	s14 =	sadd.s32 s14, s19;
	[sflag:s13] =	ssyncadd.s32 $0xFFFF63C0  }
0x23: {  	[hbm4b:s14+s3] =	stream.linear.scatter [tilespmem:s10], [sflag:$0x3], $0x9C40, $0x38;
	[tilespmem:$0x15F90] =	vst v63  }
0x24: {  	_ =	swait.ge [sflag:s5], $0x9C40  }
0x25: {  	s20 =	sshrl.u32 s19, $0x3;
	[sflag:s5] =	ssyncset.done $0x0  }
0x26: {  	s15 =	sadd.s32 s15, s20;
	[sflag:s5] =	ssyncadd.s32 $0xFFFF63C0  }
0x27: {  	[tilespmem:s7], [sflag:$0x3] =	stream.linear.gather [hbm4b:s15+s3], $0x1388, $0x38;
	[tilespmem:$0x15F90] =	vst v63  }
0x28: {  	_ =	swait.ge [sflag:s5], $0x1388  }
0x29: {  	[sflag:s5] =	ssyncset.done $0x0  }
0x2a: {  	[sflag:s5] =	ssyncadd.s32 $0xFFFFEC78  }
0x2b: {  	[tilespmem:s10], [sflag:$0x2] =	stream.indirect.gather [hbm4b:s2+s7], $0x8, s7, s7, $0xb8;
	[tilespmem:$0x15F90] =	vst v63  }
0x2c: {  	_ =	swait.ge [sflag:s11], $0x9C40  }
0x2d: {  	s30 =	sadd.s32 $0x97000, s16;
	[sflag:s11] =	ssyncset.done $0x0  }
0x2e: {  	s17 =	ssub.s32 $0x2, s17;
	s16 =	sadd.s32 s30, s18;
	[sflag:s11] =	ssyncadd.s32 $0xFFFF63C0  }
0x2f: {  	[hbm4b:s16+s3] =	stream.linear.scatter [tilespmem:s8], [sflag:$0x3], $0x9C40, $0x38;
	[tilespmem:$0x15F90] =	vst v63  }
0x30: {  	s31 =	sshrl.u32 s17, $0x1;
	_ =	swait.ge [sflag:s5], $0x9C40  }
0x31: {  	s18 =	ssub.s32 s17, s31;
	[sflag:s5] =	ssyncset.done $0x0  }
0x32: {  	s18 =	smax.u32 s18, $0x1;
	[sflag:s5] =	ssyncadd.s32 $0xFFFF63C0  }
0x33: {  	p0 =	sne.s32 s18, $0x1;
	_ =	swait.ge [sflag:s13], $0x9C40  }
.Ltmp0:
0x34: {  	[sflag:s13] =	ssyncset.done $0x0;
	(pc) =	sbr.rel @!p0 .LBB2_2-.Ltmp0, $4  }
0x35: {  	s17 =	sadd.s32 s30, s19;
	[sflag:s13] =	ssyncadd.s32 $0xFFFF63C0  }
0x36: {  	[hbm4b:s17+s3] =	stream.linear.scatter [tilespmem:s10], [sflag:$0x3], $0x9C40, $0x38;
	[tilespmem:$0x15F90] =	vst v63  }
0x37: {  	_ =	swait.ge [sflag:s5], $0x9C40  }
0x38: {  	s18 =	sadd.s32 $0xFFFFFFFF, s18;
	[sflag:s5] =	ssyncset.done $0x0  }
.LBB2_1:
0x39: {  	p0 =	sne.s32 s18, $0x1;
	s18 =	sadd.s32 $0xFFFFFFFF, s18;
	[sflag:s5] =	ssyncadd.s32 $0xFFFF63C0  }
0x3a: {  	[tilespmem:s3], [sflag:$0x3] =	stream.linear.gather [hbm4b:s6+s3], $0x1388, $0x38;
	[tilespmem:$0x15F90] =	vst v63  }
0x3b: {  	_ =	swait.ge [sflag:s5], $0x1388  }
0x3c: {  	[sflag:s5] =	ssyncset.done $0x0  }
0x3d: {  	[sflag:s5] =	ssyncadd.s32 $0xFFFFEC78  }
0x3e: {  	[tilespmem:s8], [sflag:$0x1] =	stream.indirect.gather [hbm4b:s2+s7], $0x8, s3, s7, $0xb8;
	[tilespmem:$0x15F90] =	vst v63  }
0x3f: {  	_ = 	snop  }
0x40: {  	[tilespmem:s7], [sflag:$0x3] =	stream.linear.gather [hbm4b:s9+s3], $0x1388, $0x38;
	[tilespmem:$0x15F90] =	vst v63  }
0x41: {  	_ =	swait.ge [sflag:s5], $0x1388  }
0x42: {  	[sflag:s5] =	ssyncset.done $0x0  }
0x43: {  	[sflag:s5] =	ssyncadd.s32 $0xFFFFEC78  }
0x44: {  	[tilespmem:s10], [sflag:$0x2] =	stream.indirect.gather [hbm4b:s2+s7], $0x8, s7, s7, $0xb8;
	[tilespmem:$0x15F90] =	vst v63  }
0x45: {  	_ =	swait.ge [sflag:s11], $0x9C40  }
0x46: {  	[sflag:s11] =	ssyncset.done $0x0  }
0x47: {  	[sflag:s11] =	ssyncadd.s32 $0xFFFF63C0  }
0x48: {  	[hbm4b:s12+s3] =	stream.linear.scatter [tilespmem:s8], [sflag:$0x3], $0x9C40, $0x38;
	[tilespmem:$0x15F90] =	vst v63  }
0x49: {  	_ =	swait.ge [sflag:s5], $0x9C40  }
0x4a: {  	[sflag:s5] =	ssyncset.done $0x0  }
0x4b: {  	[sflag:s5] =	ssyncadd.s32 $0xFFFF63C0  }
0x4c: {  	[tilespmem:s3], [sflag:$0x3] =	stream.linear.gather [hbm4b:s4+s3], $0x1388, $0x38;
	[tilespmem:$0x15F90] =	vst v63  }
0x4d: {  	_ =	swait.ge [sflag:s5], $0x1388  }
0x4e: {  	[sflag:s5] =	ssyncset.done $0x0  }
0x4f: {  	[sflag:s5] =	ssyncadd.s32 $0xFFFFEC78  }
0x50: {  	[tilespmem:s8], [sflag:$0x1] =	stream.indirect.gather [hbm4b:s2+s7], $0x8, s3, s7, $0xb8;
	[tilespmem:$0x15F90] =	vst v63  }
0x51: {  	_ =	swait.ge [sflag:s13], $0x9C40  }
0x52: {  	[sflag:s13] =	ssyncset.done $0x0  }
0x53: {  	[sflag:s13] =	ssyncadd.s32 $0xFFFF63C0  }
0x54: {  	[hbm4b:s14+s3] =	stream.linear.scatter [tilespmem:s10], [sflag:$0x3], $0x9C40, $0x38;
	[tilespmem:$0x15F90] =	vst v63  }
0x55: {  	_ =	swait.ge [sflag:s5], $0x9C40  }
0x56: {  	[sflag:s5] =	ssyncset.done $0x0  }
0x57: {  	[sflag:s5] =	ssyncadd.s32 $0xFFFF63C0  }
0x58: {  	[tilespmem:s7], [sflag:$0x3] =	stream.linear.gather [hbm4b:s15+s3], $0x1388, $0x38;
	[tilespmem:$0x15F90] =	vst v63  }
0x59: {  	_ =	swait.ge [sflag:s5], $0x1388  }
0x5a: {  	[sflag:s5] =	ssyncset.done $0x0  }
0x5b: {  	[sflag:s5] =	ssyncadd.s32 $0xFFFFEC78  }
0x5c: {  	[tilespmem:s10], [sflag:$0x2] =	stream.indirect.gather [hbm4b:s2+s7], $0x8, s7, s7, $0xb8;
	[tilespmem:$0x15F90] =	vst v63  }
0x5d: {  	_ =	swait.ge [sflag:s11], $0x9C40  }
0x5e: {  	[sflag:s11] =	ssyncset.done $0x0  }
0x5f: {  	[sflag:s11] =	ssyncadd.s32 $0xFFFF63C0  }
0x60: {  	[hbm4b:s16+s3] =	stream.linear.scatter [tilespmem:s8], [sflag:$0x3], $0x9C40, $0x38;
	[tilespmem:$0x15F90] =	vst v63  }
0x61: {  	_ =	swait.ge [sflag:s5], $0x9C40  }
0x62: {  	[sflag:s5] =	ssyncset.done $0x0  }
0x63: {  	[sflag:s5] =	ssyncadd.s32 $0xFFFF63C0  }
0x64: {  	_ =	swait.ge [sflag:s13], $0x9C40  }
.Ltmp1:
0x65: {  	[sflag:s13] =	ssyncset.done $0x0;
	(pc) =	sbr.rel @p0 .LBB2_1-.Ltmp1, $4  }
0x66: {  	[sflag:s13] =	ssyncadd.s32 $0xFFFF63C0  }
0x67: {  	[hbm4b:s17+s3] =	stream.linear.scatter [tilespmem:s10], [sflag:$0x3], $0x9C40, $0x38;
	[tilespmem:$0x15F90] =	vst v63  }
0x68: {  	_ =	swait.ge [sflag:s5], $0x9C40  }
0x69: {  	[sflag:s5] =	ssyncset.done $0x0  }
.LBB2_2:
0x6a: {  	[sflag:s5] =	ssyncadd.s32 $0xFFFF63C0  }
0x6b: {  	_ =	sfence.sel $0x180000  }
0x6c: {  	[bflag:$0x0] =	sbarrier.arrive $0xFFFF  }
0x6d: {  	p0 =	sne.s32 s0, $0x0;
	_ =	strace $0x90000053  }
0x6e: {  	s0 =	sadd.s32 @!p0 $0x100000, s1;
	[bflag:$0x2] =	sbarrier.arrive $0xFFFF  }
0x6f: {  	[sflag:s0] =	ssyncadd.tile.s32 @!p0 $0x1;
	_ =	shalt  }
.Lfunc_end2:
_tile_overlayer_lowered:
.L_overlay_start_2:
0x70: {  	(tag) =	ssettag $0x2  }
0x71: {  	s0 =	rddreg [dreg:$0x0];
	s2 =	stileid.u32  }
0x72: {  	s1 =	rddreg [dreg:$0x1];
	p0 =	sne.s32 s2, $0x0  }
0x73: {  	s3 =	rddreg [dreg:$0x2];
	[bflag:$0x3] =	sbarrier.arrive $0xFFFF;
	s2 =	simm.s32 @!p0 $0x1C03  }
0x74: {  	[timem:s3], [sflag:s2] =	dma.local @!p0 [hbm:s0], s1  }
0x75: {  	s0 =	simm.s32 @!p0 $0x3  }
0x76: {  	_ =	swait.ge @!p0 [sflag:s0], s1  }
0x77: {  	s1 =	ssub.s32 @!p0 $0x0, s1;
	[sflag:s0] =	ssyncset.done @!p0 $0x0  }
0x78: {  	[sflag:s0] =	ssyncadd.s32 @!p0 s1  }
0x79: {  	[bflag:$0x3] =	sbarrier.arrive $0xFFFF  }
0x7a: {  	_ =	shalt  }

</sc_bundles>
